<compile_context>
chip_gen: v7x
topology: tpu7x:2x2x1
jax: 0.10.2.dev20260603
libtpu: 0.0.44.dev20260713+nightly
codegen_flags: <defaults>
</compile_context>

<pallas_src>
import functools
import math

import jax
import jax.numpy as jnp
from jax import lax
from jax.experimental import pallas as pl
from jax.experimental.pallas import tpu as pltpu
from jax.experimental.pallas import tpu_sc as plsc

N = 64
H = 1024
K = 6
L = 4096

NC = 2
NS = 16
NW = NC * NS
S = L // NW
NG = N // 16
F32 = jnp.float32
I32 = jnp.int32


def _tc1_body(x_ref, wm_ref, wp_ref, bre_ref, bim_ref, bm_ref, bp_ref,
              psel_ref, pd_ref, dre_o, dim_o, ure_o, uim_o, pidx_o):
    xb = x_ref[...]
    dn = (((1,), (1,)), ((), ()))
    mag = jax.nn.sigmoid(
        lax.dot_general(xb, wm_ref[...], dn, preferred_element_type=F32)
        + bm_ref[...])
    pha = jax.nn.sigmoid(
        lax.dot_general(xb, wp_ref[...], dn, preferred_element_type=F32)
        + bp_ref[...]) * (2.0 * math.pi)
    shp3 = dre_o.shape
    dre_o[...] = (mag * jnp.cos(pha)).reshape(shp3)
    dim_o[...] = (mag * jnp.sin(pha)).reshape(shp3)
    ure_o[...] = lax.dot_general(xb, bre_ref[...], dn,
                                 preferred_element_type=F32).reshape(shp3)
    uim_o[...] = lax.dot_general(xb, bim_ref[...], dn,
                                 preferred_element_type=F32).reshape(shp3)
    logit = lax.dot_general(xb, psel_ref[...], dn, preferred_element_type=F32)
    m = jnp.max(logit, axis=1, keepdims=True)
    e = jnp.exp(logit - m)
    sel = e / jnp.sum(e, axis=1, keepdims=True)
    stt = lax.dot_general(pd_ref[...], sel, dn, preferred_element_type=F32)
    st3 = stt.reshape(N, N, stt.shape[-1])
    best = st3[0]
    bidx = jnp.zeros(best.shape, F32)
    for mm in range(1, N):
        v = st3[mm]
        upd = v > best
        best = jnp.where(upd, v, best)
        bidx = jnp.where(upd, float(mm), bidx)
    pidx_o[...] = jnp.transpose(bidx).astype(I32).reshape(pidx_o.shape)


def _tc1(x, W1_mag, W1_pha, B_re, B_im, b1_mag, b1_pha, P_selector, P_dict):
    LB = 1024
    CB = LB // S
    grid = (L // LB,)
    blk = lambda shape: pl.BlockSpec(shape, lambda i: (0, 0))
    out = pl.BlockSpec((CB, S, N), lambda i: (i, 0, 0))
    return pl.pallas_call(
        _tc1_body,
        grid=grid,
        in_specs=[
            pl.BlockSpec((LB, H), lambda i: (i, 0)),
            blk((N, H)), blk((N, H)), blk((N, H)), blk((N, H)),
            blk((1, N)), blk((1, N)), blk((K, H)), blk((N * N, K)),
        ],
        out_specs=[out, out, out, out, out],
        out_shape=[
            jax.ShapeDtypeStruct((NW, S, N), F32),
            jax.ShapeDtypeStruct((NW, S, N), F32),
            jax.ShapeDtypeStruct((NW, S, N), F32),
            jax.ShapeDtypeStruct((NW, S, N), F32),
            jax.ShapeDtypeStruct((NW, S, N), I32),
        ],
    )(x, W1_mag, W1_pha, B_re, B_im, b1_mag, b1_pha, P_selector, P_dict)


def _sc_worker_id():
    return lax.axis_index("s") * NC + lax.axis_index("c")


def _cmul(ar, ai, br, bi):
    return ar * br - ai * bi, ar * bi + ai * br


def _sc_pass1_body(p_hbm, dr_hbm, di_hbm, ur_hbm, ui_hbm,
                   pP_hbm, pDr_hbm, pDi_hbm, hlr_hbm, hli_hbm,
                   cP_hbm, cDr_hbm, cDi_hbm, cBr_hbm, cBi_hbm,
                   p_v, dr_v, di_v, ur_v, ui_v, ar0_v, ai0_v, sem):
    wid = _sc_worker_id()
    cps = [pltpu.async_copy(p_hbm.at[wid], p_v, sem),
           pltpu.async_copy(dr_hbm.at[wid], dr_v, sem),
           pltpu.async_copy(di_hbm.at[wid], di_v, sem),
           pltpu.async_copy(ur_hbm.at[wid], ur_v, sem),
           pltpu.async_copy(ui_hbm.at[wid], ui_v, sem)]
    for c in cps:
        c.wait()

    tr_v, ti_v = ar0_v, ai0_v

    def step(s, carry):
        P, Dr, Di, Br, Bi = carry
        for g in range(NG):
            sl = pl.ds(g * 16, 16)
            tr_v[sl] = ur_v[s, sl]
            ti_v[sl] = ui_v[s, sl]
        for g in range(NG):
            sl = pl.ds(g * 16, 16)
            vr, vi = _cmul(dr_v[s, sl], di_v[s, sl], Br[g], Bi[g])
            idx = p_v[s, sl]
            plsc.addupdate_scatter(tr_v, [idx], vr)
            plsc.addupdate_scatter(ti_v, [idx], vi)
        rowv = jnp.full((16,), s, dtype=I32)
        nP, nDr, nDi = [], [], []
        for g in range(NG):
            pg = P[g]
            pt = plsc.load_gather(p_v, [rowv, pg])
            gr = plsc.load_gather(dr_v, [rowv, pg])
            gi = plsc.load_gather(di_v, [rowv, pg])
            cr, ci = _cmul(gr, gi, Dr[g], Di[g])
            nP.append(pt)
            nDr.append(cr)
            nDi.append(ci)
        nBr, nBi = [], []
        for g in range(NG):
            sl = pl.ds(g * 16, 16)
            br = tr_v[sl]
            bi = ti_v[sl]
            nBr.append(br)
            nBi.append(bi)
            p_v[s, sl] = nP[g]
            dr_v[s, sl] = nDr[g]
            di_v[s, sl] = nDi[g]
            ur_v[s, sl] = br
            ui_v[s, sl] = bi
        return (tuple(nP), tuple(nDr), tuple(nDi), tuple(nBr), tuple(nBi))

    iota = lax.iota(I32, 16)
    one = jnp.ones((16,), F32)
    zero = jnp.zeros((16,), F32)
    init = (tuple(iota + 16 * g for g in range(NG)),
            (one,) * NG, (zero,) * NG, (zero,) * NG, (zero,) * NG)
    lax.fori_loop(0, S, step, init)

    cps = [pltpu.async_copy(p_v, pP_hbm.at[wid], sem),
           pltpu.async_copy(dr_v, pDr_hbm.at[wid], sem),
           pltpu.async_copy(di_v, pDi_hbm.at[wid], sem),
           pltpu.async_copy(ur_v, hlr_hbm.at[wid], sem),
           pltpu.async_copy(ui_v, hli_hbm.at[wid], sem),
           pltpu.async_copy(p_v.at[S - 1], cP_hbm.at[wid], sem),
           pltpu.async_copy(dr_v.at[S - 1], cDr_hbm.at[wid], sem),
           pltpu.async_copy(di_v.at[S - 1], cDi_hbm.at[wid], sem),
           pltpu.async_copy(ur_v.at[S - 1], cBr_hbm.at[wid], sem),
           pltpu.async_copy(ui_v.at[S - 1], cBi_hbm.at[wid], sem)]
    for c in cps:
        c.wait()


def _sc_pass1(p3, dr3, di3, ur3, ui3):
    mesh = plsc.VectorSubcoreMesh(core_axis_name="c", subcore_axis_name="s")
    f = functools.partial(
        pl.kernel,
        mesh=mesh,
        compiler_params=pltpu.CompilerParams(needs_layout_passes=False),
        out_type=[
            jax.ShapeDtypeStruct((NW, S, N), I32),
            jax.ShapeDtypeStruct((NW, S, N), F32),
            jax.ShapeDtypeStruct((NW, S, N), F32),
            jax.ShapeDtypeStruct((NW, S, N), F32),
            jax.ShapeDtypeStruct((NW, S, N), F32),
            jax.ShapeDtypeStruct((NW, N), I32),
            jax.ShapeDtypeStruct((NW, N), F32),
            jax.ShapeDtypeStruct((NW, N), F32),
            jax.ShapeDtypeStruct((NW, N), F32),
            jax.ShapeDtypeStruct((NW, N), F32),
        ],
        scratch_types=[
            pltpu.VMEM((S, N), I32),
            pltpu.VMEM((S, N), F32),
            pltpu.VMEM((S, N), F32),
            pltpu.VMEM((S, N), F32),
            pltpu.VMEM((S, N), F32),
            pltpu.VMEM((N,), F32),
            pltpu.VMEM((N,), F32),
            pltpu.SemaphoreType.DMA,
        ],
    )(_sc_pass1_body)
    return f(p3, dr3, di3, ur3, ui3)


def _sc_pass2_body(pP_hbm, pDr_hbm, pDi_hbm, hlr_hbm, hli_hbm,
                   cP_hbm, cDr_hbm, cDi_hbm, cBr_hbm, cBi_hbm,
                   hr_hbm, hi_hbm,
                   cP_v, cDr_v, cDi_v, cBr_v, cBi_v,
                   pP_v, pDr_v, pDi_v, hlr_v, hli_v,
                   tr_v, ti_v, sem_c, sem_p):
    wid = _sc_worker_id()
    ccps = [pltpu.async_copy(cP_hbm, cP_v, sem_c),
            pltpu.async_copy(cDr_hbm, cDr_v, sem_c),
            pltpu.async_copy(cDi_hbm, cDi_v, sem_c),
            pltpu.async_copy(cBr_hbm, cBr_v, sem_c),
            pltpu.async_copy(cBi_hbm, cBi_v, sem_c)]
    pcps = [pltpu.async_copy(pP_hbm.at[wid], pP_v, sem_p),
            pltpu.async_copy(pDr_hbm.at[wid], pDr_v, sem_p),
            pltpu.async_copy(pDi_hbm.at[wid], pDi_v, sem_p),
            pltpu.async_copy(hlr_hbm.at[wid], hlr_v, sem_p),
            pltpu.async_copy(hli_hbm.at[wid], hli_v, sem_p)]
    for c in ccps:
        c.wait()

    zero = jnp.zeros((16,), F32)

    def comb(j, carry):
        Br, Bi = carry
        predv = jnp.full((16,), j < wid)
        for g in range(NG):
            sl = pl.ds(g * 16, 16)
            tr_v[sl] = cBr_v[j, sl]
            ti_v[sl] = cBi_v[j, sl]
        for g in range(NG):
            sl = pl.ds(g * 16, 16)
            vr, vi = _cmul(cDr_v[j, sl], cDi_v[j, sl], Br[g], Bi[g])
            idx = cP_v[j, sl]
            plsc.addupdate_scatter(tr_v, [idx], vr)
            plsc.addupdate_scatter(ti_v, [idx], vi)
        nBr, nBi = [], []
        for g in range(NG):
            sl = pl.ds(g * 16, 16)
            nBr.append(jnp.where(predv, tr_v[sl], Br[g]))
            nBi.append(jnp.where(predv, ti_v[sl], Bi[g]))
        return (tuple(nBr), tuple(nBi))

    hsr, hsi = lax.fori_loop(0, NW - 1, comb, ((zero,) * NG, (zero,) * NG))
    for c in pcps:
        c.wait()

    def apply(s, carry):
        for g in range(NG):
            sl = pl.ds(g * 16, 16)
            tr_v[sl] = hlr_v[s, sl]
            ti_v[sl] = hli_v[s, sl]
        for g in range(NG):
            sl = pl.ds(g * 16, 16)
            vr, vi = _cmul(pDr_v[s, sl], pDi_v[s, sl], hsr[g], hsi[g])
            idx = pP_v[s, sl]
            plsc.addupdate_scatter(tr_v, [idx], vr)
            plsc.addupdate_scatter(ti_v, [idx], vi)
        for g in range(NG):
            sl = pl.ds(g * 16, 16)
            hlr_v[s, sl] = tr_v[sl]
            hli_v[s, sl] = ti_v[sl]
        return carry

    lax.fori_loop(0, S, apply, 0)

    ocps = [pltpu.async_copy(hlr_v, hr_hbm.at[wid], sem_p),
            pltpu.async_copy(hli_v, hi_hbm.at[wid], sem_p)]
    for c in ocps:
        c.wait()


def _sc_pass2(pP, pDr, pDi, hlr, hli, cP, cDr, cDi, cBr, cBi):
    mesh = plsc.VectorSubcoreMesh(core_axis_name="c", subcore_axis_name="s")
    f = functools.partial(
        pl.kernel,
        mesh=mesh,
        compiler_params=pltpu.CompilerParams(needs_layout_passes=False),
        out_type=[
            jax.ShapeDtypeStruct((NW, S, N), F32),
            jax.ShapeDtypeStruct((NW, S, N), F32),
        ],
        scratch_types=[
            pltpu.VMEM((NW, N), I32),
            pltpu.VMEM((NW, N), F32),
            pltpu.VMEM((NW, N), F32),
            pltpu.VMEM((NW, N), F32),
            pltpu.VMEM((NW, N), F32),
            pltpu.VMEM((S, N), I32),
            pltpu.VMEM((S, N), F32),
            pltpu.VMEM((S, N), F32),
            pltpu.VMEM((S, N), F32),
            pltpu.VMEM((S, N), F32),
            pltpu.VMEM((N,), F32),
            pltpu.VMEM((N,), F32),
            pltpu.SemaphoreType.DMA,
            pltpu.SemaphoreType.DMA,
        ],
    )(_sc_pass2_body)
    return f(pP, pDr, pDi, hlr, hli, cP, cDr, cDi, cBr, cBi)


def _tc2_body(hr_ref, hi_ref, x_ref, cre_ref, cim_ref, d_ref, y_o):
    dn = (((1,), (1,)), ((), ()))
    lb = x_ref.shape[0]
    hr = hr_ref[...].reshape(lb, N)
    hi = hi_ref[...].reshape(lb, N)
    y = lax.dot_general(hr, cre_ref[...], dn, preferred_element_type=F32)
    y = y - lax.dot_general(hi, cim_ref[...], dn, preferred_element_type=F32)
    y_o[...] = y + d_ref[...] * x_ref[...]


def _tc2(hr, hi, x, C_re, C_im, D2):
    LB = 512
    CB = LB // S
    grid = (L // LB,)
    blk = lambda shape: pl.BlockSpec(shape, lambda i: (0, 0))
    h_in = pl.BlockSpec((CB, S, N), lambda i: (i, 0, 0))
    return pl.pallas_call(
        _tc2_body,
        grid=grid,
        in_specs=[
            h_in, h_in,
            pl.BlockSpec((LB, H), lambda i: (i, 0)),
            blk((H, N)), blk((H, N)), blk((1, H)),
        ],
        out_specs=pl.BlockSpec((LB, H), lambda i: (i, 0)),
        out_shape=jax.ShapeDtypeStruct((L, H), F32),
    )(hr, hi, x, C_re, C_im, D2)


def kernel(x, B_re, B_im, C_re, C_im, D, P_dict, P_selector, W1_mag, W2_mag,
           b1_mag, b2_mag, W1_pha, W2_pha, b1_pha, b2_pha):
    dre, dim, ure, uim, pidx = _tc1(
        x, W1_mag, W1_pha, B_re, B_im,
        b1_mag.reshape(1, N), b1_pha.reshape(1, N),
        P_selector, P_dict.reshape(K, N * N).T)

    pP, pDr, pDi, hlr, hli, cP, cDr, cDi, cBr, cBi = _sc_pass1(
        pidx, dre, dim, ure, uim)
    hr3, hi3 = _sc_pass2(pP, pDr, pDi, hlr, hli, cP, cDr, cDi, cBr, cBi)

    return _tc2(hr3, hi3, x, C_re, C_im, D.reshape(1, H))

# --- scband reference (transcript-rebuilt; emitter-appended) ---
"""Pipeline reference for scband-pdssmlayer-52355651338671 (READ-ONLY COPY).

The authoritative reference and input builder live on the scoring server;
editing this copy changes nothing except your own understanding.
"""

import jax, jax.numpy as jnp
import numpy as np
import math

N = 64
H = 1024
K = 6
L = 4096


def setup_inputs(seed: int = 0) -> dict:
    key = jax.random.key(seed)
    ks = jax.random.split(key, 16)
    inp = {}
    inp['x'] = jax.random.normal(ks[0], (L, H), dtype=jnp.float32)
    inp['B_re'] = jax.random.normal(ks[1], (N, H), dtype=jnp.float32) / jnp.sqrt(2.0 * H)
    inp['B_im'] = jax.random.normal(ks[2], (N, H), dtype=jnp.float32) / jnp.sqrt(2.0 * H)
    inp['C_re'] = jax.random.normal(ks[3], (H, N), dtype=jnp.float32) / jnp.sqrt(1.0 * N)
    inp['C_im'] = jax.random.normal(ks[4], (H, N), dtype=jnp.float32) / jnp.sqrt(1.0 * N)
    inp['D'] = jax.random.normal(ks[5], (H,), dtype=jnp.float32)
    inp['P_dict'] = jax.random.normal(ks[6], (K, N, N), dtype=jnp.float32) / jnp.sqrt(1.0 * N)
    inp['P_selector'] = jax.random.normal(ks[7], (K, H), dtype=jnp.float32)
    inp['W1_mag'] = jax.random.normal(ks[8], (N, H), dtype=jnp.float32) / jnp.sqrt(1.0 * H)
    inp['W2_mag'] = jax.random.normal(ks[9], (N, N), dtype=jnp.float32) / jnp.sqrt(1.0 * N)
    inp['b1_mag'] = jax.random.normal(ks[10], (N,), dtype=jnp.float32) / jnp.sqrt(1.0 * N)
    inp['b2_mag'] = jax.random.normal(ks[11], (N,), dtype=jnp.float32) / jnp.sqrt(1.0 * N)
    inp['W1_pha'] = jax.random.normal(ks[12], (N, H), dtype=jnp.float32) / jnp.sqrt(1.0 * H)
    inp['W2_pha'] = jax.random.normal(ks[13], (N, N), dtype=jnp.float32) / jnp.sqrt(1.0 * N)
    inp['b1_pha'] = jax.random.normal(ks[14], (N,), dtype=jnp.float32) / jnp.sqrt(1.0 * N)
    inp['b2_pha'] = jax.random.normal(ks[15], (N,), dtype=jnp.float32) / jnp.sqrt(1.0 * N) - 2.5
    return inp


def _binary_operator(q_i, q_j):
    P_i, D_i, b_i = q_i
    P_j, D_j, b_j = q_j
    P_new = jnp.take(P_j, P_i)
    D_new = jnp.take(D_j, P_i) * D_i
    b_new = jnp.zeros_like(b_i).at[P_j].add(D_j * b_i) + b_j
    return (P_new, D_new, b_new)


_bin_op = jax.vmap(_binary_operator)


def reference(x, B_re, B_im, C_re, C_im, D, P_dict, P_selector, W1_mag, W2_mag, b1_mag, b2_mag, W1_pha, W2_pha, b1_pha, b2_pha):
    B = B_re + 1j * B_im
    C = C_re + 1j * C_im
    magnitudes = jax.nn.sigmoid(x @ W1_mag.T + b1_mag)
    phases = jax.nn.sigmoid(x @ W1_pha.T + b1_pha) * (2.0 * math.pi)
    diagonal = magnitudes * jnp.exp(1j * phases)
    sel = jax.nn.softmax(x @ P_selector.T, axis=-1)
    perms = jnp.einsum('kmn,lk->lmn', P_dict, sel)
    perms_sm = jax.nn.softmax(perms, axis=1)
    Bu = x.astype(B.dtype) @ B.T
    P_idx = jnp.argmax(perms_sm, axis=-2)
    _, _, hidden = jax.lax.associative_scan(_bin_op, (P_idx, diagonal, Bu), axis=0)
    y = jnp.real(hidden @ C.T) + D * x
    return y

if __name__ == "__main__":
    import jax
    _d = setup_inputs()
    print(jax.jit(kernel)(*tuple(_d.values())))

</pallas_src>

<mosaic_0001>
#map = affine_map<(d0, d1) -> (0, 0, 0)>
#map1 = affine_map<(d0, d1) -> (0, 0)>
module attributes {stable_mosaic.version = 14 : i64} {
  func.func @_sc_pass1_body(%arg0: i32, %arg1: i32, %arg2: memref<32x128x64xi32, #tpu.memory_space<hbm>>, %arg3: memref<32x128x64xf32, #tpu.memory_space<hbm>>, %arg4: memref<32x128x64xf32, #tpu.memory_space<hbm>>, %arg5: memref<32x128x64xf32, #tpu.memory_space<hbm>>, %arg6: memref<32x128x64xf32, #tpu.memory_space<hbm>>, %arg7: memref<32x128x64xi32, #tpu.memory_space<hbm>>, %arg8: memref<32x128x64xf32, #tpu.memory_space<hbm>>, %arg9: memref<32x128x64xf32, #tpu.memory_space<hbm>>, %arg10: memref<32x128x64xf32, #tpu.memory_space<hbm>>, %arg11: memref<32x128x64xf32, #tpu.memory_space<hbm>>, %arg12: memref<32x64xi32, #tpu.memory_space<hbm>>, %arg13: memref<32x64xf32, #tpu.memory_space<hbm>>, %arg14: memref<32x64xf32, #tpu.memory_space<hbm>>, %arg15: memref<32x64xf32, #tpu.memory_space<hbm>>, %arg16: memref<32x64xf32, #tpu.memory_space<hbm>>, %arg17: memref<128x64xi32, #tpu.memory_space<vmem>>, %arg18: memref<128x64xf32, #tpu.memory_space<vmem>>, %arg19: memref<128x64xf32, #tpu.memory_space<vmem>>, %arg20: memref<128x64xf32, #tpu.memory_space<vmem>>, %arg21: memref<128x64xf32, #tpu.memory_space<vmem>>, %arg22: memref<64xf32, #tpu.memory_space<vmem>>, %arg23: memref<64xf32, #tpu.memory_space<vmem>>, %arg24: memref<!tpu.dma_semaphore, #tpu.memory_space<semaphore_mem>>) attributes {dimension_semantics = [#tpu.dimension_semantics<core_parallel>, #tpu.dimension_semantics<subcore_parallel>], iteration_bounds = array<i64: 2, 16>, scalar_prefetch = 0 : i64, scratch_operands = 8 : i64, tpu.core_type = #tpu.core_type<sc_vector_subcore>, window_params = [{transform_indices = #map}, {transform_indices = #map}, {transform_indices = #map}, {transform_indices = #map}, {transform_indices = #map}, {transform_indices = #map}, {transform_indices = #map}, {transform_indices = #map}, {transform_indices = #map}, {transform_indices = #map}, {transform_indices = #map1}, {transform_indices = #map1}, {transform_indices = #map1}, {transform_indices = #map1}, {transform_indices = #map1}]} {
    %mul3A = arith.constant 2 : i32
    %mul3A_0 = arith.muli %arg1, %mul3A : i32
    %add3A = arith.addi %mul3A_0, %arg0 : i32
    %dma_start3A = arith.constant 0 : i32
    %dma_start3A_1 = arith.constant 0 : i32
    %dma_start3A_2 = tpu.memref_slice %arg2[%add3A, %dma_start3A, %dma_start3A_1] : memref<32x128x64xi32, #tpu.memory_space<hbm>> -> memref<1x128x64xi32, #tpu.memory_space<hbm>>
    %dma_start3A_3 = tpu.memref_squeeze %dma_start3A_2 : memref<1x128x64xi32, #tpu.memory_space<hbm>> -> memref<128x64xi32, #tpu.memory_space<hbm>>
    %dma_start3A_4 = arith.constant 0 : i32
    %dma_start3A_5 = arith.constant 0 : i32
    %dma_start3A_6 = tpu.memref_slice %arg2[%add3A, %dma_start3A_4, %dma_start3A_5] : memref<32x128x64xi32, #tpu.memory_space<hbm>> -> memref<1x128x64xi32, #tpu.memory_space<hbm>>
    %dma_start3A_7 = tpu.memref_squeeze %dma_start3A_6 : memref<1x128x64xi32, #tpu.memory_space<hbm>> -> memref<128x64xi32, #tpu.memory_space<hbm>>
    tpu.enqueue_dma source(%dma_start3A_7 : memref<128x64xi32, #tpu.memory_space<hbm>>) target(%arg17 : memref<128x64xi32, #tpu.memory_space<vmem>>) target_semaphore(%arg24 : memref<!tpu.dma_semaphore, #tpu.memory_space<semaphore_mem>>)
    %dma_start3A_8 = arith.constant 0 : i32
    %dma_start3A_9 = arith.constant 0 : i32
    %dma_start3A_10 = tpu.memref_slice %arg3[%add3A, %dma_start3A_8, %dma_start3A_9] : memref<32x128x64xf32, #tpu.memory_space<hbm>> -> memref<1x128x64xf32, #tpu.memory_space<hbm>>
    %dma_start3A_11 = tpu.memref_squeeze %dma_start3A_10 : memref<1x128x64xf32, #tpu.memory_space<hbm>> -> memref<128x64xf32, #tpu.memory_space<hbm>>
    %dma_start3A_12 = arith.constant 0 : i32
    %dma_start3A_13 = arith.constant 0 : i32
    %dma_start3A_14 = tpu.memref_slice %arg3[%add3A, %dma_start3A_12, %dma_start3A_13] : memref<32x128x64xf32, #tpu.memory_space<hbm>> -> memref<1x128x64xf32, #tpu.memory_space<hbm>>
    %dma_start3A_15 = tpu.memref_squeeze %dma_start3A_14 : memref<1x128x64xf32, #tpu.memory_space<hbm>> -> memref<128x64xf32, #tpu.memory_space<hbm>>
    tpu.enqueue_dma source(%dma_start3A_15 : memref<128x64xf32, #tpu.memory_space<hbm>>) target(%arg18 : memref<128x64xf32, #tpu.memory_space<vmem>>) target_semaphore(%arg24 : memref<!tpu.dma_semaphore, #tpu.memory_space<semaphore_mem>>)
    %dma_start3A_16 = arith.constant 0 : i32
    %dma_start3A_17 = arith.constant 0 : i32
    %dma_start3A_18 = tpu.memref_slice %arg4[%add3A, %dma_start3A_16, %dma_start3A_17] : memref<32x128x64xf32, #tpu.memory_space<hbm>> -> memref<1x128x64xf32, #tpu.memory_space<hbm>>
    %dma_start3A_19 = tpu.memref_squeeze %dma_start3A_18 : memref<1x128x64xf32, #tpu.memory_space<hbm>> -> memref<128x64xf32, #tpu.memory_space<hbm>>
    %dma_start3A_20 = arith.constant 0 : i32
    %dma_start3A_21 = arith.constant 0 : i32
    %dma_start3A_22 = tpu.memref_slice %arg4[%add3A, %dma_start3A_20, %dma_start3A_21] : memref<32x128x64xf32, #tpu.memory_space<hbm>> -> memref<1x128x64xf32, #tpu.memory_space<hbm>>
    %dma_start3A_23 = tpu.memref_squeeze %dma_start3A_22 : memref<1x128x64xf32, #tpu.memory_space<hbm>> -> memref<128x64xf32, #tpu.memory_space<hbm>>
    tpu.enqueue_dma source(%dma_start3A_23 : memref<128x64xf32, #tpu.memory_space<hbm>>) target(%arg19 : memref<128x64xf32, #tpu.memory_space<vmem>>) target_semaphore(%arg24 : memref<!tpu.dma_semaphore, #tpu.memory_space<semaphore_mem>>)
    %dma_start3A_24 = arith.constant 0 : i32
    %dma_start3A_25 = arith.constant 0 : i32
    %dma_start3A_26 = tpu.memref_slice %arg5[%add3A, %dma_start3A_24, %dma_start3A_25] : memref<32x128x64xf32, #tpu.memory_space<hbm>> -> memref<1x128x64xf32, #tpu.memory_space<hbm>>
    %dma_start3A_27 = tpu.memref_squeeze %dma_start3A_26 : memref<1x128x64xf32, #tpu.memory_space<hbm>> -> memref<128x64xf32, #tpu.memory_space<hbm>>
    %dma_start3A_28 = arith.constant 0 : i32
    %dma_start3A_29 = arith.constant 0 : i32
    %dma_start3A_30 = tpu.memref_slice %arg5[%add3A, %dma_start3A_28, %dma_start3A_29] : memref<32x128x64xf32, #tpu.memory_space<hbm>> -> memref<1x128x64xf32, #tpu.memory_space<hbm>>
    %dma_start3A_31 = tpu.memref_squeeze %dma_start3A_30 : memref<1x128x64xf32, #tpu.memory_space<hbm>> -> memref<128x64xf32, #tpu.memory_space<hbm>>
    tpu.enqueue_dma source(%dma_start3A_31 : memref<128x64xf32, #tpu.memory_space<hbm>>) target(%arg20 : memref<128x64xf32, #tpu.memory_space<vmem>>) target_semaphore(%arg24 : memref<!tpu.dma_semaphore, #tpu.memory_space<semaphore_mem>>)
    %dma_start3A_32 = arith.constant 0 : i32
    %dma_start3A_33 = arith.constant 0 : i32
    %dma_start3A_34 = tpu.memref_slice %arg6[%add3A, %dma_start3A_32, %dma_start3A_33] : memref<32x128x64xf32, #tpu.memory_space<hbm>> -> memref<1x128x64xf32, #tpu.memory_space<hbm>>
    %dma_start3A_35 = tpu.memref_squeeze %dma_start3A_34 : memref<1x128x64xf32, #tpu.memory_space<hbm>> -> memref<128x64xf32, #tpu.memory_space<hbm>>
    %dma_start3A_36 = arith.constant 0 : i32
    %dma_start3A_37 = arith.constant 0 : i32
    %dma_start3A_38 = tpu.memref_slice %arg6[%add3A, %dma_start3A_36, %dma_start3A_37] : memref<32x128x64xf32, #tpu.memory_space<hbm>> -> memref<1x128x64xf32, #tpu.memory_space<hbm>>
    %dma_start3A_39 = tpu.memref_squeeze %dma_start3A_38 : memref<1x128x64xf32, #tpu.memory_space<hbm>> -> memref<128x64xf32, #tpu.memory_space<hbm>>
    tpu.enqueue_dma source(%dma_start3A_39 : memref<128x64xf32, #tpu.memory_space<hbm>>) target(%arg21 : memref<128x64xf32, #tpu.memory_space<vmem>>) target_semaphore(%arg24 : memref<!tpu.dma_semaphore, #tpu.memory_space<semaphore_mem>>)
    %dma_wait3A = arith.constant 0 : i32
    %dma_wait3A_40 = arith.constant 0 : i32
    %dma_wait3A_41 = tpu.memref_slice %arg2[%add3A, %dma_wait3A, %dma_wait3A_40] : memref<32x128x64xi32, #tpu.memory_space<hbm>> -> memref<1x128x64xi32, #tpu.memory_space<hbm>>
    %dma_wait3A_42 = tpu.memref_squeeze %dma_wait3A_41 : memref<1x128x64xi32, #tpu.memory_space<hbm>> -> memref<128x64xi32, #tpu.memory_space<hbm>>
    %dma_wait3A_43 = arith.constant 0 : i32
    %dma_wait3A_44 = arith.constant 0 : i32
    %dma_wait3A_45 = tpu.memref_slice %arg2[%add3A, %dma_wait3A_43, %dma_wait3A_44] : memref<32x128x64xi32, #tpu.memory_space<hbm>> -> memref<1x128x64xi32, #tpu.memory_space<hbm>>
    %dma_wait3A_46 = tpu.memref_squeeze %dma_wait3A_45 : memref<1x128x64xi32, #tpu.memory_space<hbm>> -> memref<128x64xi32, #tpu.memory_space<hbm>>
    tpu.wait_dma2 semaphore(%arg24 : memref<!tpu.dma_semaphore, #tpu.memory_space<semaphore_mem>>) src(%dma_wait3A_46 : memref<128x64xi32, #tpu.memory_space<hbm>>) dst(%arg17 : memref<128x64xi32, #tpu.memory_space<vmem>>)
    %dma_wait3A_47 = arith.constant 0 : i32
    %dma_wait3A_48 = arith.constant 0 : i32
    %dma_wait3A_49 = tpu.memref_slice %arg3[%add3A, %dma_wait3A_47, %dma_wait3A_48] : memref<32x128x64xf32, #tpu.memory_space<hbm>> -> memref<1x128x64xf32, #tpu.memory_space<hbm>>
    %dma_wait3A_50 = tpu.memref_squeeze %dma_wait3A_49 : memref<1x128x64xf32, #tpu.memory_space<hbm>> -> memref<128x64xf32, #tpu.memory_space<hbm>>
    %dma_wait3A_51 = arith.constant 0 : i32
    %dma_wait3A_52 = arith.constant 0 : i32
    %dma_wait3A_53 = tpu.memref_slice %arg3[%add3A, %dma_wait3A_51, %dma_wait3A_52] : memref<32x128x64xf32, #tpu.memory_space<hbm>> -> memref<1x128x64xf32, #tpu.memory_space<hbm>>
    %dma_wait3A_54 = tpu.memref_squeeze %dma_wait3A_53 : memref<1x128x64xf32, #tpu.memory_space<hbm>> -> memref<128x64xf32, #tpu.memory_space<hbm>>
    tpu.wait_dma2 semaphore(%arg24 : memref<!tpu.dma_semaphore, #tpu.memory_space<semaphore_mem>>) src(%dma_wait3A_54 : memref<128x64xf32, #tpu.memory_space<hbm>>) dst(%arg18 : memref<128x64xf32, #tpu.memory_space<vmem>>)
    %dma_wait3A_55 = arith.constant 0 : i32
    %dma_wait3A_56 = arith.constant 0 : i32
    %dma_wait3A_57 = tpu.memref_slice %arg4[%add3A, %dma_wait3A_55, %dma_wait3A_56] : memref<32x128x64xf32, #tpu.memory_space<hbm>> -> memref<1x128x64xf32, #tpu.memory_space<hbm>>
    %dma_wait3A_58 = tpu.memref_squeeze %dma_wait3A_57 : memref<1x128x64xf32, #tpu.memory_space<hbm>> -> memref<128x64xf32, #tpu.memory_space<hbm>>
    %dma_wait3A_59 = arith.constant 0 : i32
    %dma_wait3A_60 = arith.constant 0 : i32
    %dma_wait3A_61 = tpu.memref_slice %arg4[%add3A, %dma_wait3A_59, %dma_wait3A_60] : memref<32x128x64xf32, #tpu.memory_space<hbm>> -> memref<1x128x64xf32, #tpu.memory_space<hbm>>
    %dma_wait3A_62 = tpu.memref_squeeze %dma_wait3A_61 : memref<1x128x64xf32, #tpu.memory_space<hbm>> -> memref<128x64xf32, #tpu.memory_space<hbm>>
    tpu.wait_dma2 semaphore(%arg24 : memref<!tpu.dma_semaphore, #tpu.memory_space<semaphore_mem>>) src(%dma_wait3A_62 : memref<128x64xf32, #tpu.memory_space<hbm>>) dst(%arg19 : memref<128x64xf32, #tpu.memory_space<vmem>>)
    %dma_wait3A_63 = arith.constant 0 : i32
    %dma_wait3A_64 = arith.constant 0 : i32
    %dma_wait3A_65 = tpu.memref_slice %arg5[%add3A, %dma_wait3A_63, %dma_wait3A_64] : memref<32x128x64xf32, #tpu.memory_space<hbm>> -> memref<1x128x64xf32, #tpu.memory_space<hbm>>
    %dma_wait3A_66 = tpu.memref_squeeze %dma_wait3A_65 : memref<1x128x64xf32, #tpu.memory_space<hbm>> -> memref<128x64xf32, #tpu.memory_space<hbm>>
    %dma_wait3A_67 = arith.constant 0 : i32
    %dma_wait3A_68 = arith.constant 0 : i32
    %dma_wait3A_69 = tpu.memref_slice %arg5[%add3A, %dma_wait3A_67, %dma_wait3A_68] : memref<32x128x64xf32, #tpu.memory_space<hbm>> -> memref<1x128x64xf32, #tpu.memory_space<hbm>>
    %dma_wait3A_70 = tpu.memref_squeeze %dma_wait3A_69 : memref<1x128x64xf32, #tpu.memory_space<hbm>> -> memref<128x64xf32, #tpu.memory_space<hbm>>
    tpu.wait_dma2 semaphore(%arg24 : memref<!tpu.dma_semaphore, #tpu.memory_space<semaphore_mem>>) src(%dma_wait3A_70 : memref<128x64xf32, #tpu.memory_space<hbm>>) dst(%arg20 : memref<128x64xf32, #tpu.memory_space<vmem>>)
    %dma_wait3A_71 = arith.constant 0 : i32
    %dma_wait3A_72 = arith.constant 0 : i32
    %dma_wait3A_73 = tpu.memref_slice %arg6[%add3A, %dma_wait3A_71, %dma_wait3A_72] : memref<32x128x64xf32, #tpu.memory_space<hbm>> -> memref<1x128x64xf32, #tpu.memory_space<hbm>>
    %dma_wait3A_74 = tpu.memref_squeeze %dma_wait3A_73 : memref<1x128x64xf32, #tpu.memory_space<hbm>> -> memref<128x64xf32, #tpu.memory_space<hbm>>
    %dma_wait3A_75 = arith.constant 0 : i32
    %dma_wait3A_76 = arith.constant 0 : i32
    %dma_wait3A_77 = tpu.memref_slice %arg6[%add3A, %dma_wait3A_75, %dma_wait3A_76] : memref<32x128x64xf32, #tpu.memory_space<hbm>> -> memref<1x128x64xf32, #tpu.memory_space<hbm>>
    %dma_wait3A_78 = tpu.memref_squeeze %dma_wait3A_77 : memref<1x128x64xf32, #tpu.memory_space<hbm>> -> memref<128x64xf32, #tpu.memory_space<hbm>>
    tpu.wait_dma2 semaphore(%arg24 : memref<!tpu.dma_semaphore, #tpu.memory_space<semaphore_mem>>) src(%dma_wait3A_78 : memref<128x64xf32, #tpu.memory_space<hbm>>) dst(%arg21 : memref<128x64xf32, #tpu.memory_space<vmem>>)
    %iota3A = tpu.iota {dimensions = array<i32: 0>} : vector<16xi32>
    %broadcast_in_dim3A = arith.constant 1.000000e+00 : f32
    %broadcast_in_dim3A_79 = vector.broadcast %broadcast_in_dim3A : f32 to vector<16xf32>
    %broadcast_in_dim3A_80 = arith.constant 0.000000e+00 : f32
    %broadcast_in_dim3A_81 = vector.broadcast %broadcast_in_dim3A_80 : f32 to vector<16xf32>
    %add3A_82 = arith.constant 0 : i32
    %add3A_83 = vector.broadcast %add3A_82 : i32 to vector<16xi32>
    %add3A_84 = arith.addi %iota3A, %add3A_83 : vector<16xi32>
    %add3A_85 = arith.constant 16 : i32
    %add3A_86 = vector.broadcast %add3A_85 : i32 to vector<16xi32>
    %add3A_87 = arith.addi %iota3A, %add3A_86 : vector<16xi32>
    %add3A_88 = arith.constant 32 : i32
    %add3A_89 = vector.broadcast %add3A_88 : i32 to vector<16xi32>
    %add3A_90 = arith.addi %iota3A, %add3A_89 : vector<16xi32>
    %add3A_91 = arith.constant 48 : i32
    %add3A_92 = vector.broadcast %add3A_91 : i32 to vector<16xi32>
    %add3A_93 = arith.addi %iota3A, %add3A_92 : vector<16xi32>
    %scan3A = arith.constant 0 : i32
    %scan3A_94 = arith.constant 128 : i32
    %scan3A_95 = arith.addi %scan3A, %scan3A_94 : i32
    %scan3A_96 = arith.constant 1 : i32
    %scan3A_97:20 = scf.for %scan3A_309 = %scan3A to %scan3A_95 step %scan3A_96 iter_args(%scan3A_310 = %add3A_84, %scan3A_311 = %add3A_87, %scan3A_312 = %add3A_90, %scan3A_313 = %add3A_93, %scan3A_314 = %broadcast_in_dim3A_79, %scan3A_315 = %broadcast_in_dim3A_79, %scan3A_316 = %broadcast_in_dim3A_79, %scan3A_317 = %broadcast_in_dim3A_79, %scan3A_318 = %broadcast_in_dim3A_81, %scan3A_319 = %broadcast_in_dim3A_81, %scan3A_320 = %broadcast_in_dim3A_81, %scan3A_321 = %broadcast_in_dim3A_81, %scan3A_322 = %broadcast_in_dim3A_81, %scan3A_323 = %broadcast_in_dim3A_81, %scan3A_324 = %broadcast_in_dim3A_81, %scan3A_325 = %broadcast_in_dim3A_81, %scan3A_326 = %broadcast_in_dim3A_81, %scan3A_327 = %broadcast_in_dim3A_81, %scan3A_328 = %broadcast_in_dim3A_81, %scan3A_329 = %broadcast_in_dim3A_81) -> (vector<16xi32>, vector<16xi32>, vector<16xi32>, vector<16xi32>, vector<16xf32>, vector<16xf32>, vector<16xf32>, vector<16xf32>, vector<16xf32>, vector<16xf32>, vector<16xf32>, vector<16xf32>, vector<16xf32>, vector<16xf32>, vector<16xf32>, vector<16xf32>, vector<16xf32>, vector<16xf32>, vector<16xf32>, vector<16xf32>)  : i32 {
      %get3A = arith.index_cast %scan3A_309 : i32 to index
      %get3A_330 = arith.constant 0 : index
      %get3A_331 = tpu.vector_load %arg20[%get3A, %get3A_330] {strides = array<i32>} : memref<128x64xf32, #tpu.memory_space<vmem>>, vector<16xf32>,
      %swap3A = arith.constant 0 : index
      %swap3A_332 = tpu.vector_load %arg22[%swap3A] {strides = array<i32>} : memref<64xf32, #tpu.memory_space<vmem>>, vector<16xf32>,
      tpu.vector_store %arg22[%swap3A], %get3A_331 {strides = array<i32>} : memref<64xf32, #tpu.memory_space<vmem>>, vector<16xf32>,
      %get3A_333 = arith.index_cast %scan3A_309 : i32 to index
      %get3A_334 = arith.constant 0 : index
      %get3A_335 = tpu.vector_load %arg21[%get3A_333, %get3A_334] {strides = array<i32>} : memref<128x64xf32, #tpu.memory_space<vmem>>, vector<16xf32>,
      %swap3A_336 = arith.constant 0 : index
      %swap3A_337 = tpu.vector_load %arg23[%swap3A_336] {strides = array<i32>} : memref<64xf32, #tpu.memory_space<vmem>>, vector<16xf32>,
      tpu.vector_store %arg23[%swap3A_336], %get3A_335 {strides = array<i32>} : memref<64xf32, #tpu.memory_space<vmem>>, vector<16xf32>,
      %get3A_338 = arith.index_cast %scan3A_309 : i32 to index
      %get3A_339 = arith.constant 16 : index
      %get3A_340 = tpu.vector_load %arg20[%get3A_338, %get3A_339] {strides = array<i32>} : memref<128x64xf32, #tpu.memory_space<vmem>>, vector<16xf32>,
      %swap3A_341 = arith.constant 16 : index
      %swap3A_342 = tpu.vector_load %arg22[%swap3A_341] {strides = array<i32>} : memref<64xf32, #tpu.memory_space<vmem>>, vector<16xf32>,
      tpu.vector_store %arg22[%swap3A_341], %get3A_340 {strides = array<i32>} : memref<64xf32, #tpu.memory_space<vmem>>, vector<16xf32>,
      %get3A_343 = arith.index_cast %scan3A_309 : i32 to index
      %get3A_344 = arith.constant 16 : index
      %get3A_345 = tpu.vector_load %arg21[%get3A_343, %get3A_344] {strides = array<i32>} : memref<128x64xf32, #tpu.memory_space<vmem>>, vector<16xf32>,
      %swap3A_346 = arith.constant 16 : index
      %swap3A_347 = tpu.vector_load %arg23[%swap3A_346] {strides = array<i32>} : memref<64xf32, #tpu.memory_space<vmem>>, vector<16xf32>,
      tpu.vector_store %arg23[%swap3A_346], %get3A_345 {strides = array<i32>} : memref<64xf32, #tpu.memory_space<vmem>>, vector<16xf32>,
      %get3A_348 = arith.index_cast %scan3A_309 : i32 to index
      %get3A_349 = arith.constant 32 : index
      %get3A_350 = tpu.vector_load %arg20[%get3A_348, %get3A_349] {strides = array<i32>} : memref<128x64xf32, #tpu.memory_space<vmem>>, vector<16xf32>,
      %swap3A_351 = arith.constant 32 : index
      %swap3A_352 = tpu.vector_load %arg22[%swap3A_351] {strides = array<i32>} : memref<64xf32, #tpu.memory_space<vmem>>, vector<16xf32>,
      tpu.vector_store %arg22[%swap3A_351], %get3A_350 {strides = array<i32>} : memref<64xf32, #tpu.memory_space<vmem>>, vector<16xf32>,
      %get3A_353 = arith.index_cast %scan3A_309 : i32 to index
      %get3A_354 = arith.constant 32 : index
      %get3A_355 = tpu.vector_load %arg21[%get3A_353, %get3A_354] {strides = array<i32>} : memref<128x64xf32, #tpu.memory_space<vmem>>, vector<16xf32>,
      %swap3A_356 = arith.constant 32 : index
      %swap3A_357 = tpu.vector_load %arg23[%swap3A_356] {strides = array<i32>} : memref<64xf32, #tpu.memory_space<vmem>>, vector<16xf32>,
      tpu.vector_store %arg23[%swap3A_356], %get3A_355 {strides = array<i32>} : memref<64xf32, #tpu.memory_space<vmem>>, vector<16xf32>,
      %get3A_358 = arith.index_cast %scan3A_309 : i32 to index
      %get3A_359 = arith.constant 48 : index
      %get3A_360 = tpu.vector_load %arg20[%get3A_358, %get3A_359] {strides = array<i32>} : memref<128x64xf32, #tpu.memory_space<vmem>>, vector<16xf32>,
      %swap3A_361 = arith.constant 48 : index
      %swap3A_362 = tpu.vector_load %arg22[%swap3A_361] {strides = array<i32>} : memref<64xf32, #tpu.memory_space<vmem>>, vector<16xf32>,
      tpu.vector_store %arg22[%swap3A_361], %get3A_360 {strides = array<i32>} : memref<64xf32, #tpu.memory_space<vmem>>, vector<16xf32>,
      %get3A_363 = arith.index_cast %scan3A_309 : i32 to index
      %get3A_364 = arith.constant 48 : index
      %get3A_365 = tpu.vector_load %arg21[%get3A_363, %get3A_364] {strides = array<i32>} : memref<128x64xf32, #tpu.memory_space<vmem>>, vector<16xf32>,
      %swap3A_366 = arith.constant 48 : index
      %swap3A_367 = tpu.vector_load %arg23[%swap3A_366] {strides = array<i32>} : memref<64xf32, #tpu.memory_space<vmem>>, vector<16xf32>,
      tpu.vector_store %arg23[%swap3A_366], %get3A_365 {strides = array<i32>} : memref<64xf32, #tpu.memory_space<vmem>>, vector<16xf32>,
      %get3A_368 = arith.index_cast %scan3A_309 : i32 to index
      %get3A_369 = arith.constant 0 : index
      %get3A_370 = tpu.vector_load %arg18[%get3A_368, %get3A_369] {strides = array<i32>} : memref<128x64xf32, #tpu.memory_space<vmem>>, vector<16xf32>,
      %get3A_371 = arith.index_cast %scan3A_309 : i32 to index
      %get3A_372 = arith.constant 0 : index
      %get3A_373 = tpu.vector_load %arg19[%get3A_371, %get3A_372] {strides = array<i32>} : memref<128x64xf32, #tpu.memory_space<vmem>>, vector<16xf32>,
      %mul3A_374 = arith.mulf %get3A_370, %scan3A_322 : vector<16xf32>
      %mul3A_375 = arith.mulf %get3A_373, %scan3A_326 : vector<16xf32>
      %sub3A = arith.subf %mul3A_374, %mul3A_375 : vector<16xf32>
      %mul3A_376 = arith.mulf %get3A_370, %scan3A_326 : vector<16xf32>
      %mul3A_377 = arith.mulf %get3A_373, %scan3A_322 : vector<16xf32>
      %add3A_378 = arith.addf %mul3A_376, %mul3A_377 : vector<16xf32>
      %get3A_379 = arith.index_cast %scan3A_309 : i32 to index
      %get3A_380 = arith.constant 0 : index
      %get3A_381 = tpu.vector_load %arg17[%get3A_379, %get3A_380] {strides = array<i32>} : memref<128x64xi32, #tpu.memory_space<vmem>>, vector<16xi32>,
      tpu.vector_store_idx %arg22[%get3A_381], %sub3A {add = true} : memref<64xf32, #tpu.memory_space<vmem>>[vector<16xi32>], vector<16xf32>,
      tpu.vector_store_idx %arg23[%get3A_381], %add3A_378 {add = true} : memref<64xf32, #tpu.memory_space<vmem>>[vector<16xi32>], vector<16xf32>,
      %get3A_382 = arith.index_cast %scan3A_309 : i32 to index
      %get3A_383 = arith.constant 16 : index
      %get3A_384 = tpu.vector_load %arg18[%get3A_382, %get3A_383] {strides = array<i32>} : memref<128x64xf32, #tpu.memory_space<vmem>>, vector<16xf32>,
      %get3A_385 = arith.index_cast %scan3A_309 : i32 to index
      %get3A_386 = arith.constant 16 : index
      %get3A_387 = tpu.vector_load %arg19[%get3A_385, %get3A_386] {strides = array<i32>} : memref<128x64xf32, #tpu.memory_space<vmem>>, vector<16xf32>,
      %mul3A_388 = arith.mulf %get3A_384, %scan3A_323 : vector<16xf32>
      %mul3A_389 = arith.mulf %get3A_387, %scan3A_327 : vector<16xf32>
      %sub3A_390 = arith.subf %mul3A_388, %mul3A_389 : vector<16xf32>
      %mul3A_391 = arith.mulf %get3A_384, %scan3A_327 : vector<16xf32>
      %mul3A_392 = arith.mulf %get3A_387, %scan3A_323 : vector<16xf32>
      %add3A_393 = arith.addf %mul3A_391, %mul3A_392 : vector<16xf32>
      %get3A_394 = arith.index_cast %scan3A_309 : i32 to index
      %get3A_395 = arith.constant 16 : index
      %get3A_396 = tpu.vector_load %arg17[%get3A_394, %get3A_395] {strides = array<i32>} : memref<128x64xi32, #tpu.memory_space<vmem>>, vector<16xi32>,
      tpu.vector_store_idx %arg22[%get3A_396], %sub3A_390 {add = true} : memref<64xf32, #tpu.memory_space<vmem>>[vector<16xi32>], vector<16xf32>,
      tpu.vector_store_idx %arg23[%get3A_396], %add3A_393 {add = true} : memref<64xf32, #tpu.memory_space<vmem>>[vector<16xi32>], vector<16xf32>,
      %get3A_397 = arith.index_cast %scan3A_309 : i32 to index
      %get3A_398 = arith.constant 32 : index
      %get3A_399 = tpu.vector_load %arg18[%get3A_397, %get3A_398] {strides = array<i32>} : memref<128x64xf32, #tpu.memory_space<vmem>>, vector<16xf32>,
      %get3A_400 = arith.index_cast %scan3A_309 : i32 to index
      %get3A_401 = arith.constant 32 : index
      %get3A_402 = tpu.vector_load %arg19[%get3A_400, %get3A_401] {strides = array<i32>} : memref<128x64xf32, #tpu.memory_space<vmem>>, vector<16xf32>,
      %mul3A_403 = arith.mulf %get3A_399, %scan3A_324 : vector<16xf32>
      %mul3A_404 = arith.mulf %get3A_402, %scan3A_328 : vector<16xf32>
      %sub3A_405 = arith.subf %mul3A_403, %mul3A_404 : vector<16xf32>
      %mul3A_406 = arith.mulf %get3A_399, %scan3A_328 : vector<16xf32>
      %mul3A_407 = arith.mulf %get3A_402, %scan3A_324 : vector<16xf32>
      %add3A_408 = arith.addf %mul3A_406, %mul3A_407 : vector<16xf32>
      %get3A_409 = arith.index_cast %scan3A_309 : i32 to index
      %get3A_410 = arith.constant 32 : index
      %get3A_411 = tpu.vector_load %arg17[%get3A_409, %get3A_410] {strides = array<i32>} : memref<128x64xi32, #tpu.memory_space<vmem>>, vector<16xi32>,
      tpu.vector_store_idx %arg22[%get3A_411], %sub3A_405 {add = true} : memref<64xf32, #tpu.memory_space<vmem>>[vector<16xi32>], vector<16xf32>,
      tpu.vector_store_idx %arg23[%get3A_411], %add3A_408 {add = true} : memref<64xf32, #tpu.memory_space<vmem>>[vector<16xi32>], vector<16xf32>,
      %get3A_412 = arith.index_cast %scan3A_309 : i32 to index
      %get3A_413 = arith.constant 48 : index
      %get3A_414 = tpu.vector_load %arg18[%get3A_412, %get3A_413] {strides = array<i32>} : memref<128x64xf32, #tpu.memory_space<vmem>>, vector<16xf32>,
      %get3A_415 = arith.index_cast %scan3A_309 : i32 to index
      %get3A_416 = arith.constant 48 : index
      %get3A_417 = tpu.vector_load %arg19[%get3A_415, %get3A_416] {strides = array<i32>} : memref<128x64xf32, #tpu.memory_space<vmem>>, vector<16xf32>,
      %mul3A_418 = arith.mulf %get3A_414, %scan3A_325 : vector<16xf32>
      %mul3A_419 = arith.mulf %get3A_417, %scan3A_329 : vector<16xf32>
      %sub3A_420 = arith.subf %mul3A_418, %mul3A_419 : vector<16xf32>
      %mul3A_421 = arith.mulf %get3A_414, %scan3A_329 : vector<16xf32>
      %mul3A_422 = arith.mulf %get3A_417, %scan3A_325 : vector<16xf32>
      %add3A_423 = arith.addf %mul3A_421, %mul3A_422 : vector<16xf32>
      %get3A_424 = arith.index_cast %scan3A_309 : i32 to index
      %get3A_425 = arith.constant 48 : index
      %get3A_426 = tpu.vector_load %arg17[%get3A_424, %get3A_425] {strides = array<i32>} : memref<128x64xi32, #tpu.memory_space<vmem>>, vector<16xi32>,
      tpu.vector_store_idx %arg22[%get3A_426], %sub3A_420 {add = true} : memref<64xf32, #tpu.memory_space<vmem>>[vector<16xi32>], vector<16xf32>,
      tpu.vector_store_idx %arg23[%get3A_426], %add3A_423 {add = true} : memref<64xf32, #tpu.memory_space<vmem>>[vector<16xi32>], vector<16xf32>,
      %broadcast_in_dim3A_427 = vector.broadcast %scan3A_309 : i32 to vector<16xi32>
      %gather3A = tpu.vector_load_idx %arg17[%broadcast_in_dim3A_427, %scan3A_310] : memref<128x64xi32, #tpu.memory_space<vmem>>[vector<16xi32>, vector<16xi32>], vector<16xi32>,
      %gather3A_428 = tpu.vector_load_idx %arg18[%broadcast_in_dim3A_427, %scan3A_310] : memref<128x64xf32, #tpu.memory_space<vmem>>[vector<16xi32>, vector<16xi32>], vector<16xf32>,
      %gather3A_429 = tpu.vector_load_idx %arg19[%broadcast_in_dim3A_427, %scan3A_310] : memref<128x64xf32, #tpu.memory_space<vmem>>[vector<16xi32>, vector<16xi32>], vector<16xf32>,
      %mul3A_430 = arith.mulf %gather3A_428, %scan3A_314 : vector<16xf32>
      %mul3A_431 = arith.mulf %gather3A_429, %scan3A_318 : vector<16xf32>
      %sub3A_432 = arith.subf %mul3A_430, %mul3A_431 : vector<16xf32>
      %mul3A_433 = arith.mulf %gather3A_428, %scan3A_318 : vector<16xf32>
      %mul3A_434 = arith.mulf %gather3A_429, %scan3A_314 : vector<16xf32>
      %add3A_435 = arith.addf %mul3A_433, %mul3A_434 : vector<16xf32>
      %gather3A_436 = tpu.vector_load_idx %arg17[%broadcast_in_dim3A_427, %scan3A_311] : memref<128x64xi32, #tpu.memory_space<vmem>>[vector<16xi32>, vector<16xi32>], vector<16xi32>,
      %gather3A_437 = tpu.vector_load_idx %arg18[%broadcast_in_dim3A_427, %scan3A_311] : memref<128x64xf32, #tpu.memory_space<vmem>>[vector<16xi32>, vector<16xi32>], vector<16xf32>,
      %gather3A_438 = tpu.vector_load_idx %arg19[%broadcast_in_dim3A_427, %scan3A_311] : memref<128x64xf32, #tpu.memory_space<vmem>>[vector<16xi32>, vector<16xi32>], vector<16xf32>,
      %mul3A_439 = arith.mulf %gather3A_437, %scan3A_315 : vector<16xf32>
      %mul3A_440 = arith.mulf %gather3A_438, %scan3A_319 : vector<16xf32>
      %sub3A_441 = arith.subf %mul3A_439, %mul3A_440 : vector<16xf32>
      %mul3A_442 = arith.mulf %gather3A_437, %scan3A_319 : vector<16xf32>
      %mul3A_443 = arith.mulf %gather3A_438, %scan3A_315 : vector<16xf32>
      %add3A_444 = arith.addf %mul3A_442, %mul3A_443 : vector<16xf32>
      %gather3A_445 = tpu.vector_load_idx %arg17[%broadcast_in_dim3A_427, %scan3A_312] : memref<128x64xi32, #tpu.memory_space<vmem>>[vector<16xi32>, vector<16xi32>], vector<16xi32>,
      %gather3A_446 = tpu.vector_load_idx %arg18[%broadcast_in_dim3A_427, %scan3A_312] : memref<128x64xf32, #tpu.memory_space<vmem>>[vector<16xi32>, vector<16xi32>], vector<16xf32>,
      %gather3A_447 = tpu.vector_load_idx %arg19[%broadcast_in_dim3A_427, %scan3A_312] : memref<128x64xf32, #tpu.memory_space<vmem>>[vector<16xi32>, vector<16xi32>], vector<16xf32>,
      %mul3A_448 = arith.mulf %gather3A_446, %scan3A_316 : vector<16xf32>
      %mul3A_449 = arith.mulf %gather3A_447, %scan3A_320 : vector<16xf32>
      %sub3A_450 = arith.subf %mul3A_448, %mul3A_449 : vector<16xf32>
      %mul3A_451 = arith.mulf %gather3A_446, %scan3A_320 : vector<16xf32>
      %mul3A_452 = arith.mulf %gather3A_447, %scan3A_316 : vector<16xf32>
      %add3A_453 = arith.addf %mul3A_451, %mul3A_452 : vector<16xf32>
      %gather3A_454 = tpu.vector_load_idx %arg17[%broadcast_in_dim3A_427, %scan3A_313] : memref<128x64xi32, #tpu.memory_space<vmem>>[vector<16xi32>, vector<16xi32>], vector<16xi32>,
      %gather3A_455 = tpu.vector_load_idx %arg18[%broadcast_in_dim3A_427, %scan3A_313] : memref<128x64xf32, #tpu.memory_space<vmem>>[vector<16xi32>, vector<16xi32>], vector<16xf32>,
      %gather3A_456 = tpu.vector_load_idx %arg19[%broadcast_in_dim3A_427, %scan3A_313] : memref<128x64xf32, #tpu.memory_space<vmem>>[vector<16xi32>, vector<16xi32>], vector<16xf32>,
      %mul3A_457 = arith.mulf %gather3A_455, %scan3A_317 : vector<16xf32>
      %mul3A_458 = arith.mulf %gather3A_456, %scan3A_321 : vector<16xf32>
      %sub3A_459 = arith.subf %mul3A_457, %mul3A_458 : vector<16xf32>
      %mul3A_460 = arith.mulf %gather3A_455, %scan3A_321 : vector<16xf32>
      %mul3A_461 = arith.mulf %gather3A_456, %scan3A_317 : vector<16xf32>
      %add3A_462 = arith.addf %mul3A_460, %mul3A_461 : vector<16xf32>
      %get3A_463 = arith.constant 0 : index
      %get3A_464 = tpu.vector_load %arg22[%get3A_463] {strides = array<i32>} : memref<64xf32, #tpu.memory_space<vmem>>, vector<16xf32>,
      %get3A_465 = arith.constant 0 : index
      %get3A_466 = tpu.vector_load %arg23[%get3A_465] {strides = array<i32>} : memref<64xf32, #tpu.memory_space<vmem>>, vector<16xf32>,
      %swap3A_467 = arith.index_cast %scan3A_309 : i32 to index
      %swap3A_468 = arith.constant 0 : index
      %swap3A_469 = tpu.vector_load %arg17[%swap3A_467, %swap3A_468] {strides = array<i32>} : memref<128x64xi32, #tpu.memory_space<vmem>>, vector<16xi32>,
      tpu.vector_store %arg17[%swap3A_467, %swap3A_468], %gather3A {strides = array<i32>} : memref<128x64xi32, #tpu.memory_space<vmem>>, vector<16xi32>,
      %swap3A_470 = arith.index_cast %scan3A_309 : i32 to index
      %swap3A_471 = arith.constant 0 : index
      %swap3A_472 = tpu.vector_load %arg18[%swap3A_470, %swap3A_471] {strides = array<i32>} : memref<128x64xf32, #tpu.memory_space<vmem>>, vector<16xf32>,
      tpu.vector_store %arg18[%swap3A_470, %swap3A_471], %sub3A_432 {strides = array<i32>} : memref<128x64xf32, #tpu.memory_space<vmem>>, vector<16xf32>,
      %swap3A_473 = arith.index_cast %scan3A_309 : i32 to index
      %swap3A_474 = arith.constant 0 : index
      %swap3A_475 = tpu.vector_load %arg19[%swap3A_473, %swap3A_474] {strides = array<i32>} : memref<128x64xf32, #tpu.memory_space<vmem>>, vector<16xf32>,
      tpu.vector_store %arg19[%swap3A_473, %swap3A_474], %add3A_435 {strides = array<i32>} : memref<128x64xf32, #tpu.memory_space<vmem>>, vector<16xf32>,
      %swap3A_476 = arith.index_cast %scan3A_309 : i32 to index
      %swap3A_477 = arith.constant 0 : index
      %swap3A_478 = tpu.vector_load %arg20[%swap3A_476, %swap3A_477] {strides = array<i32>} : memref<128x64xf32, #tpu.memory_space<vmem>>, vector<16xf32>,
      tpu.vector_store %arg20[%swap3A_476, %swap3A_477], %get3A_464 {strides = array<i32>} : memref<128x64xf32, #tpu.memory_space<vmem>>, vector<16xf32>,
      %swap3A_479 = arith.index_cast %scan3A_309 : i32 to index
      %swap3A_480 = arith.constant 0 : index
      %swap3A_481 = tpu.vector_load %arg21[%swap3A_479, %swap3A_480] {strides = array<i32>} : memref<128x64xf32, #tpu.memory_space<vmem>>, vector<16xf32>,
      tpu.vector_store %arg21[%swap3A_479, %swap3A_480], %get3A_466 {strides = array<i32>} : memref<128x64xf32, #tpu.memory_space<vmem>>, vector<16xf32>,
      %get3A_482 = arith.constant 16 : index
      %get3A_483 = tpu.vector_load %arg22[%get3A_482] {strides = array<i32>} : memref<64xf32, #tpu.memory_space<vmem>>, vector<16xf32>,
      %get3A_484 = arith.constant 16 : index
      %get3A_485 = tpu.vector_load %arg23[%get3A_484] {strides = array<i32>} : memref<64xf32, #tpu.memory_space<vmem>>, vector<16xf32>,
      %swap3A_486 = arith.index_cast %scan3A_309 : i32 to index
      %swap3A_487 = arith.constant 16 : index
      %swap3A_488 = tpu.vector_load %arg17[%swap3A_486, %swap3A_487] {strides = array<i32>} : memref<128x64xi32, #tpu.memory_space<vmem>>, vector<16xi32>,
      tpu.vector_store %arg17[%swap3A_486, %swap3A_487], %gather3A_436 {strides = array<i32>} : memref<128x64xi32, #tpu.memory_space<vmem>>, vector<16xi32>,
      %swap3A_489 = arith.index_cast %scan3A_309 : i32 to index
      %swap3A_490 = arith.constant 16 : index
      %swap3A_491 = tpu.vector_load %arg18[%swap3A_489, %swap3A_490] {strides = array<i32>} : memref<128x64xf32, #tpu.memory_space<vmem>>, vector<16xf32>,
      tpu.vector_store %arg18[%swap3A_489, %swap3A_490], %sub3A_441 {strides = array<i32>} : memref<128x64xf32, #tpu.memory_space<vmem>>, vector<16xf32>,
      %swap3A_492 = arith.index_cast %scan3A_309 : i32 to index
      %swap3A_493 = arith.constant 16 : index
      %swap3A_494 = tpu.vector_load %arg19[%swap3A_492, %swap3A_493] {strides = array<i32>} : memref<128x64xf32, #tpu.memory_space<vmem>>, vector<16xf32>,
      tpu.vector_store %arg19[%swap3A_492, %swap3A_493], %add3A_444 {strides = array<i32>} : memref<128x64xf32, #tpu.memory_space<vmem>>, vector<16xf32>,
      %swap3A_495 = arith.index_cast %scan3A_309 : i32 to index
      %swap3A_496 = arith.constant 16 : index
      %swap3A_497 = tpu.vector_load %arg20[%swap3A_495, %swap3A_496] {strides = array<i32>} : memref<128x64xf32, #tpu.memory_space<vmem>>, vector<16xf32>,
      tpu.vector_store %arg20[%swap3A_495, %swap3A_496], %get3A_483 {strides = array<i32>} : memref<128x64xf32, #tpu.memory_space<vmem>>, vector<16xf32>,
      %swap3A_498 = arith.index_cast %scan3A_309 : i32 to index
      %swap3A_499 = arith.constant 16 : index
      %swap3A_500 = tpu.vector_load %arg21[%swap3A_498, %swap3A_499] {strides = array<i32>} : memref<128x64xf32, #tpu.memory_space<vmem>>, vector<16xf32>,
      tpu.vector_store %arg21[%swap3A_498, %swap3A_499], %get3A_485 {strides = array<i32>} : memref<128x64xf32, #tpu.memory_space<vmem>>, vector<16xf32>,
      %get3A_501 = arith.constant 32 : index
      %get3A_502 = tpu.vector_load %arg22[%get3A_501] {strides = array<i32>} : memref<64xf32, #tpu.memory_space<vmem>>, vector<16xf32>,
      %get3A_503 = arith.constant 32 : index
      %get3A_504 = tpu.vector_load %arg23[%get3A_503] {strides = array<i32>} : memref<64xf32, #tpu.memory_space<vmem>>, vector<16xf32>,
      %swap3A_505 = arith.index_cast %scan3A_309 : i32 to index
      %swap3A_506 = arith.constant 32 : index
      %swap3A_507 = tpu.vector_load %arg17[%swap3A_505, %swap3A_506] {strides = array<i32>} : memref<128x64xi32, #tpu.memory_space<vmem>>, vector<16xi32>,
      tpu.vector_store %arg17[%swap3A_505, %swap3A_506], %gather3A_445 {strides = array<i32>} : memref<128x64xi32, #tpu.memory_space<vmem>>, vector<16xi32>,
      %swap3A_508 = arith.index_cast %scan3A_309 : i32 to index
      %swap3A_509 = arith.constant 32 : index
      %swap3A_510 = tpu.vector_load %arg18[%swap3A_508, %swap3A_509] {strides = array<i32>} : memref<128x64xf32, #tpu.memory_space<vmem>>, vector<16xf32>,
      tpu.vector_store %arg18[%swap3A_508, %swap3A_509], %sub3A_450 {strides = array<i32>} : memref<128x64xf32, #tpu.memory_space<vmem>>, vector<16xf32>,
      %swap3A_511 = arith.index_cast %scan3A_309 : i32 to index
      %swap3A_512 = arith.constant 32 : index
      %swap3A_513 = tpu.vector_load %arg19[%swap3A_511, %swap3A_512] {strides = array<i32>} : memref<128x64xf32, #tpu.memory_space<vmem>>, vector<16xf32>,
      tpu.vector_store %arg19[%swap3A_511, %swap3A_512], %add3A_453 {strides = array<i32>} : memref<128x64xf32, #tpu.memory_space<vmem>>, vector<16xf32>,
      %swap3A_514 = arith.index_cast %scan3A_309 : i32 to index
      %swap3A_515 = arith.constant 32 : index
      %swap3A_516 = tpu.vector_load %arg20[%swap3A_514, %swap3A_515] {strides = array<i32>} : memref<128x64xf32, #tpu.memory_space<vmem>>, vector<16xf32>,
      tpu.vector_store %arg20[%swap3A_514, %swap3A_515], %get3A_502 {strides = array<i32>} : memref<128x64xf32, #tpu.memory_space<vmem>>, vector<16xf32>,
      %swap3A_517 = arith.index_cast %scan3A_309 : i32 to index
      %swap3A_518 = arith.constant 32 : index
      %swap3A_519 = tpu.vector_load %arg21[%swap3A_517, %swap3A_518] {strides = array<i32>} : memref<128x64xf32, #tpu.memory_space<vmem>>, vector<16xf32>,
      tpu.vector_store %arg21[%swap3A_517, %swap3A_518], %get3A_504 {strides = array<i32>} : memref<128x64xf32, #tpu.memory_space<vmem>>, vector<16xf32>,
      %get3A_520 = arith.constant 48 : index
      %get3A_521 = tpu.vector_load %arg22[%get3A_520] {strides = array<i32>} : memref<64xf32, #tpu.memory_space<vmem>>, vector<16xf32>,
      %get3A_522 = arith.constant 48 : index
      %get3A_523 = tpu.vector_load %arg23[%get3A_522] {strides = array<i32>} : memref<64xf32, #tpu.memory_space<vmem>>, vector<16xf32>,
      %swap3A_524 = arith.index_cast %scan3A_309 : i32 to index
      %swap3A_525 = arith.constant 48 : index
      %swap3A_526 = tpu.vector_load %arg17[%swap3A_524, %swap3A_525] {strides = array<i32>} : memref<128x64xi32, #tpu.memory_space<vmem>>, vector<16xi32>,
      tpu.vector_store %arg17[%swap3A_524, %swap3A_525], %gather3A_454 {strides = array<i32>} : memref<128x64xi32, #tpu.memory_space<vmem>>, vector<16xi32>,
      %swap3A_527 = arith.index_cast %scan3A_309 : i32 to index
      %swap3A_528 = arith.constant 48 : index
      %swap3A_529 = tpu.vector_load %arg18[%swap3A_527, %swap3A_528] {strides = array<i32>} : memref<128x64xf32, #tpu.memory_space<vmem>>, vector<16xf32>,
      tpu.vector_store %arg18[%swap3A_527, %swap3A_528], %sub3A_459 {strides = array<i32>} : memref<128x64xf32, #tpu.memory_space<vmem>>, vector<16xf32>,
      %swap3A_530 = arith.index_cast %scan3A_309 : i32 to index
      %swap3A_531 = arith.constant 48 : index
      %swap3A_532 = tpu.vector_load %arg19[%swap3A_530, %swap3A_531] {strides = array<i32>} : memref<128x64xf32, #tpu.memory_space<vmem>>, vector<16xf32>,
      tpu.vector_store %arg19[%swap3A_530, %swap3A_531], %add3A_462 {strides = array<i32>} : memref<128x64xf32, #tpu.memory_space<vmem>>, vector<16xf32>,
      %swap3A_533 = arith.index_cast %scan3A_309 : i32 to index
      %swap3A_534 = arith.constant 48 : index
      %swap3A_535 = tpu.vector_load %arg20[%swap3A_533, %swap3A_534] {strides = array<i32>} : memref<128x64xf32, #tpu.memory_space<vmem>>, vector<16xf32>,
      tpu.vector_store %arg20[%swap3A_533, %swap3A_534], %get3A_521 {strides = array<i32>} : memref<128x64xf32, #tpu.memory_space<vmem>>, vector<16xf32>,
      %swap3A_536 = arith.index_cast %scan3A_309 : i32 to index
      %swap3A_537 = arith.constant 48 : index
      %swap3A_538 = tpu.vector_load %arg21[%swap3A_536, %swap3A_537] {strides = array<i32>} : memref<128x64xf32, #tpu.memory_space<vmem>>, vector<16xf32>,
      tpu.vector_store %arg21[%swap3A_536, %swap3A_537], %get3A_523 {strides = array<i32>} : memref<128x64xf32, #tpu.memory_space<vmem>>, vector<16xf32>,
      scf.yield %gather3A, %gather3A_436, %gather3A_445, %gather3A_454, %sub3A_432, %sub3A_441, %sub3A_450, %sub3A_459, %add3A_435, %add3A_444, %add3A_453, %add3A_462, %get3A_464, %get3A_483, %get3A_502, %get3A_521, %get3A_466, %get3A_485, %get3A_504, %get3A_523 : vector<16xi32>, vector<16xi32>, vector<16xi32>, vector<16xi32>, vector<16xf32>, vector<16xf32>, vector<16xf32>, vector<16xf32>, vector<16xf32>, vector<16xf32>, vector<16xf32>, vector<16xf32>, vector<16xf32>, vector<16xf32>, vector<16xf32>, vector<16xf32>, vector<16xf32>, vector<16xf32>, vector<16xf32>, vector<16xf32>
    }
    %scan3A_98 = arith.constant 128 : i32
    %dma_start3A_99 = arith.constant 0 : i32
    %dma_start3A_100 = arith.constant 0 : i32
    %dma_start3A_101 = tpu.memref_slice %arg7[%add3A, %dma_start3A_99, %dma_start3A_100] : memref<32x128x64xi32, #tpu.memory_space<hbm>> -> memref<1x128x64xi32, #tpu.memory_space<hbm>>
    %dma_start3A_102 = tpu.memref_squeeze %dma_start3A_101 : memref<1x128x64xi32, #tpu.memory_space<hbm>> -> memref<128x64xi32, #tpu.memory_space<hbm>>
    %dma_start3A_103 = arith.constant 0 : i32
    %dma_start3A_104 = arith.constant 0 : i32
    %dma_start3A_105 = tpu.memref_slice %arg7[%add3A, %dma_start3A_103, %dma_start3A_104] : memref<32x128x64xi32, #tpu.memory_space<hbm>> -> memref<1x128x64xi32, #tpu.memory_space<hbm>>
    %dma_start3A_106 = tpu.memref_squeeze %dma_start3A_105 : memref<1x128x64xi32, #tpu.memory_space<hbm>> -> memref<128x64xi32, #tpu.memory_space<hbm>>
    tpu.enqueue_dma source(%arg17 : memref<128x64xi32, #tpu.memory_space<vmem>>) target(%dma_start3A_106 : memref<128x64xi32, #tpu.memory_space<hbm>>) target_semaphore(%arg24 : memref<!tpu.dma_semaphore, #tpu.memory_space<semaphore_mem>>)
    %dma_start3A_107 = arith.constant 0 : i32
    %dma_start3A_108 = arith.constant 0 : i32
    %dma_start3A_109 = tpu.memref_slice %arg8[%add3A, %dma_start3A_107, %dma_start3A_108] : memref<32x128x64xf32, #tpu.memory_space<hbm>> -> memref<1x128x64xf32, #tpu.memory_space<hbm>>
    %dma_start3A_110 = tpu.memref_squeeze %dma_start3A_109 : memref<1x128x64xf32, #tpu.memory_space<hbm>> -> memref<128x64xf32, #tpu.memory_space<hbm>>
    %dma_start3A_111 = arith.constant 0 : i32
    %dma_start3A_112 = arith.constant 0 : i32
    %dma_start3A_113 = tpu.memref_slice %arg8[%add3A, %dma_start3A_111, %dma_start3A_112] : memref<32x128x64xf32, #tpu.memory_space<hbm>> -> memref<1x128x64xf32, #tpu.memory_space<hbm>>
    %dma_start3A_114 = tpu.memref_squeeze %dma_start3A_113 : memref<1x128x64xf32, #tpu.memory_space<hbm>> -> memref<128x64xf32, #tpu.memory_space<hbm>>
    tpu.enqueue_dma source(%arg18 : memref<128x64xf32, #tpu.memory_space<vmem>>) target(%dma_start3A_114 : memref<128x64xf32, #tpu.memory_space<hbm>>) target_semaphore(%arg24 : memref<!tpu.dma_semaphore, #tpu.memory_space<semaphore_mem>>)
    %dma_start3A_115 = arith.constant 0 : i32
    %dma_start3A_116 = arith.constant 0 : i32
    %dma_start3A_117 = tpu.memref_slice %arg9[%add3A, %dma_start3A_115, %dma_start3A_116] : memref<32x128x64xf32, #tpu.memory_space<hbm>> -> memref<1x128x64xf32, #tpu.memory_space<hbm>>
    %dma_start3A_118 = tpu.memref_squeeze %dma_start3A_117 : memref<1x128x64xf32, #tpu.memory_space<hbm>> -> memref<128x64xf32, #tpu.memory_space<hbm>>
    %dma_start3A_119 = arith.constant 0 : i32
    %dma_start3A_120 = arith.constant 0 : i32
    %dma_start3A_121 = tpu.memref_slice %arg9[%add3A, %dma_start3A_119, %dma_start3A_120] : memref<32x128x64xf32, #tpu.memory_space<hbm>> -> memref<1x128x64xf32, #tpu.memory_space<hbm>>
    %dma_start3A_122 = tpu.memref_squeeze %dma_start3A_121 : memref<1x128x64xf32, #tpu.memory_space<hbm>> -> memref<128x64xf32, #tpu.memory_space<hbm>>
    tpu.enqueue_dma source(%arg19 : memref<128x64xf32, #tpu.memory_space<vmem>>) target(%dma_start3A_122 : memref<128x64xf32, #tpu.memory_space<hbm>>) target_semaphore(%arg24 : memref<!tpu.dma_semaphore, #tpu.memory_space<semaphore_mem>>)
    %dma_start3A_123 = arith.constant 0 : i32
    %dma_start3A_124 = arith.constant 0 : i32
    %dma_start3A_125 = tpu.memref_slice %arg10[%add3A, %dma_start3A_123, %dma_start3A_124] : memref<32x128x64xf32, #tpu.memory_space<hbm>> -> memref<1x128x64xf32, #tpu.memory_space<hbm>>
    %dma_start3A_126 = tpu.memref_squeeze %dma_start3A_125 : memref<1x128x64xf32, #tpu.memory_space<hbm>> -> memref<128x64xf32, #tpu.memory_space<hbm>>
    %dma_start3A_127 = arith.constant 0 : i32
    %dma_start3A_128 = arith.constant 0 : i32
    %dma_start3A_129 = tpu.memref_slice %arg10[%add3A, %dma_start3A_127, %dma_start3A_128] : memref<32x128x64xf32, #tpu.memory_space<hbm>> -> memref<1x128x64xf32, #tpu.memory_space<hbm>>
    %dma_start3A_130 = tpu.memref_squeeze %dma_start3A_129 : memref<1x128x64xf32, #tpu.memory_space<hbm>> -> memref<128x64xf32, #tpu.memory_space<hbm>>
    tpu.enqueue_dma source(%arg20 : memref<128x64xf32, #tpu.memory_space<vmem>>) target(%dma_start3A_130 : memref<128x64xf32, #tpu.memory_space<hbm>>) target_semaphore(%arg24 : memref<!tpu.dma_semaphore, #tpu.memory_space<semaphore_mem>>)
    %dma_start3A_131 = arith.constant 0 : i32
    %dma_start3A_132 = arith.constant 0 : i32
    %dma_start3A_133 = tpu.memref_slice %arg11[%add3A, %dma_start3A_131, %dma_start3A_132] : memref<32x128x64xf32, #tpu.memory_space<hbm>> -> memref<1x128x64xf32, #tpu.memory_space<hbm>>
    %dma_start3A_134 = tpu.memref_squeeze %dma_start3A_133 : memref<1x128x64xf32, #tpu.memory_space<hbm>> -> memref<128x64xf32, #tpu.memory_space<hbm>>
    %dma_start3A_135 = arith.constant 0 : i32
    %dma_start3A_136 = arith.constant 0 : i32
    %dma_start3A_137 = tpu.memref_slice %arg11[%add3A, %dma_start3A_135, %dma_start3A_136] : memref<32x128x64xf32, #tpu.memory_space<hbm>> -> memref<1x128x64xf32, #tpu.memory_space<hbm>>
    %dma_start3A_138 = tpu.memref_squeeze %dma_start3A_137 : memref<1x128x64xf32, #tpu.memory_space<hbm>> -> memref<128x64xf32, #tpu.memory_space<hbm>>
    tpu.enqueue_dma source(%arg21 : memref<128x64xf32, #tpu.memory_space<vmem>>) target(%dma_start3A_138 : memref<128x64xf32, #tpu.memory_space<hbm>>) target_semaphore(%arg24 : memref<!tpu.dma_semaphore, #tpu.memory_space<semaphore_mem>>)
    %dma_start3A_139 = arith.constant 127 : i32
    %dma_start3A_140 = arith.constant 0 : i32
    %dma_start3A_141 = tpu.memref_slice %arg17[%dma_start3A_139, %dma_start3A_140] : memref<128x64xi32, #tpu.memory_space<vmem>> -> memref<1x64xi32, #tpu.memory_space<vmem>>
    %dma_start3A_142 = tpu.memref_squeeze %dma_start3A_141 : memref<1x64xi32, #tpu.memory_space<vmem>> -> memref<64xi32, #tpu.memory_space<vmem>>
    %dma_start3A_143 = arith.constant 0 : i32
    %dma_start3A_144 = tpu.memref_slice %arg12[%add3A, %dma_start3A_143] : memref<32x64xi32, #tpu.memory_space<hbm>> -> memref<1x64xi32, #tpu.memory_space<hbm>>
    %dma_start3A_145 = tpu.memref_squeeze %dma_start3A_144 : memref<1x64xi32, #tpu.memory_space<hbm>> -> memref<64xi32, #tpu.memory_space<hbm>>
    %dma_start3A_146 = arith.constant 0 : i32
    %dma_start3A_147 = tpu.memref_slice %arg12[%add3A, %dma_start3A_146] : memref<32x64xi32, #tpu.memory_space<hbm>> -> memref<1x64xi32, #tpu.memory_space<hbm>>
    %dma_start3A_148 = tpu.memref_squeeze %dma_start3A_147 : memref<1x64xi32, #tpu.memory_space<hbm>> -> memref<64xi32, #tpu.memory_space<hbm>>
    %dma_start3A_149 = arith.constant 0 : i32
    %dma_start3A_150 = tpu.memref_slice %arg17[%dma_start3A_139, %dma_start3A_149] : memref<128x64xi32, #tpu.memory_space<vmem>> -> memref<1x64xi32, #tpu.memory_space<vmem>>
    %dma_start3A_151 = tpu.memref_squeeze %dma_start3A_150 : memref<1x64xi32, #tpu.memory_space<vmem>> -> memref<64xi32, #tpu.memory_space<vmem>>
    tpu.enqueue_dma source(%dma_start3A_151 : memref<64xi32, #tpu.memory_space<vmem>>) target(%dma_start3A_148 : memref<64xi32, #tpu.memory_space<hbm>>) target_semaphore(%arg24 : memref<!tpu.dma_semaphore, #tpu.memory_space<semaphore_mem>>)
    %dma_start3A_152 = arith.constant 127 : i32
    %dma_start3A_153 = arith.constant 0 : i32
    %dma_start3A_154 = tpu.memref_slice %arg18[%dma_start3A_152, %dma_start3A_153] : memref<128x64xf32, #tpu.memory_space<vmem>> -> memref<1x64xf32, #tpu.memory_space<vmem>>
    %dma_start3A_155 = tpu.memref_squeeze %dma_start3A_154 : memref<1x64xf32, #tpu.memory_space<vmem>> -> memref<64xf32, #tpu.memory_space<vmem>>
    %dma_start3A_156 = arith.constant 0 : i32
    %dma_start3A_157 = tpu.memref_slice %arg13[%add3A, %dma_start3A_156] : memref<32x64xf32, #tpu.memory_space<hbm>> -> memref<1x64xf32, #tpu.memory_space<hbm>>
    %dma_start3A_158 = tpu.memref_squeeze %dma_start3A_157 : memref<1x64xf32, #tpu.memory_space<hbm>> -> memref<64xf32, #tpu.memory_space<hbm>>
    %dma_start3A_159 = arith.constant 0 : i32
    %dma_start3A_160 = tpu.memref_slice %arg13[%add3A, %dma_start3A_159] : memref<32x64xf32, #tpu.memory_space<hbm>> -> memref<1x64xf32, #tpu.memory_space<hbm>>
    %dma_start3A_161 = tpu.memref_squeeze %dma_start3A_160 : memref<1x64xf32, #tpu.memory_space<hbm>> -> memref<64xf32, #tpu.memory_space<hbm>>
    %dma_start3A_162 = arith.constant 0 : i32
    %dma_start3A_163 = tpu.memref_slice %arg18[%dma_start3A_152, %dma_start3A_162] : memref<128x64xf32, #tpu.memory_space<vmem>> -> memref<1x64xf32, #tpu.memory_space<vmem>>
    %dma_start3A_164 = tpu.memref_squeeze %dma_start3A_163 : memref<1x64xf32, #tpu.memory_space<vmem>> -> memref<64xf32, #tpu.memory_space<vmem>>
    tpu.enqueue_dma source(%dma_start3A_164 : memref<64xf32, #tpu.memory_space<vmem>>) target(%dma_start3A_161 : memref<64xf32, #tpu.memory_space<hbm>>) target_semaphore(%arg24 : memref<!tpu.dma_semaphore, #tpu.memory_space<semaphore_mem>>)
    %dma_start3A_165 = arith.constant 127 : i32
    %dma_start3A_166 = arith.constant 0 : i32
    %dma_start3A_167 = tpu.memref_slice %arg19[%dma_start3A_165, %dma_start3A_166] : memref<128x64xf32, #tpu.memory_space<vmem>> -> memref<1x64xf32, #tpu.memory_space<vmem>>
    %dma_start3A_168 = tpu.memref_squeeze %dma_start3A_167 : memref<1x64xf32, #tpu.memory_space<vmem>> -> memref<64xf32, #tpu.memory_space<vmem>>
    %dma_start3A_169 = arith.constant 0 : i32
    %dma_start3A_170 = tpu.memref_slice %arg14[%add3A, %dma_start3A_169] : memref<32x64xf32, #tpu.memory_space<hbm>> -> memref<1x64xf32, #tpu.memory_space<hbm>>
    %dma_start3A_171 = tpu.memref_squeeze %dma_start3A_170 : memref<1x64xf32, #tpu.memory_space<hbm>> -> memref<64xf32, #tpu.memory_space<hbm>>
    %dma_start3A_172 = arith.constant 0 : i32
    %dma_start3A_173 = tpu.memref_slice %arg14[%add3A, %dma_start3A_172] : memref<32x64xf32, #tpu.memory_space<hbm>> -> memref<1x64xf32, #tpu.memory_space<hbm>>
    %dma_start3A_174 = tpu.memref_squeeze %dma_start3A_173 : memref<1x64xf32, #tpu.memory_space<hbm>> -> memref<64xf32, #tpu.memory_space<hbm>>
    %dma_start3A_175 = arith.constant 0 : i32
    %dma_start3A_176 = tpu.memref_slice %arg19[%dma_start3A_165, %dma_start3A_175] : memref<128x64xf32, #tpu.memory_space<vmem>> -> memref<1x64xf32, #tpu.memory_space<vmem>>
    %dma_start3A_177 = tpu.memref_squeeze %dma_start3A_176 : memref<1x64xf32, #tpu.memory_space<vmem>> -> memref<64xf32, #tpu.memory_space<vmem>>
    tpu.enqueue_dma source(%dma_start3A_177 : memref<64xf32, #tpu.memory_space<vmem>>) target(%dma_start3A_174 : memref<64xf32, #tpu.memory_space<hbm>>) target_semaphore(%arg24 : memref<!tpu.dma_semaphore, #tpu.memory_space<semaphore_mem>>)
    %dma_start3A_178 = arith.constant 127 : i32
    %dma_start3A_179 = arith.constant 0 : i32
    %dma_start3A_180 = tpu.memref_slice %arg20[%dma_start3A_178, %dma_start3A_179] : memref<128x64xf32, #tpu.memory_space<vmem>> -> memref<1x64xf32, #tpu.memory_space<vmem>>
    %dma_start3A_181 = tpu.memref_squeeze %dma_start3A_180 : memref<1x64xf32, #tpu.memory_space<vmem>> -> memref<64xf32, #tpu.memory_space<vmem>>
    %dma_start3A_182 = arith.constant 0 : i32
    %dma_start3A_183 = tpu.memref_slice %arg15[%add3A, %dma_start3A_182] : memref<32x64xf32, #tpu.memory_space<hbm>> -> memref<1x64xf32, #tpu.memory_space<hbm>>
    %dma_start3A_184 = tpu.memref_squeeze %dma_start3A_183 : memref<1x64xf32, #tpu.memory_space<hbm>> -> memref<64xf32, #tpu.memory_space<hbm>>
    %dma_start3A_185 = arith.constant 0 : i32
    %dma_start3A_186 = tpu.memref_slice %arg15[%add3A, %dma_start3A_185] : memref<32x64xf32, #tpu.memory_space<hbm>> -> memref<1x64xf32, #tpu.memory_space<hbm>>
    %dma_start3A_187 = tpu.memref_squeeze %dma_start3A_186 : memref<1x64xf32, #tpu.memory_space<hbm>> -> memref<64xf32, #tpu.memory_space<hbm>>
    %dma_start3A_188 = arith.constant 0 : i32
    %dma_start3A_189 = tpu.memref_slice %arg20[%dma_start3A_178, %dma_start3A_188] : memref<128x64xf32, #tpu.memory_space<vmem>> -> memref<1x64xf32, #tpu.memory_space<vmem>>
    %dma_start3A_190 = tpu.memref_squeeze %dma_start3A_189 : memref<1x64xf32, #tpu.memory_space<vmem>> -> memref<64xf32, #tpu.memory_space<vmem>>
    tpu.enqueue_dma source(%dma_start3A_190 : memref<64xf32, #tpu.memory_space<vmem>>) target(%dma_start3A_187 : memref<64xf32, #tpu.memory_space<hbm>>) target_semaphore(%arg24 : memref<!tpu.dma_semaphore, #tpu.memory_space<semaphore_mem>>)
    %dma_start3A_191 = arith.constant 127 : i32
    %dma_start3A_192 = arith.constant 0 : i32
    %dma_start3A_193 = tpu.memref_slice %arg21[%dma_start3A_191, %dma_start3A_192] : memref<128x64xf32, #tpu.memory_space<vmem>> -> memref<1x64xf32, #tpu.memory_space<vmem>>
    %dma_start3A_194 = tpu.memref_squeeze %dma_start3A_193 : memref<1x64xf32, #tpu.memory_space<vmem>> -> memref<64xf32, #tpu.memory_space<vmem>>
    %dma_start3A_195 = arith.constant 0 : i32
    %dma_start3A_196 = tpu.memref_slice %arg16[%add3A, %dma_start3A_195] : memref<32x64xf32, #tpu.memory_space<hbm>> -> memref<1x64xf32, #tpu.memory_space<hbm>>
    %dma_start3A_197 = tpu.memref_squeeze %dma_start3A_196 : memref<1x64xf32, #tpu.memory_space<hbm>> -> memref<64xf32, #tpu.memory_space<hbm>>
    %dma_start3A_198 = arith.constant 0 : i32
    %dma_start3A_199 = tpu.memref_slice %arg16[%add3A, %dma_start3A_198] : memref<32x64xf32, #tpu.memory_space<hbm>> -> memref<1x64xf32, #tpu.memory_space<hbm>>
    %dma_start3A_200 = tpu.memref_squeeze %dma_start3A_199 : memref<1x64xf32, #tpu.memory_space<hbm>> -> memref<64xf32, #tpu.memory_space<hbm>>
    %dma_start3A_201 = arith.constant 0 : i32
    %dma_start3A_202 = tpu.memref_slice %arg21[%dma_start3A_191, %dma_start3A_201] : memref<128x64xf32, #tpu.memory_space<vmem>> -> memref<1x64xf32, #tpu.memory_space<vmem>>
    %dma_start3A_203 = tpu.memref_squeeze %dma_start3A_202 : memref<1x64xf32, #tpu.memory_space<vmem>> -> memref<64xf32, #tpu.memory_space<vmem>>
    tpu.enqueue_dma source(%dma_start3A_203 : memref<64xf32, #tpu.memory_space<vmem>>) target(%dma_start3A_200 : memref<64xf32, #tpu.memory_space<hbm>>) target_semaphore(%arg24 : memref<!tpu.dma_semaphore, #tpu.memory_space<semaphore_mem>>)
    %dma_wait3A_204 = arith.constant 0 : i32
    %dma_wait3A_205 = arith.constant 0 : i32
    %dma_wait3A_206 = tpu.memref_slice %arg7[%add3A, %dma_wait3A_204, %dma_wait3A_205] : memref<32x128x64xi32, #tpu.memory_space<hbm>> -> memref<1x128x64xi32, #tpu.memory_space<hbm>>
    %dma_wait3A_207 = tpu.memref_squeeze %dma_wait3A_206 : memref<1x128x64xi32, #tpu.memory_space<hbm>> -> memref<128x64xi32, #tpu.memory_space<hbm>>
    %dma_wait3A_208 = arith.constant 0 : i32
    %dma_wait3A_209 = arith.constant 0 : i32
    %dma_wait3A_210 = tpu.memref_slice %arg7[%add3A, %dma_wait3A_208, %dma_wait3A_209] : memref<32x128x64xi32, #tpu.memory_space<hbm>> -> memref<1x128x64xi32, #tpu.memory_space<hbm>>
    %dma_wait3A_211 = tpu.memref_squeeze %dma_wait3A_210 : memref<1x128x64xi32, #tpu.memory_space<hbm>> -> memref<128x64xi32, #tpu.memory_space<hbm>>
    tpu.wait_dma2 semaphore(%arg24 : memref<!tpu.dma_semaphore, #tpu.memory_space<semaphore_mem>>) src(%arg17 : memref<128x64xi32, #tpu.memory_space<vmem>>) dst(%dma_wait3A_211 : memref<128x64xi32, #tpu.memory_space<hbm>>)
    %dma_wait3A_212 = arith.constant 0 : i32
    %dma_wait3A_213 = arith.constant 0 : i32
    %dma_wait3A_214 = tpu.memref_slice %arg8[%add3A, %dma_wait3A_212, %dma_wait3A_213] : memref<32x128x64xf32, #tpu.memory_space<hbm>> -> memref<1x128x64xf32, #tpu.memory_space<hbm>>
    %dma_wait3A_215 = tpu.memref_squeeze %dma_wait3A_214 : memref<1x128x64xf32, #tpu.memory_space<hbm>> -> memref<128x64xf32, #tpu.memory_space<hbm>>
    %dma_wait3A_216 = arith.constant 0 : i32
    %dma_wait3A_217 = arith.constant 0 : i32
    %dma_wait3A_218 = tpu.memref_slice %arg8[%add3A, %dma_wait3A_216, %dma_wait3A_217] : memref<32x128x64xf32, #tpu.memory_space<hbm>> -> memref<1x128x64xf32, #tpu.memory_space<hbm>>
    %dma_wait3A_219 = tpu.memref_squeeze %dma_wait3A_218 : memref<1x128x64xf32, #tpu.memory_space<hbm>> -> memref<128x64xf32, #tpu.memory_space<hbm>>
    tpu.wait_dma2 semaphore(%arg24 : memref<!tpu.dma_semaphore, #tpu.memory_space<semaphore_mem>>) src(%arg18 : memref<128x64xf32, #tpu.memory_space<vmem>>) dst(%dma_wait3A_219 : memref<128x64xf32, #tpu.memory_space<hbm>>)
    %dma_wait3A_220 = arith.constant 0 : i32
    %dma_wait3A_221 = arith.constant 0 : i32
    %dma_wait3A_222 = tpu.memref_slice %arg9[%add3A, %dma_wait3A_220, %dma_wait3A_221] : memref<32x128x64xf32, #tpu.memory_space<hbm>> -> memref<1x128x64xf32, #tpu.memory_space<hbm>>
    %dma_wait3A_223 = tpu.memref_squeeze %dma_wait3A_222 : memref<1x128x64xf32, #tpu.memory_space<hbm>> -> memref<128x64xf32, #tpu.memory_space<hbm>>
    %dma_wait3A_224 = arith.constant 0 : i32
    %dma_wait3A_225 = arith.constant 0 : i32
    %dma_wait3A_226 = tpu.memref_slice %arg9[%add3A, %dma_wait3A_224, %dma_wait3A_225] : memref<32x128x64xf32, #tpu.memory_space<hbm>> -> memref<1x128x64xf32, #tpu.memory_space<hbm>>
    %dma_wait3A_227 = tpu.memref_squeeze %dma_wait3A_226 : memref<1x128x64xf32, #tpu.memory_space<hbm>> -> memref<128x64xf32, #tpu.memory_space<hbm>>
    tpu.wait_dma2 semaphore(%arg24 : memref<!tpu.dma_semaphore, #tpu.memory_space<semaphore_mem>>) src(%arg19 : memref<128x64xf32, #tpu.memory_space<vmem>>) dst(%dma_wait3A_227 : memref<128x64xf32, #tpu.memory_space<hbm>>)
    %dma_wait3A_228 = arith.constant 0 : i32
    %dma_wait3A_229 = arith.constant 0 : i32
    %dma_wait3A_230 = tpu.memref_slice %arg10[%add3A, %dma_wait3A_228, %dma_wait3A_229] : memref<32x128x64xf32, #tpu.memory_space<hbm>> -> memref<1x128x64xf32, #tpu.memory_space<hbm>>
    %dma_wait3A_231 = tpu.memref_squeeze %dma_wait3A_230 : memref<1x128x64xf32, #tpu.memory_space<hbm>> -> memref<128x64xf32, #tpu.memory_space<hbm>>
    %dma_wait3A_232 = arith.constant 0 : i32
    %dma_wait3A_233 = arith.constant 0 : i32
    %dma_wait3A_234 = tpu.memref_slice %arg10[%add3A, %dma_wait3A_232, %dma_wait3A_233] : memref<32x128x64xf32, #tpu.memory_space<hbm>> -> memref<1x128x64xf32, #tpu.memory_space<hbm>>
    %dma_wait3A_235 = tpu.memref_squeeze %dma_wait3A_234 : memref<1x128x64xf32, #tpu.memory_space<hbm>> -> memref<128x64xf32, #tpu.memory_space<hbm>>
    tpu.wait_dma2 semaphore(%arg24 : memref<!tpu.dma_semaphore, #tpu.memory_space<semaphore_mem>>) src(%arg20 : memref<128x64xf32, #tpu.memory_space<vmem>>) dst(%dma_wait3A_235 : memref<128x64xf32, #tpu.memory_space<hbm>>)
    %dma_wait3A_236 = arith.constant 0 : i32
    %dma_wait3A_237 = arith.constant 0 : i32
    %dma_wait3A_238 = tpu.memref_slice %arg11[%add3A, %dma_wait3A_236, %dma_wait3A_237] : memref<32x128x64xf32, #tpu.memory_space<hbm>> -> memref<1x128x64xf32, #tpu.memory_space<hbm>>
    %dma_wait3A_239 = tpu.memref_squeeze %dma_wait3A_238 : memref<1x128x64xf32, #tpu.memory_space<hbm>> -> memref<128x64xf32, #tpu.memory_space<hbm>>
    %dma_wait3A_240 = arith.constant 0 : i32
    %dma_wait3A_241 = arith.constant 0 : i32
    %dma_wait3A_242 = tpu.memref_slice %arg11[%add3A, %dma_wait3A_240, %dma_wait3A_241] : memref<32x128x64xf32, #tpu.memory_space<hbm>> -> memref<1x128x64xf32, #tpu.memory_space<hbm>>
    %dma_wait3A_243 = tpu.memref_squeeze %dma_wait3A_242 : memref<1x128x64xf32, #tpu.memory_space<hbm>> -> memref<128x64xf32, #tpu.memory_space<hbm>>
    tpu.wait_dma2 semaphore(%arg24 : memref<!tpu.dma_semaphore, #tpu.memory_space<semaphore_mem>>) src(%arg21 : memref<128x64xf32, #tpu.memory_space<vmem>>) dst(%dma_wait3A_243 : memref<128x64xf32, #tpu.memory_space<hbm>>)
    %dma_wait3A_244 = arith.constant 127 : i32
    %dma_wait3A_245 = arith.constant 0 : i32
    %dma_wait3A_246 = tpu.memref_slice %arg17[%dma_wait3A_244, %dma_wait3A_245] : memref<128x64xi32, #tpu.memory_space<vmem>> -> memref<1x64xi32, #tpu.memory_space<vmem>>
    %dma_wait3A_247 = tpu.memref_squeeze %dma_wait3A_246 : memref<1x64xi32, #tpu.memory_space<vmem>> -> memref<64xi32, #tpu.memory_space<vmem>>
    %dma_wait3A_248 = arith.constant 0 : i32
    %dma_wait3A_249 = tpu.memref_slice %arg12[%add3A, %dma_wait3A_248] : memref<32x64xi32, #tpu.memory_space<hbm>> -> memref<1x64xi32, #tpu.memory_space<hbm>>
    %dma_wait3A_250 = tpu.memref_squeeze %dma_wait3A_249 : memref<1x64xi32, #tpu.memory_space<hbm>> -> memref<64xi32, #tpu.memory_space<hbm>>
    %dma_wait3A_251 = arith.constant 0 : i32
    %dma_wait3A_252 = tpu.memref_slice %arg12[%add3A, %dma_wait3A_251] : memref<32x64xi32, #tpu.memory_space<hbm>> -> memref<1x64xi32, #tpu.memory_space<hbm>>
    %dma_wait3A_253 = tpu.memref_squeeze %dma_wait3A_252 : memref<1x64xi32, #tpu.memory_space<hbm>> -> memref<64xi32, #tpu.memory_space<hbm>>
    %dma_wait3A_254 = arith.constant 0 : i32
    %dma_wait3A_255 = tpu.memref_slice %arg17[%dma_wait3A_244, %dma_wait3A_254] : memref<128x64xi32, #tpu.memory_space<vmem>> -> memref<1x64xi32, #tpu.memory_space<vmem>>
    %dma_wait3A_256 = tpu.memref_squeeze %dma_wait3A_255 : memref<1x64xi32, #tpu.memory_space<vmem>> -> memref<64xi32, #tpu.memory_space<vmem>>
    tpu.wait_dma2 semaphore(%arg24 : memref<!tpu.dma_semaphore, #tpu.memory_space<semaphore_mem>>) src(%dma_wait3A_256 : memref<64xi32, #tpu.memory_space<vmem>>) dst(%dma_wait3A_253 : memref<64xi32, #tpu.memory_space<hbm>>)
    %dma_wait3A_257 = arith.constant 127 : i32
    %dma_wait3A_258 = arith.constant 0 : i32
    %dma_wait3A_259 = tpu.memref_slice %arg18[%dma_wait3A_257, %dma_wait3A_258] : memref<128x64xf32, #tpu.memory_space<vmem>> -> memref<1x64xf32, #tpu.memory_space<vmem>>
    %dma_wait3A_260 = tpu.memref_squeeze %dma_wait3A_259 : memref<1x64xf32, #tpu.memory_space<vmem>> -> memref<64xf32, #tpu.memory_space<vmem>>
    %dma_wait3A_261 = arith.constant 0 : i32
    %dma_wait3A_262 = tpu.memref_slice %arg13[%add3A, %dma_wait3A_261] : memref<32x64xf32, #tpu.memory_space<hbm>> -> memref<1x64xf32, #tpu.memory_space<hbm>>
    %dma_wait3A_263 = tpu.memref_squeeze %dma_wait3A_262 : memref<1x64xf32, #tpu.memory_space<hbm>> -> memref<64xf32, #tpu.memory_space<hbm>>
    %dma_wait3A_264 = arith.constant 0 : i32
    %dma_wait3A_265 = tpu.memref_slice %arg13[%add3A, %dma_wait3A_264] : memref<32x64xf32, #tpu.memory_space<hbm>> -> memref<1x64xf32, #tpu.memory_space<hbm>>
    %dma_wait3A_266 = tpu.memref_squeeze %dma_wait3A_265 : memref<1x64xf32, #tpu.memory_space<hbm>> -> memref<64xf32, #tpu.memory_space<hbm>>
    %dma_wait3A_267 = arith.constant 0 : i32
    %dma_wait3A_268 = tpu.memref_slice %arg18[%dma_wait3A_257, %dma_wait3A_267] : memref<128x64xf32, #tpu.memory_space<vmem>> -> memref<1x64xf32, #tpu.memory_space<vmem>>
    %dma_wait3A_269 = tpu.memref_squeeze %dma_wait3A_268 : memref<1x64xf32, #tpu.memory_space<vmem>> -> memref<64xf32, #tpu.memory_space<vmem>>
    tpu.wait_dma2 semaphore(%arg24 : memref<!tpu.dma_semaphore, #tpu.memory_space<semaphore_mem>>) src(%dma_wait3A_269 : memref<64xf32, #tpu.memory_space<vmem>>) dst(%dma_wait3A_266 : memref<64xf32, #tpu.memory_space<hbm>>)
    %dma_wait3A_270 = arith.constant 127 : i32
    %dma_wait3A_271 = arith.constant 0 : i32
    %dma_wait3A_272 = tpu.memref_slice %arg19[%dma_wait3A_270, %dma_wait3A_271] : memref<128x64xf32, #tpu.memory_space<vmem>> -> memref<1x64xf32, #tpu.memory_space<vmem>>
    %dma_wait3A_273 = tpu.memref_squeeze %dma_wait3A_272 : memref<1x64xf32, #tpu.memory_space<vmem>> -> memref<64xf32, #tpu.memory_space<vmem>>
    %dma_wait3A_274 = arith.constant 0 : i32
    %dma_wait3A_275 = tpu.memref_slice %arg14[%add3A, %dma_wait3A_274] : memref<32x64xf32, #tpu.memory_space<hbm>> -> memref<1x64xf32, #tpu.memory_space<hbm>>
    %dma_wait3A_276 = tpu.memref_squeeze %dma_wait3A_275 : memref<1x64xf32, #tpu.memory_space<hbm>> -> memref<64xf32, #tpu.memory_space<hbm>>
    %dma_wait3A_277 = arith.constant 0 : i32
    %dma_wait3A_278 = tpu.memref_slice %arg14[%add3A, %dma_wait3A_277] : memref<32x64xf32, #tpu.memory_space<hbm>> -> memref<1x64xf32, #tpu.memory_space<hbm>>
    %dma_wait3A_279 = tpu.memref_squeeze %dma_wait3A_278 : memref<1x64xf32, #tpu.memory_space<hbm>> -> memref<64xf32, #tpu.memory_space<hbm>>
    %dma_wait3A_280 = arith.constant 0 : i32
    %dma_wait3A_281 = tpu.memref_slice %arg19[%dma_wait3A_270, %dma_wait3A_280] : memref<128x64xf32, #tpu.memory_space<vmem>> -> memref<1x64xf32, #tpu.memory_space<vmem>>
    %dma_wait3A_282 = tpu.memref_squeeze %dma_wait3A_281 : memref<1x64xf32, #tpu.memory_space<vmem>> -> memref<64xf32, #tpu.memory_space<vmem>>
    tpu.wait_dma2 semaphore(%arg24 : memref<!tpu.dma_semaphore, #tpu.memory_space<semaphore_mem>>) src(%dma_wait3A_282 : memref<64xf32, #tpu.memory_space<vmem>>) dst(%dma_wait3A_279 : memref<64xf32, #tpu.memory_space<hbm>>)
    %dma_wait3A_283 = arith.constant 127 : i32
    %dma_wait3A_284 = arith.constant 0 : i32
    %dma_wait3A_285 = tpu.memref_slice %arg20[%dma_wait3A_283, %dma_wait3A_284] : memref<128x64xf32, #tpu.memory_space<vmem>> -> memref<1x64xf32, #tpu.memory_space<vmem>>
    %dma_wait3A_286 = tpu.memref_squeeze %dma_wait3A_285 : memref<1x64xf32, #tpu.memory_space<vmem>> -> memref<64xf32, #tpu.memory_space<vmem>>
    %dma_wait3A_287 = arith.constant 0 : i32
    %dma_wait3A_288 = tpu.memref_slice %arg15[%add3A, %dma_wait3A_287] : memref<32x64xf32, #tpu.memory_space<hbm>> -> memref<1x64xf32, #tpu.memory_space<hbm>>
    %dma_wait3A_289 = tpu.memref_squeeze %dma_wait3A_288 : memref<1x64xf32, #tpu.memory_space<hbm>> -> memref<64xf32, #tpu.memory_space<hbm>>
    %dma_wait3A_290 = arith.constant 0 : i32
    %dma_wait3A_291 = tpu.memref_slice %arg15[%add3A, %dma_wait3A_290] : memref<32x64xf32, #tpu.memory_space<hbm>> -> memref<1x64xf32, #tpu.memory_space<hbm>>
    %dma_wait3A_292 = tpu.memref_squeeze %dma_wait3A_291 : memref<1x64xf32, #tpu.memory_space<hbm>> -> memref<64xf32, #tpu.memory_space<hbm>>
    %dma_wait3A_293 = arith.constant 0 : i32
    %dma_wait3A_294 = tpu.memref_slice %arg20[%dma_wait3A_283, %dma_wait3A_293] : memref<128x64xf32, #tpu.memory_space<vmem>> -> memref<1x64xf32, #tpu.memory_space<vmem>>
    %dma_wait3A_295 = tpu.memref_squeeze %dma_wait3A_294 : memref<1x64xf32, #tpu.memory_space<vmem>> -> memref<64xf32, #tpu.memory_space<vmem>>
    tpu.wait_dma2 semaphore(%arg24 : memref<!tpu.dma_semaphore, #tpu.memory_space<semaphore_mem>>) src(%dma_wait3A_295 : memref<64xf32, #tpu.memory_space<vmem>>) dst(%dma_wait3A_292 : memref<64xf32, #tpu.memory_space<hbm>>)
    %dma_wait3A_296 = arith.constant 127 : i32
    %dma_wait3A_297 = arith.constant 0 : i32
    %dma_wait3A_298 = tpu.memref_slice %arg21[%dma_wait3A_296, %dma_wait3A_297] : memref<128x64xf32, #tpu.memory_space<vmem>> -> memref<1x64xf32, #tpu.memory_space<vmem>>
    %dma_wait3A_299 = tpu.memref_squeeze %dma_wait3A_298 : memref<1x64xf32, #tpu.memory_space<vmem>> -> memref<64xf32, #tpu.memory_space<vmem>>
    %dma_wait3A_300 = arith.constant 0 : i32
    %dma_wait3A_301 = tpu.memref_slice %arg16[%add3A, %dma_wait3A_300] : memref<32x64xf32, #tpu.memory_space<hbm>> -> memref<1x64xf32, #tpu.memory_space<hbm>>
    %dma_wait3A_302 = tpu.memref_squeeze %dma_wait3A_301 : memref<1x64xf32, #tpu.memory_space<hbm>> -> memref<64xf32, #tpu.memory_space<hbm>>
    %dma_wait3A_303 = arith.constant 0 : i32
    %dma_wait3A_304 = tpu.memref_slice %arg16[%add3A, %dma_wait3A_303] : memref<32x64xf32, #tpu.memory_space<hbm>> -> memref<1x64xf32, #tpu.memory_space<hbm>>
    %dma_wait3A_305 = tpu.memref_squeeze %dma_wait3A_304 : memref<1x64xf32, #tpu.memory_space<hbm>> -> memref<64xf32, #tpu.memory_space<hbm>>
    %dma_wait3A_306 = arith.constant 0 : i32
    %dma_wait3A_307 = tpu.memref_slice %arg21[%dma_wait3A_296, %dma_wait3A_306] : memref<128x64xf32, #tpu.memory_space<vmem>> -> memref<1x64xf32, #tpu.memory_space<vmem>>
    %dma_wait3A_308 = tpu.memref_squeeze %dma_wait3A_307 : memref<1x64xf32, #tpu.memory_space<vmem>> -> memref<64xf32, #tpu.memory_space<vmem>>
    tpu.wait_dma2 semaphore(%arg24 : memref<!tpu.dma_semaphore, #tpu.memory_space<semaphore_mem>>) src(%dma_wait3A_308 : memref<64xf32, #tpu.memory_space<vmem>>) dst(%dma_wait3A_305 : memref<64xf32, #tpu.memory_space<hbm>>)
    return
  }
}

#map = affine_map<(d0, d1) -> (0, 0, 0)>
#map1 = affine_map<(d0, d1) -> (0, 0)>
module attributes {stable_mosaic.version = 14 : i64} {
  func.func @_sc_pass2_body(%arg0: i32, %arg1: i32, %arg2: memref<32x128x64xi32, #tpu.memory_space<hbm>>, %arg3: memref<32x128x64xf32, #tpu.memory_space<hbm>>, %arg4: memref<32x128x64xf32, #tpu.memory_space<hbm>>, %arg5: memref<32x128x64xf32, #tpu.memory_space<hbm>>, %arg6: memref<32x128x64xf32, #tpu.memory_space<hbm>>, %arg7: memref<32x64xi32, #tpu.memory_space<hbm>>, %arg8: memref<32x64xf32, #tpu.memory_space<hbm>>, %arg9: memref<32x64xf32, #tpu.memory_space<hbm>>, %arg10: memref<32x64xf32, #tpu.memory_space<hbm>>, %arg11: memref<32x64xf32, #tpu.memory_space<hbm>>, %arg12: memref<32x128x64xf32, #tpu.memory_space<hbm>>, %arg13: memref<32x128x64xf32, #tpu.memory_space<hbm>>, %arg14: memref<32x64xi32, #tpu.memory_space<vmem>>, %arg15: memref<32x64xf32, #tpu.memory_space<vmem>>, %arg16: memref<32x64xf32, #tpu.memory_space<vmem>>, %arg17: memref<32x64xf32, #tpu.memory_space<vmem>>, %arg18: memref<32x64xf32, #tpu.memory_space<vmem>>, %arg19: memref<128x64xi32, #tpu.memory_space<vmem>>, %arg20: memref<128x64xf32, #tpu.memory_space<vmem>>, %arg21: memref<128x64xf32, #tpu.memory_space<vmem>>, %arg22: memref<128x64xf32, #tpu.memory_space<vmem>>, %arg23: memref<128x64xf32, #tpu.memory_space<vmem>>, %arg24: memref<64xf32, #tpu.memory_space<vmem>>, %arg25: memref<64xf32, #tpu.memory_space<vmem>>, %arg26: memref<!tpu.dma_semaphore, #tpu.memory_space<semaphore_mem>>, %arg27: memref<!tpu.dma_semaphore, #tpu.memory_space<semaphore_mem>>) attributes {dimension_semantics = [#tpu.dimension_semantics<core_parallel>, #tpu.dimension_semantics<subcore_parallel>], iteration_bounds = array<i64: 2, 16>, scalar_prefetch = 0 : i64, scratch_operands = 14 : i64, tpu.core_type = #tpu.core_type<sc_vector_subcore>, window_params = [{transform_indices = #map}, {transform_indices = #map}, {transform_indices = #map}, {transform_indices = #map}, {transform_indices = #map}, {transform_indices = #map1}, {transform_indices = #map1}, {transform_indices = #map1}, {transform_indices = #map1}, {transform_indices = #map1}, {transform_indices = #map}, {transform_indices = #map}]} {
    %mul3A = arith.constant 2 : i32
    %mul3A_0 = arith.muli %arg1, %mul3A : i32
    %add3A = arith.addi %mul3A_0, %arg0 : i32
    tpu.enqueue_dma source(%arg7 : memref<32x64xi32, #tpu.memory_space<hbm>>) target(%arg14 : memref<32x64xi32, #tpu.memory_space<vmem>>) target_semaphore(%arg26 : memref<!tpu.dma_semaphore, #tpu.memory_space<semaphore_mem>>)
    tpu.enqueue_dma source(%arg8 : memref<32x64xf32, #tpu.memory_space<hbm>>) target(%arg15 : memref<32x64xf32, #tpu.memory_space<vmem>>) target_semaphore(%arg26 : memref<!tpu.dma_semaphore, #tpu.memory_space<semaphore_mem>>)
    tpu.enqueue_dma source(%arg9 : memref<32x64xf32, #tpu.memory_space<hbm>>) target(%arg16 : memref<32x64xf32, #tpu.memory_space<vmem>>) target_semaphore(%arg26 : memref<!tpu.dma_semaphore, #tpu.memory_space<semaphore_mem>>)
    tpu.enqueue_dma source(%arg10 : memref<32x64xf32, #tpu.memory_space<hbm>>) target(%arg17 : memref<32x64xf32, #tpu.memory_space<vmem>>) target_semaphore(%arg26 : memref<!tpu.dma_semaphore, #tpu.memory_space<semaphore_mem>>)
    tpu.enqueue_dma source(%arg11 : memref<32x64xf32, #tpu.memory_space<hbm>>) target(%arg18 : memref<32x64xf32, #tpu.memory_space<vmem>>) target_semaphore(%arg26 : memref<!tpu.dma_semaphore, #tpu.memory_space<semaphore_mem>>)
    %dma_start3A = arith.constant 0 : i32
    %dma_start3A_1 = arith.constant 0 : i32
    %dma_start3A_2 = tpu.memref_slice %arg2[%add3A, %dma_start3A, %dma_start3A_1] : memref<32x128x64xi32, #tpu.memory_space<hbm>> -> memref<1x128x64xi32, #tpu.memory_space<hbm>>
    %dma_start3A_3 = tpu.memref_squeeze %dma_start3A_2 : memref<1x128x64xi32, #tpu.memory_space<hbm>> -> memref<128x64xi32, #tpu.memory_space<hbm>>
    %dma_start3A_4 = arith.constant 0 : i32
    %dma_start3A_5 = arith.constant 0 : i32
    %dma_start3A_6 = tpu.memref_slice %arg2[%add3A, %dma_start3A_4, %dma_start3A_5] : memref<32x128x64xi32, #tpu.memory_space<hbm>> -> memref<1x128x64xi32, #tpu.memory_space<hbm>>
    %dma_start3A_7 = tpu.memref_squeeze %dma_start3A_6 : memref<1x128x64xi32, #tpu.memory_space<hbm>> -> memref<128x64xi32, #tpu.memory_space<hbm>>
    tpu.enqueue_dma source(%dma_start3A_7 : memref<128x64xi32, #tpu.memory_space<hbm>>) target(%arg19 : memref<128x64xi32, #tpu.memory_space<vmem>>) target_semaphore(%arg27 : memref<!tpu.dma_semaphore, #tpu.memory_space<semaphore_mem>>)
    %dma_start3A_8 = arith.constant 0 : i32
    %dma_start3A_9 = arith.constant 0 : i32
    %dma_start3A_10 = tpu.memref_slice %arg3[%add3A, %dma_start3A_8, %dma_start3A_9] : memref<32x128x64xf32, #tpu.memory_space<hbm>> -> memref<1x128x64xf32, #tpu.memory_space<hbm>>
    %dma_start3A_11 = tpu.memref_squeeze %dma_start3A_10 : memref<1x128x64xf32, #tpu.memory_space<hbm>> -> memref<128x64xf32, #tpu.memory_space<hbm>>
    %dma_start3A_12 = arith.constant 0 : i32
    %dma_start3A_13 = arith.constant 0 : i32
    %dma_start3A_14 = tpu.memref_slice %arg3[%add3A, %dma_start3A_12, %dma_start3A_13] : memref<32x128x64xf32, #tpu.memory_space<hbm>> -> memref<1x128x64xf32, #tpu.memory_space<hbm>>
    %dma_start3A_15 = tpu.memref_squeeze %dma_start3A_14 : memref<1x128x64xf32, #tpu.memory_space<hbm>> -> memref<128x64xf32, #tpu.memory_space<hbm>>
    tpu.enqueue_dma source(%dma_start3A_15 : memref<128x64xf32, #tpu.memory_space<hbm>>) target(%arg20 : memref<128x64xf32, #tpu.memory_space<vmem>>) target_semaphore(%arg27 : memref<!tpu.dma_semaphore, #tpu.memory_space<semaphore_mem>>)
    %dma_start3A_16 = arith.constant 0 : i32
    %dma_start3A_17 = arith.constant 0 : i32
    %dma_start3A_18 = tpu.memref_slice %arg4[%add3A, %dma_start3A_16, %dma_start3A_17] : memref<32x128x64xf32, #tpu.memory_space<hbm>> -> memref<1x128x64xf32, #tpu.memory_space<hbm>>
    %dma_start3A_19 = tpu.memref_squeeze %dma_start3A_18 : memref<1x128x64xf32, #tpu.memory_space<hbm>> -> memref<128x64xf32, #tpu.memory_space<hbm>>
    %dma_start3A_20 = arith.constant 0 : i32
    %dma_start3A_21 = arith.constant 0 : i32
    %dma_start3A_22 = tpu.memref_slice %arg4[%add3A, %dma_start3A_20, %dma_start3A_21] : memref<32x128x64xf32, #tpu.memory_space<hbm>> -> memref<1x128x64xf32, #tpu.memory_space<hbm>>
    %dma_start3A_23 = tpu.memref_squeeze %dma_start3A_22 : memref<1x128x64xf32, #tpu.memory_space<hbm>> -> memref<128x64xf32, #tpu.memory_space<hbm>>
    tpu.enqueue_dma source(%dma_start3A_23 : memref<128x64xf32, #tpu.memory_space<hbm>>) target(%arg21 : memref<128x64xf32, #tpu.memory_space<vmem>>) target_semaphore(%arg27 : memref<!tpu.dma_semaphore, #tpu.memory_space<semaphore_mem>>)
    %dma_start3A_24 = arith.constant 0 : i32
    %dma_start3A_25 = arith.constant 0 : i32
    %dma_start3A_26 = tpu.memref_slice %arg5[%add3A, %dma_start3A_24, %dma_start3A_25] : memref<32x128x64xf32, #tpu.memory_space<hbm>> -> memref<1x128x64xf32, #tpu.memory_space<hbm>>
    %dma_start3A_27 = tpu.memref_squeeze %dma_start3A_26 : memref<1x128x64xf32, #tpu.memory_space<hbm>> -> memref<128x64xf32, #tpu.memory_space<hbm>>
    %dma_start3A_28 = arith.constant 0 : i32
    %dma_start3A_29 = arith.constant 0 : i32
    %dma_start3A_30 = tpu.memref_slice %arg5[%add3A, %dma_start3A_28, %dma_start3A_29] : memref<32x128x64xf32, #tpu.memory_space<hbm>> -> memref<1x128x64xf32, #tpu.memory_space<hbm>>
    %dma_start3A_31 = tpu.memref_squeeze %dma_start3A_30 : memref<1x128x64xf32, #tpu.memory_space<hbm>> -> memref<128x64xf32, #tpu.memory_space<hbm>>
    tpu.enqueue_dma source(%dma_start3A_31 : memref<128x64xf32, #tpu.memory_space<hbm>>) target(%arg22 : memref<128x64xf32, #tpu.memory_space<vmem>>) target_semaphore(%arg27 : memref<!tpu.dma_semaphore, #tpu.memory_space<semaphore_mem>>)
    %dma_start3A_32 = arith.constant 0 : i32
    %dma_start3A_33 = arith.constant 0 : i32
    %dma_start3A_34 = tpu.memref_slice %arg6[%add3A, %dma_start3A_32, %dma_start3A_33] : memref<32x128x64xf32, #tpu.memory_space<hbm>> -> memref<1x128x64xf32, #tpu.memory_space<hbm>>
    %dma_start3A_35 = tpu.memref_squeeze %dma_start3A_34 : memref<1x128x64xf32, #tpu.memory_space<hbm>> -> memref<128x64xf32, #tpu.memory_space<hbm>>
    %dma_start3A_36 = arith.constant 0 : i32
    %dma_start3A_37 = arith.constant 0 : i32
    %dma_start3A_38 = tpu.memref_slice %arg6[%add3A, %dma_start3A_36, %dma_start3A_37] : memref<32x128x64xf32, #tpu.memory_space<hbm>> -> memref<1x128x64xf32, #tpu.memory_space<hbm>>
    %dma_start3A_39 = tpu.memref_squeeze %dma_start3A_38 : memref<1x128x64xf32, #tpu.memory_space<hbm>> -> memref<128x64xf32, #tpu.memory_space<hbm>>
    tpu.enqueue_dma source(%dma_start3A_39 : memref<128x64xf32, #tpu.memory_space<hbm>>) target(%arg23 : memref<128x64xf32, #tpu.memory_space<vmem>>) target_semaphore(%arg27 : memref<!tpu.dma_semaphore, #tpu.memory_space<semaphore_mem>>)
    tpu.wait_dma2 semaphore(%arg26 : memref<!tpu.dma_semaphore, #tpu.memory_space<semaphore_mem>>) src(%arg7 : memref<32x64xi32, #tpu.memory_space<hbm>>) dst(%arg14 : memref<32x64xi32, #tpu.memory_space<vmem>>)
    tpu.wait_dma2 semaphore(%arg26 : memref<!tpu.dma_semaphore, #tpu.memory_space<semaphore_mem>>) src(%arg8 : memref<32x64xf32, #tpu.memory_space<hbm>>) dst(%arg15 : memref<32x64xf32, #tpu.memory_space<vmem>>)
    tpu.wait_dma2 semaphore(%arg26 : memref<!tpu.dma_semaphore, #tpu.memory_space<semaphore_mem>>) src(%arg9 : memref<32x64xf32, #tpu.memory_space<hbm>>) dst(%arg16 : memref<32x64xf32, #tpu.memory_space<vmem>>)
    tpu.wait_dma2 semaphore(%arg26 : memref<!tpu.dma_semaphore, #tpu.memory_space<semaphore_mem>>) src(%arg10 : memref<32x64xf32, #tpu.memory_space<hbm>>) dst(%arg17 : memref<32x64xf32, #tpu.memory_space<vmem>>)
    tpu.wait_dma2 semaphore(%arg26 : memref<!tpu.dma_semaphore, #tpu.memory_space<semaphore_mem>>) src(%arg11 : memref<32x64xf32, #tpu.memory_space<hbm>>) dst(%arg18 : memref<32x64xf32, #tpu.memory_space<vmem>>)
    %broadcast_in_dim3A = arith.constant 0.000000e+00 : f32
    %broadcast_in_dim3A_40 = vector.broadcast %broadcast_in_dim3A : f32 to vector<16xf32>
    %scan3A = arith.constant 0 : i32
    %scan3A_41 = arith.constant 31 : i32
    %scan3A_42 = arith.addi %scan3A, %scan3A_41 : i32
    %scan3A_43 = arith.constant 1 : i32
    %scan3A_44:8 = scf.for %scan3A_123 = %scan3A to %scan3A_42 step %scan3A_43 iter_args(%scan3A_124 = %broadcast_in_dim3A_40, %scan3A_125 = %broadcast_in_dim3A_40, %scan3A_126 = %broadcast_in_dim3A_40, %scan3A_127 = %broadcast_in_dim3A_40, %scan3A_128 = %broadcast_in_dim3A_40, %scan3A_129 = %broadcast_in_dim3A_40, %scan3A_130 = %broadcast_in_dim3A_40, %scan3A_131 = %broadcast_in_dim3A_40) -> (vector<16xf32>, vector<16xf32>, vector<16xf32>, vector<16xf32>, vector<16xf32>, vector<16xf32>, vector<16xf32>, vector<16xf32>)  : i32 {
      %lt3A = arith.cmpi slt, %scan3A_123, %add3A : i32
      %broadcast_in_dim3A_132 = vector.broadcast %lt3A : i1 to vector<16xi1>
      %get3A = arith.index_cast %scan3A_123 : i32 to index
      %get3A_133 = arith.constant 0 : index
      %get3A_134 = tpu.vector_load %arg17[%get3A, %get3A_133] {strides = array<i32>} : memref<32x64xf32, #tpu.memory_space<vmem>>, vector<16xf32>,
      %swap3A = arith.constant 0 : index
      %swap3A_135 = tpu.vector_load %arg24[%swap3A] {strides = array<i32>} : memref<64xf32, #tpu.memory_space<vmem>>, vector<16xf32>,
      tpu.vector_store %arg24[%swap3A], %get3A_134 {strides = array<i32>} : memref<64xf32, #tpu.memory_space<vmem>>, vector<16xf32>,
      %get3A_136 = arith.index_cast %scan3A_123 : i32 to index
      %get3A_137 = arith.constant 0 : index
      %get3A_138 = tpu.vector_load %arg18[%get3A_136, %get3A_137] {strides = array<i32>} : memref<32x64xf32, #tpu.memory_space<vmem>>, vector<16xf32>,
      %swap3A_139 = arith.constant 0 : index
      %swap3A_140 = tpu.vector_load %arg25[%swap3A_139] {strides = array<i32>} : memref<64xf32, #tpu.memory_space<vmem>>, vector<16xf32>,
      tpu.vector_store %arg25[%swap3A_139], %get3A_138 {strides = array<i32>} : memref<64xf32, #tpu.memory_space<vmem>>, vector<16xf32>,
      %get3A_141 = arith.index_cast %scan3A_123 : i32 to index
      %get3A_142 = arith.constant 16 : index
      %get3A_143 = tpu.vector_load %arg17[%get3A_141, %get3A_142] {strides = array<i32>} : memref<32x64xf32, #tpu.memory_space<vmem>>, vector<16xf32>,
      %swap3A_144 = arith.constant 16 : index
      %swap3A_145 = tpu.vector_load %arg24[%swap3A_144] {strides = array<i32>} : memref<64xf32, #tpu.memory_space<vmem>>, vector<16xf32>,
      tpu.vector_store %arg24[%swap3A_144], %get3A_143 {strides = array<i32>} : memref<64xf32, #tpu.memory_space<vmem>>, vector<16xf32>,
      %get3A_146 = arith.index_cast %scan3A_123 : i32 to index
      %get3A_147 = arith.constant 16 : index
      %get3A_148 = tpu.vector_load %arg18[%get3A_146, %get3A_147] {strides = array<i32>} : memref<32x64xf32, #tpu.memory_space<vmem>>, vector<16xf32>,
      %swap3A_149 = arith.constant 16 : index
      %swap3A_150 = tpu.vector_load %arg25[%swap3A_149] {strides = array<i32>} : memref<64xf32, #tpu.memory_space<vmem>>, vector<16xf32>,
      tpu.vector_store %arg25[%swap3A_149], %get3A_148 {strides = array<i32>} : memref<64xf32, #tpu.memory_space<vmem>>, vector<16xf32>,
      %get3A_151 = arith.index_cast %scan3A_123 : i32 to index
      %get3A_152 = arith.constant 32 : index
      %get3A_153 = tpu.vector_load %arg17[%get3A_151, %get3A_152] {strides = array<i32>} : memref<32x64xf32, #tpu.memory_space<vmem>>, vector<16xf32>,
      %swap3A_154 = arith.constant 32 : index
      %swap3A_155 = tpu.vector_load %arg24[%swap3A_154] {strides = array<i32>} : memref<64xf32, #tpu.memory_space<vmem>>, vector<16xf32>,
      tpu.vector_store %arg24[%swap3A_154], %get3A_153 {strides = array<i32>} : memref<64xf32, #tpu.memory_space<vmem>>, vector<16xf32>,
      %get3A_156 = arith.index_cast %scan3A_123 : i32 to index
      %get3A_157 = arith.constant 32 : index
      %get3A_158 = tpu.vector_load %arg18[%get3A_156, %get3A_157] {strides = array<i32>} : memref<32x64xf32, #tpu.memory_space<vmem>>, vector<16xf32>,
      %swap3A_159 = arith.constant 32 : index
      %swap3A_160 = tpu.vector_load %arg25[%swap3A_159] {strides = array<i32>} : memref<64xf32, #tpu.memory_space<vmem>>, vector<16xf32>,
      tpu.vector_store %arg25[%swap3A_159], %get3A_158 {strides = array<i32>} : memref<64xf32, #tpu.memory_space<vmem>>, vector<16xf32>,
      %get3A_161 = arith.index_cast %scan3A_123 : i32 to index
      %get3A_162 = arith.constant 48 : index
      %get3A_163 = tpu.vector_load %arg17[%get3A_161, %get3A_162] {strides = array<i32>} : memref<32x64xf32, #tpu.memory_space<vmem>>, vector<16xf32>,
      %swap3A_164 = arith.constant 48 : index
      %swap3A_165 = tpu.vector_load %arg24[%swap3A_164] {strides = array<i32>} : memref<64xf32, #tpu.memory_space<vmem>>, vector<16xf32>,
      tpu.vector_store %arg24[%swap3A_164], %get3A_163 {strides = array<i32>} : memref<64xf32, #tpu.memory_space<vmem>>, vector<16xf32>,
      %get3A_166 = arith.index_cast %scan3A_123 : i32 to index
      %get3A_167 = arith.constant 48 : index
      %get3A_168 = tpu.vector_load %arg18[%get3A_166, %get3A_167] {strides = array<i32>} : memref<32x64xf32, #tpu.memory_space<vmem>>, vector<16xf32>,
      %swap3A_169 = arith.constant 48 : index
      %swap3A_170 = tpu.vector_load %arg25[%swap3A_169] {strides = array<i32>} : memref<64xf32, #tpu.memory_space<vmem>>, vector<16xf32>,
      tpu.vector_store %arg25[%swap3A_169], %get3A_168 {strides = array<i32>} : memref<64xf32, #tpu.memory_space<vmem>>, vector<16xf32>,
      %get3A_171 = arith.index_cast %scan3A_123 : i32 to index
      %get3A_172 = arith.constant 0 : index
      %get3A_173 = tpu.vector_load %arg15[%get3A_171, %get3A_172] {strides = array<i32>} : memref<32x64xf32, #tpu.memory_space<vmem>>, vector<16xf32>,
      %get3A_174 = arith.index_cast %scan3A_123 : i32 to index
      %get3A_175 = arith.constant 0 : index
      %get3A_176 = tpu.vector_load %arg16[%get3A_174, %get3A_175] {strides = array<i32>} : memref<32x64xf32, #tpu.memory_space<vmem>>, vector<16xf32>,
      %mul3A_177 = arith.mulf %get3A_173, %scan3A_124 : vector<16xf32>
      %mul3A_178 = arith.mulf %get3A_176, %scan3A_128 : vector<16xf32>
      %sub3A = arith.subf %mul3A_177, %mul3A_178 : vector<16xf32>
      %mul3A_179 = arith.mulf %get3A_173, %scan3A_128 : vector<16xf32>
      %mul3A_180 = arith.mulf %get3A_176, %scan3A_124 : vector<16xf32>
      %add3A_181 = arith.addf %mul3A_179, %mul3A_180 : vector<16xf32>
      %get3A_182 = arith.index_cast %scan3A_123 : i32 to index
      %get3A_183 = arith.constant 0 : index
      %get3A_184 = tpu.vector_load %arg14[%get3A_182, %get3A_183] {strides = array<i32>} : memref<32x64xi32, #tpu.memory_space<vmem>>, vector<16xi32>,
      tpu.vector_store_idx %arg24[%get3A_184], %sub3A {add = true} : memref<64xf32, #tpu.memory_space<vmem>>[vector<16xi32>], vector<16xf32>,
      tpu.vector_store_idx %arg25[%get3A_184], %add3A_181 {add = true} : memref<64xf32, #tpu.memory_space<vmem>>[vector<16xi32>], vector<16xf32>,
      %get3A_185 = arith.index_cast %scan3A_123 : i32 to index
      %get3A_186 = arith.constant 16 : index
      %get3A_187 = tpu.vector_load %arg15[%get3A_185, %get3A_186] {strides = array<i32>} : memref<32x64xf32, #tpu.memory_space<vmem>>, vector<16xf32>,
      %get3A_188 = arith.index_cast %scan3A_123 : i32 to index
      %get3A_189 = arith.constant 16 : index
      %get3A_190 = tpu.vector_load %arg16[%get3A_188, %get3A_189] {strides = array<i32>} : memref<32x64xf32, #tpu.memory_space<vmem>>, vector<16xf32>,
      %mul3A_191 = arith.mulf %get3A_187, %scan3A_125 : vector<16xf32>
      %mul3A_192 = arith.mulf %get3A_190, %scan3A_129 : vector<16xf32>
      %sub3A_193 = arith.subf %mul3A_191, %mul3A_192 : vector<16xf32>
      %mul3A_194 = arith.mulf %get3A_187, %scan3A_129 : vector<16xf32>
      %mul3A_195 = arith.mulf %get3A_190, %scan3A_125 : vector<16xf32>
      %add3A_196 = arith.addf %mul3A_194, %mul3A_195 : vector<16xf32>
      %get3A_197 = arith.index_cast %scan3A_123 : i32 to index
      %get3A_198 = arith.constant 16 : index
      %get3A_199 = tpu.vector_load %arg14[%get3A_197, %get3A_198] {strides = array<i32>} : memref<32x64xi32, #tpu.memory_space<vmem>>, vector<16xi32>,
      tpu.vector_store_idx %arg24[%get3A_199], %sub3A_193 {add = true} : memref<64xf32, #tpu.memory_space<vmem>>[vector<16xi32>], vector<16xf32>,
      tpu.vector_store_idx %arg25[%get3A_199], %add3A_196 {add = true} : memref<64xf32, #tpu.memory_space<vmem>>[vector<16xi32>], vector<16xf32>,
      %get3A_200 = arith.index_cast %scan3A_123 : i32 to index
      %get3A_201 = arith.constant 32 : index
      %get3A_202 = tpu.vector_load %arg15[%get3A_200, %get3A_201] {strides = array<i32>} : memref<32x64xf32, #tpu.memory_space<vmem>>, vector<16xf32>,
      %get3A_203 = arith.index_cast %scan3A_123 : i32 to index
      %get3A_204 = arith.constant 32 : index
      %get3A_205 = tpu.vector_load %arg16[%get3A_203, %get3A_204] {strides = array<i32>} : memref<32x64xf32, #tpu.memory_space<vmem>>, vector<16xf32>,
      %mul3A_206 = arith.mulf %get3A_202, %scan3A_126 : vector<16xf32>
      %mul3A_207 = arith.mulf %get3A_205, %scan3A_130 : vector<16xf32>
      %sub3A_208 = arith.subf %mul3A_206, %mul3A_207 : vector<16xf32>
      %mul3A_209 = arith.mulf %get3A_202, %scan3A_130 : vector<16xf32>
      %mul3A_210 = arith.mulf %get3A_205, %scan3A_126 : vector<16xf32>
      %add3A_211 = arith.addf %mul3A_209, %mul3A_210 : vector<16xf32>
      %get3A_212 = arith.index_cast %scan3A_123 : i32 to index
      %get3A_213 = arith.constant 32 : index
      %get3A_214 = tpu.vector_load %arg14[%get3A_212, %get3A_213] {strides = array<i32>} : memref<32x64xi32, #tpu.memory_space<vmem>>, vector<16xi32>,
      tpu.vector_store_idx %arg24[%get3A_214], %sub3A_208 {add = true} : memref<64xf32, #tpu.memory_space<vmem>>[vector<16xi32>], vector<16xf32>,
      tpu.vector_store_idx %arg25[%get3A_214], %add3A_211 {add = true} : memref<64xf32, #tpu.memory_space<vmem>>[vector<16xi32>], vector<16xf32>,
      %get3A_215 = arith.index_cast %scan3A_123 : i32 to index
      %get3A_216 = arith.constant 48 : index
      %get3A_217 = tpu.vector_load %arg15[%get3A_215, %get3A_216] {strides = array<i32>} : memref<32x64xf32, #tpu.memory_space<vmem>>, vector<16xf32>,
      %get3A_218 = arith.index_cast %scan3A_123 : i32 to index
      %get3A_219 = arith.constant 48 : index
      %get3A_220 = tpu.vector_load %arg16[%get3A_218, %get3A_219] {strides = array<i32>} : memref<32x64xf32, #tpu.memory_space<vmem>>, vector<16xf32>,
      %mul3A_221 = arith.mulf %get3A_217, %scan3A_127 : vector<16xf32>
      %mul3A_222 = arith.mulf %get3A_220, %scan3A_131 : vector<16xf32>
      %sub3A_223 = arith.subf %mul3A_221, %mul3A_222 : vector<16xf32>
      %mul3A_224 = arith.mulf %get3A_217, %scan3A_131 : vector<16xf32>
      %mul3A_225 = arith.mulf %get3A_220, %scan3A_127 : vector<16xf32>
      %add3A_226 = arith.addf %mul3A_224, %mul3A_225 : vector<16xf32>
      %get3A_227 = arith.index_cast %scan3A_123 : i32 to index
      %get3A_228 = arith.constant 48 : index
      %get3A_229 = tpu.vector_load %arg14[%get3A_227, %get3A_228] {strides = array<i32>} : memref<32x64xi32, #tpu.memory_space<vmem>>, vector<16xi32>,
      tpu.vector_store_idx %arg24[%get3A_229], %sub3A_223 {add = true} : memref<64xf32, #tpu.memory_space<vmem>>[vector<16xi32>], vector<16xf32>,
      tpu.vector_store_idx %arg25[%get3A_229], %add3A_226 {add = true} : memref<64xf32, #tpu.memory_space<vmem>>[vector<16xi32>], vector<16xf32>,
      %get3A_230 = arith.constant 0 : index
      %get3A_231 = tpu.vector_load %arg24[%get3A_230] {strides = array<i32>} : memref<64xf32, #tpu.memory_space<vmem>>, vector<16xf32>,
      %select_n3A = arith.select %broadcast_in_dim3A_132, %get3A_231, %scan3A_124 : vector<16xi1>, vector<16xf32>
      %get3A_232 = arith.constant 0 : index
      %get3A_233 = tpu.vector_load %arg25[%get3A_232] {strides = array<i32>} : memref<64xf32, #tpu.memory_space<vmem>>, vector<16xf32>,
      %select_n3A_234 = arith.select %broadcast_in_dim3A_132, %get3A_233, %scan3A_128 : vector<16xi1>, vector<16xf32>
      %get3A_235 = arith.constant 16 : index
      %get3A_236 = tpu.vector_load %arg24[%get3A_235] {strides = array<i32>} : memref<64xf32, #tpu.memory_space<vmem>>, vector<16xf32>,
      %select_n3A_237 = arith.select %broadcast_in_dim3A_132, %get3A_236, %scan3A_125 : vector<16xi1>, vector<16xf32>
      %get3A_238 = arith.constant 16 : index
      %get3A_239 = tpu.vector_load %arg25[%get3A_238] {strides = array<i32>} : memref<64xf32, #tpu.memory_space<vmem>>, vector<16xf32>,
      %select_n3A_240 = arith.select %broadcast_in_dim3A_132, %get3A_239, %scan3A_129 : vector<16xi1>, vector<16xf32>
      %get3A_241 = arith.constant 32 : index
      %get3A_242 = tpu.vector_load %arg24[%get3A_241] {strides = array<i32>} : memref<64xf32, #tpu.memory_space<vmem>>, vector<16xf32>,
      %select_n3A_243 = arith.select %broadcast_in_dim3A_132, %get3A_242, %scan3A_126 : vector<16xi1>, vector<16xf32>
      %get3A_244 = arith.constant 32 : index
      %get3A_245 = tpu.vector_load %arg25[%get3A_244] {strides = array<i32>} : memref<64xf32, #tpu.memory_space<vmem>>, vector<16xf32>,
      %select_n3A_246 = arith.select %broadcast_in_dim3A_132, %get3A_245, %scan3A_130 : vector<16xi1>, vector<16xf32>
      %get3A_247 = arith.constant 48 : index
      %get3A_248 = tpu.vector_load %arg24[%get3A_247] {strides = array<i32>} : memref<64xf32, #tpu.memory_space<vmem>>, vector<16xf32>,
      %select_n3A_249 = arith.select %broadcast_in_dim3A_132, %get3A_248, %scan3A_127 : vector<16xi1>, vector<16xf32>
      %get3A_250 = arith.constant 48 : index
      %get3A_251 = tpu.vector_load %arg25[%get3A_250] {strides = array<i32>} : memref<64xf32, #tpu.memory_space<vmem>>, vector<16xf32>,
      %select_n3A_252 = arith.select %broadcast_in_dim3A_132, %get3A_251, %scan3A_131 : vector<16xi1>, vector<16xf32>
      scf.yield %select_n3A, %select_n3A_237, %select_n3A_243, %select_n3A_249, %select_n3A_234, %select_n3A_240, %select_n3A_246, %select_n3A_252 : vector<16xf32>, vector<16xf32>, vector<16xf32>, vector<16xf32>, vector<16xf32>, vector<16xf32>, vector<16xf32>, vector<16xf32>
    }
    %scan3A_45 = arith.constant 31 : i32
    %dma_wait3A = arith.constant 0 : i32
    %dma_wait3A_46 = arith.constant 0 : i32
    %dma_wait3A_47 = tpu.memref_slice %arg2[%add3A, %dma_wait3A, %dma_wait3A_46] : memref<32x128x64xi32, #tpu.memory_space<hbm>> -> memref<1x128x64xi32, #tpu.memory_space<hbm>>
    %dma_wait3A_48 = tpu.memref_squeeze %dma_wait3A_47 : memref<1x128x64xi32, #tpu.memory_space<hbm>> -> memref<128x64xi32, #tpu.memory_space<hbm>>
    %dma_wait3A_49 = arith.constant 0 : i32
    %dma_wait3A_50 = arith.constant 0 : i32
    %dma_wait3A_51 = tpu.memref_slice %arg2[%add3A, %dma_wait3A_49, %dma_wait3A_50] : memref<32x128x64xi32, #tpu.memory_space<hbm>> -> memref<1x128x64xi32, #tpu.memory_space<hbm>>
    %dma_wait3A_52 = tpu.memref_squeeze %dma_wait3A_51 : memref<1x128x64xi32, #tpu.memory_space<hbm>> -> memref<128x64xi32, #tpu.memory_space<hbm>>
    tpu.wait_dma2 semaphore(%arg27 : memref<!tpu.dma_semaphore, #tpu.memory_space<semaphore_mem>>) src(%dma_wait3A_52 : memref<128x64xi32, #tpu.memory_space<hbm>>) dst(%arg19 : memref<128x64xi32, #tpu.memory_space<vmem>>)
    %dma_wait3A_53 = arith.constant 0 : i32
    %dma_wait3A_54 = arith.constant 0 : i32
    %dma_wait3A_55 = tpu.memref_slice %arg3[%add3A, %dma_wait3A_53, %dma_wait3A_54] : memref<32x128x64xf32, #tpu.memory_space<hbm>> -> memref<1x128x64xf32, #tpu.memory_space<hbm>>
    %dma_wait3A_56 = tpu.memref_squeeze %dma_wait3A_55 : memref<1x128x64xf32, #tpu.memory_space<hbm>> -> memref<128x64xf32, #tpu.memory_space<hbm>>
    %dma_wait3A_57 = arith.constant 0 : i32
    %dma_wait3A_58 = arith.constant 0 : i32
    %dma_wait3A_59 = tpu.memref_slice %arg3[%add3A, %dma_wait3A_57, %dma_wait3A_58] : memref<32x128x64xf32, #tpu.memory_space<hbm>> -> memref<1x128x64xf32, #tpu.memory_space<hbm>>
    %dma_wait3A_60 = tpu.memref_squeeze %dma_wait3A_59 : memref<1x128x64xf32, #tpu.memory_space<hbm>> -> memref<128x64xf32, #tpu.memory_space<hbm>>
    tpu.wait_dma2 semaphore(%arg27 : memref<!tpu.dma_semaphore, #tpu.memory_space<semaphore_mem>>) src(%dma_wait3A_60 : memref<128x64xf32, #tpu.memory_space<hbm>>) dst(%arg20 : memref<128x64xf32, #tpu.memory_space<vmem>>)
    %dma_wait3A_61 = arith.constant 0 : i32
    %dma_wait3A_62 = arith.constant 0 : i32
    %dma_wait3A_63 = tpu.memref_slice %arg4[%add3A, %dma_wait3A_61, %dma_wait3A_62] : memref<32x128x64xf32, #tpu.memory_space<hbm>> -> memref<1x128x64xf32, #tpu.memory_space<hbm>>
    %dma_wait3A_64 = tpu.memref_squeeze %dma_wait3A_63 : memref<1x128x64xf32, #tpu.memory_space<hbm>> -> memref<128x64xf32, #tpu.memory_space<hbm>>
    %dma_wait3A_65 = arith.constant 0 : i32
    %dma_wait3A_66 = arith.constant 0 : i32
    %dma_wait3A_67 = tpu.memref_slice %arg4[%add3A, %dma_wait3A_65, %dma_wait3A_66] : memref<32x128x64xf32, #tpu.memory_space<hbm>> -> memref<1x128x64xf32, #tpu.memory_space<hbm>>
    %dma_wait3A_68 = tpu.memref_squeeze %dma_wait3A_67 : memref<1x128x64xf32, #tpu.memory_space<hbm>> -> memref<128x64xf32, #tpu.memory_space<hbm>>
    tpu.wait_dma2 semaphore(%arg27 : memref<!tpu.dma_semaphore, #tpu.memory_space<semaphore_mem>>) src(%dma_wait3A_68 : memref<128x64xf32, #tpu.memory_space<hbm>>) dst(%arg21 : memref<128x64xf32, #tpu.memory_space<vmem>>)
    %dma_wait3A_69 = arith.constant 0 : i32
    %dma_wait3A_70 = arith.constant 0 : i32
    %dma_wait3A_71 = tpu.memref_slice %arg5[%add3A, %dma_wait3A_69, %dma_wait3A_70] : memref<32x128x64xf32, #tpu.memory_space<hbm>> -> memref<1x128x64xf32, #tpu.memory_space<hbm>>
    %dma_wait3A_72 = tpu.memref_squeeze %dma_wait3A_71 : memref<1x128x64xf32, #tpu.memory_space<hbm>> -> memref<128x64xf32, #tpu.memory_space<hbm>>
    %dma_wait3A_73 = arith.constant 0 : i32
    %dma_wait3A_74 = arith.constant 0 : i32
    %dma_wait3A_75 = tpu.memref_slice %arg5[%add3A, %dma_wait3A_73, %dma_wait3A_74] : memref<32x128x64xf32, #tpu.memory_space<hbm>> -> memref<1x128x64xf32, #tpu.memory_space<hbm>>
    %dma_wait3A_76 = tpu.memref_squeeze %dma_wait3A_75 : memref<1x128x64xf32, #tpu.memory_space<hbm>> -> memref<128x64xf32, #tpu.memory_space<hbm>>
    tpu.wait_dma2 semaphore(%arg27 : memref<!tpu.dma_semaphore, #tpu.memory_space<semaphore_mem>>) src(%dma_wait3A_76 : memref<128x64xf32, #tpu.memory_space<hbm>>) dst(%arg22 : memref<128x64xf32, #tpu.memory_space<vmem>>)
    %dma_wait3A_77 = arith.constant 0 : i32
    %dma_wait3A_78 = arith.constant 0 : i32
    %dma_wait3A_79 = tpu.memref_slice %arg6[%add3A, %dma_wait3A_77, %dma_wait3A_78] : memref<32x128x64xf32, #tpu.memory_space<hbm>> -> memref<1x128x64xf32, #tpu.memory_space<hbm>>
    %dma_wait3A_80 = tpu.memref_squeeze %dma_wait3A_79 : memref<1x128x64xf32, #tpu.memory_space<hbm>> -> memref<128x64xf32, #tpu.memory_space<hbm>>
    %dma_wait3A_81 = arith.constant 0 : i32
    %dma_wait3A_82 = arith.constant 0 : i32
    %dma_wait3A_83 = tpu.memref_slice %arg6[%add3A, %dma_wait3A_81, %dma_wait3A_82] : memref<32x128x64xf32, #tpu.memory_space<hbm>> -> memref<1x128x64xf32, #tpu.memory_space<hbm>>
    %dma_wait3A_84 = tpu.memref_squeeze %dma_wait3A_83 : memref<1x128x64xf32, #tpu.memory_space<hbm>> -> memref<128x64xf32, #tpu.memory_space<hbm>>
    tpu.wait_dma2 semaphore(%arg27 : memref<!tpu.dma_semaphore, #tpu.memory_space<semaphore_mem>>) src(%dma_wait3A_84 : memref<128x64xf32, #tpu.memory_space<hbm>>) dst(%arg23 : memref<128x64xf32, #tpu.memory_space<vmem>>)
    %scan3A_85 = arith.constant 0 : i32
    %scan3A_86 = arith.constant 0 : i32
    %scan3A_87 = arith.constant 128 : i32
    %scan3A_88 = arith.addi %scan3A_86, %scan3A_87 : i32
    %scan3A_89 = arith.constant 1 : i32
    scf.for %scan3A_123 = %scan3A_86 to %scan3A_88 step %scan3A_89  : i32 {
      %get3A = arith.index_cast %scan3A_123 : i32 to index
      %get3A_124 = arith.constant 0 : index
      %get3A_125 = tpu.vector_load %arg22[%get3A, %get3A_124] {strides = array<i32>} : memref<128x64xf32, #tpu.memory_space<vmem>>, vector<16xf32>,
      %swap3A = arith.constant 0 : index
      %swap3A_126 = tpu.vector_load %arg24[%swap3A] {strides = array<i32>} : memref<64xf32, #tpu.memory_space<vmem>>, vector<16xf32>,
      tpu.vector_store %arg24[%swap3A], %get3A_125 {strides = array<i32>} : memref<64xf32, #tpu.memory_space<vmem>>, vector<16xf32>,
      %get3A_127 = arith.index_cast %scan3A_123 : i32 to index
      %get3A_128 = arith.constant 0 : index
      %get3A_129 = tpu.vector_load %arg23[%get3A_127, %get3A_128] {strides = array<i32>} : memref<128x64xf32, #tpu.memory_space<vmem>>, vector<16xf32>,
      %swap3A_130 = arith.constant 0 : index
      %swap3A_131 = tpu.vector_load %arg25[%swap3A_130] {strides = array<i32>} : memref<64xf32, #tpu.memory_space<vmem>>, vector<16xf32>,
      tpu.vector_store %arg25[%swap3A_130], %get3A_129 {strides = array<i32>} : memref<64xf32, #tpu.memory_space<vmem>>, vector<16xf32>,
      %get3A_132 = arith.index_cast %scan3A_123 : i32 to index
      %get3A_133 = arith.constant 16 : index
      %get3A_134 = tpu.vector_load %arg22[%get3A_132, %get3A_133] {strides = array<i32>} : memref<128x64xf32, #tpu.memory_space<vmem>>, vector<16xf32>,
      %swap3A_135 = arith.constant 16 : index
      %swap3A_136 = tpu.vector_load %arg24[%swap3A_135] {strides = array<i32>} : memref<64xf32, #tpu.memory_space<vmem>>, vector<16xf32>,
      tpu.vector_store %arg24[%swap3A_135], %get3A_134 {strides = array<i32>} : memref<64xf32, #tpu.memory_space<vmem>>, vector<16xf32>,
      %get3A_137 = arith.index_cast %scan3A_123 : i32 to index
      %get3A_138 = arith.constant 16 : index
      %get3A_139 = tpu.vector_load %arg23[%get3A_137, %get3A_138] {strides = array<i32>} : memref<128x64xf32, #tpu.memory_space<vmem>>, vector<16xf32>,
      %swap3A_140 = arith.constant 16 : index
      %swap3A_141 = tpu.vector_load %arg25[%swap3A_140] {strides = array<i32>} : memref<64xf32, #tpu.memory_space<vmem>>, vector<16xf32>,
      tpu.vector_store %arg25[%swap3A_140], %get3A_139 {strides = array<i32>} : memref<64xf32, #tpu.memory_space<vmem>>, vector<16xf32>,
      %get3A_142 = arith.index_cast %scan3A_123 : i32 to index
      %get3A_143 = arith.constant 32 : index
      %get3A_144 = tpu.vector_load %arg22[%get3A_142, %get3A_143] {strides = array<i32>} : memref<128x64xf32, #tpu.memory_space<vmem>>, vector<16xf32>,
      %swap3A_145 = arith.constant 32 : index
      %swap3A_146 = tpu.vector_load %arg24[%swap3A_145] {strides = array<i32>} : memref<64xf32, #tpu.memory_space<vmem>>, vector<16xf32>,
      tpu.vector_store %arg24[%swap3A_145], %get3A_144 {strides = array<i32>} : memref<64xf32, #tpu.memory_space<vmem>>, vector<16xf32>,
      %get3A_147 = arith.index_cast %scan3A_123 : i32 to index
      %get3A_148 = arith.constant 32 : index
      %get3A_149 = tpu.vector_load %arg23[%get3A_147, %get3A_148] {strides = array<i32>} : memref<128x64xf32, #tpu.memory_space<vmem>>, vector<16xf32>,
      %swap3A_150 = arith.constant 32 : index
      %swap3A_151 = tpu.vector_load %arg25[%swap3A_150] {strides = array<i32>} : memref<64xf32, #tpu.memory_space<vmem>>, vector<16xf32>,
      tpu.vector_store %arg25[%swap3A_150], %get3A_149 {strides = array<i32>} : memref<64xf32, #tpu.memory_space<vmem>>, vector<16xf32>,
      %get3A_152 = arith.index_cast %scan3A_123 : i32 to index
      %get3A_153 = arith.constant 48 : index
      %get3A_154 = tpu.vector_load %arg22[%get3A_152, %get3A_153] {strides = array<i32>} : memref<128x64xf32, #tpu.memory_space<vmem>>, vector<16xf32>,
      %swap3A_155 = arith.constant 48 : index
      %swap3A_156 = tpu.vector_load %arg24[%swap3A_155] {strides = array<i32>} : memref<64xf32, #tpu.memory_space<vmem>>, vector<16xf32>,
      tpu.vector_store %arg24[%swap3A_155], %get3A_154 {strides = array<i32>} : memref<64xf32, #tpu.memory_space<vmem>>, vector<16xf32>,
      %get3A_157 = arith.index_cast %scan3A_123 : i32 to index
      %get3A_158 = arith.constant 48 : index
      %get3A_159 = tpu.vector_load %arg23[%get3A_157, %get3A_158] {strides = array<i32>} : memref<128x64xf32, #tpu.memory_space<vmem>>, vector<16xf32>,
      %swap3A_160 = arith.constant 48 : index
      %swap3A_161 = tpu.vector_load %arg25[%swap3A_160] {strides = array<i32>} : memref<64xf32, #tpu.memory_space<vmem>>, vector<16xf32>,
      tpu.vector_store %arg25[%swap3A_160], %get3A_159 {strides = array<i32>} : memref<64xf32, #tpu.memory_space<vmem>>, vector<16xf32>,
      %get3A_162 = arith.index_cast %scan3A_123 : i32 to index
      %get3A_163 = arith.constant 0 : index
      %get3A_164 = tpu.vector_load %arg20[%get3A_162, %get3A_163] {strides = array<i32>} : memref<128x64xf32, #tpu.memory_space<vmem>>, vector<16xf32>,
      %get3A_165 = arith.index_cast %scan3A_123 : i32 to index
      %get3A_166 = arith.constant 0 : index
      %get3A_167 = tpu.vector_load %arg21[%get3A_165, %get3A_166] {strides = array<i32>} : memref<128x64xf32, #tpu.memory_space<vmem>>, vector<16xf32>,
      %mul3A_168 = arith.mulf %get3A_164, %scan3A_44#0 : vector<16xf32>
      %mul3A_169 = arith.mulf %get3A_167, %scan3A_44#4 : vector<16xf32>
      %sub3A = arith.subf %mul3A_168, %mul3A_169 : vector<16xf32>
      %mul3A_170 = arith.mulf %get3A_164, %scan3A_44#4 : vector<16xf32>
      %mul3A_171 = arith.mulf %get3A_167, %scan3A_44#0 : vector<16xf32>
      %add3A_172 = arith.addf %mul3A_170, %mul3A_171 : vector<16xf32>
      %get3A_173 = arith.index_cast %scan3A_123 : i32 to index
      %get3A_174 = arith.constant 0 : index
      %get3A_175 = tpu.vector_load %arg19[%get3A_173, %get3A_174] {strides = array<i32>} : memref<128x64xi32, #tpu.memory_space<vmem>>, vector<16xi32>,
      tpu.vector_store_idx %arg24[%get3A_175], %sub3A {add = true} : memref<64xf32, #tpu.memory_space<vmem>>[vector<16xi32>], vector<16xf32>,
      tpu.vector_store_idx %arg25[%get3A_175], %add3A_172 {add = true} : memref<64xf32, #tpu.memory_space<vmem>>[vector<16xi32>], vector<16xf32>,
      %get3A_176 = arith.index_cast %scan3A_123 : i32 to index
      %get3A_177 = arith.constant 16 : index
      %get3A_178 = tpu.vector_load %arg20[%get3A_176, %get3A_177] {strides = array<i32>} : memref<128x64xf32, #tpu.memory_space<vmem>>, vector<16xf32>,
      %get3A_179 = arith.index_cast %scan3A_123 : i32 to index
      %get3A_180 = arith.constant 16 : index
      %get3A_181 = tpu.vector_load %arg21[%get3A_179, %get3A_180] {strides = array<i32>} : memref<128x64xf32, #tpu.memory_space<vmem>>, vector<16xf32>,
      %mul3A_182 = arith.mulf %get3A_178, %scan3A_44#1 : vector<16xf32>
      %mul3A_183 = arith.mulf %get3A_181, %scan3A_44#5 : vector<16xf32>
      %sub3A_184 = arith.subf %mul3A_182, %mul3A_183 : vector<16xf32>
      %mul3A_185 = arith.mulf %get3A_178, %scan3A_44#5 : vector<16xf32>
      %mul3A_186 = arith.mulf %get3A_181, %scan3A_44#1 : vector<16xf32>
      %add3A_187 = arith.addf %mul3A_185, %mul3A_186 : vector<16xf32>
      %get3A_188 = arith.index_cast %scan3A_123 : i32 to index
      %get3A_189 = arith.constant 16 : index
      %get3A_190 = tpu.vector_load %arg19[%get3A_188, %get3A_189] {strides = array<i32>} : memref<128x64xi32, #tpu.memory_space<vmem>>, vector<16xi32>,
      tpu.vector_store_idx %arg24[%get3A_190], %sub3A_184 {add = true} : memref<64xf32, #tpu.memory_space<vmem>>[vector<16xi32>], vector<16xf32>,
      tpu.vector_store_idx %arg25[%get3A_190], %add3A_187 {add = true} : memref<64xf32, #tpu.memory_space<vmem>>[vector<16xi32>], vector<16xf32>,
      %get3A_191 = arith.index_cast %scan3A_123 : i32 to index
      %get3A_192 = arith.constant 32 : index
      %get3A_193 = tpu.vector_load %arg20[%get3A_191, %get3A_192] {strides = array<i32>} : memref<128x64xf32, #tpu.memory_space<vmem>>, vector<16xf32>,
      %get3A_194 = arith.index_cast %scan3A_123 : i32 to index
      %get3A_195 = arith.constant 32 : index
      %get3A_196 = tpu.vector_load %arg21[%get3A_194, %get3A_195] {strides = array<i32>} : memref<128x64xf32, #tpu.memory_space<vmem>>, vector<16xf32>,
      %mul3A_197 = arith.mulf %get3A_193, %scan3A_44#2 : vector<16xf32>
      %mul3A_198 = arith.mulf %get3A_196, %scan3A_44#6 : vector<16xf32>
      %sub3A_199 = arith.subf %mul3A_197, %mul3A_198 : vector<16xf32>
      %mul3A_200 = arith.mulf %get3A_193, %scan3A_44#6 : vector<16xf32>
      %mul3A_201 = arith.mulf %get3A_196, %scan3A_44#2 : vector<16xf32>
      %add3A_202 = arith.addf %mul3A_200, %mul3A_201 : vector<16xf32>
      %get3A_203 = arith.index_cast %scan3A_123 : i32 to index
      %get3A_204 = arith.constant 32 : index
      %get3A_205 = tpu.vector_load %arg19[%get3A_203, %get3A_204] {strides = array<i32>} : memref<128x64xi32, #tpu.memory_space<vmem>>, vector<16xi32>,
      tpu.vector_store_idx %arg24[%get3A_205], %sub3A_199 {add = true} : memref<64xf32, #tpu.memory_space<vmem>>[vector<16xi32>], vector<16xf32>,
      tpu.vector_store_idx %arg25[%get3A_205], %add3A_202 {add = true} : memref<64xf32, #tpu.memory_space<vmem>>[vector<16xi32>], vector<16xf32>,
      %get3A_206 = arith.index_cast %scan3A_123 : i32 to index
      %get3A_207 = arith.constant 48 : index
      %get3A_208 = tpu.vector_load %arg20[%get3A_206, %get3A_207] {strides = array<i32>} : memref<128x64xf32, #tpu.memory_space<vmem>>, vector<16xf32>,
      %get3A_209 = arith.index_cast %scan3A_123 : i32 to index
      %get3A_210 = arith.constant 48 : index
      %get3A_211 = tpu.vector_load %arg21[%get3A_209, %get3A_210] {strides = array<i32>} : memref<128x64xf32, #tpu.memory_space<vmem>>, vector<16xf32>,
      %mul3A_212 = arith.mulf %get3A_208, %scan3A_44#3 : vector<16xf32>
      %mul3A_213 = arith.mulf %get3A_211, %scan3A_44#7 : vector<16xf32>
      %sub3A_214 = arith.subf %mul3A_212, %mul3A_213 : vector<16xf32>
      %mul3A_215 = arith.mulf %get3A_208, %scan3A_44#7 : vector<16xf32>
      %mul3A_216 = arith.mulf %get3A_211, %scan3A_44#3 : vector<16xf32>
      %add3A_217 = arith.addf %mul3A_215, %mul3A_216 : vector<16xf32>
      %get3A_218 = arith.index_cast %scan3A_123 : i32 to index
      %get3A_219 = arith.constant 48 : index
      %get3A_220 = tpu.vector_load %arg19[%get3A_218, %get3A_219] {strides = array<i32>} : memref<128x64xi32, #tpu.memory_space<vmem>>, vector<16xi32>,
      tpu.vector_store_idx %arg24[%get3A_220], %sub3A_214 {add = true} : memref<64xf32, #tpu.memory_space<vmem>>[vector<16xi32>], vector<16xf32>,
      tpu.vector_store_idx %arg25[%get3A_220], %add3A_217 {add = true} : memref<64xf32, #tpu.memory_space<vmem>>[vector<16xi32>], vector<16xf32>,
      %get3A_221 = arith.constant 0 : index
      %get3A_222 = tpu.vector_load %arg24[%get3A_221] {strides = array<i32>} : memref<64xf32, #tpu.memory_space<vmem>>, vector<16xf32>,
      %swap3A_223 = arith.index_cast %scan3A_123 : i32 to index
      %swap3A_224 = arith.constant 0 : index
      %swap3A_225 = tpu.vector_load %arg22[%swap3A_223, %swap3A_224] {strides = array<i32>} : memref<128x64xf32, #tpu.memory_space<vmem>>, vector<16xf32>,
      tpu.vector_store %arg22[%swap3A_223, %swap3A_224], %get3A_222 {strides = array<i32>} : memref<128x64xf32, #tpu.memory_space<vmem>>, vector<16xf32>,
      %get3A_226 = arith.constant 0 : index
      %get3A_227 = tpu.vector_load %arg25[%get3A_226] {strides = array<i32>} : memref<64xf32, #tpu.memory_space<vmem>>, vector<16xf32>,
      %swap3A_228 = arith.index_cast %scan3A_123 : i32 to index
      %swap3A_229 = arith.constant 0 : index
      %swap3A_230 = tpu.vector_load %arg23[%swap3A_228, %swap3A_229] {strides = array<i32>} : memref<128x64xf32, #tpu.memory_space<vmem>>, vector<16xf32>,
      tpu.vector_store %arg23[%swap3A_228, %swap3A_229], %get3A_227 {strides = array<i32>} : memref<128x64xf32, #tpu.memory_space<vmem>>, vector<16xf32>,
      %get3A_231 = arith.constant 16 : index
      %get3A_232 = tpu.vector_load %arg24[%get3A_231] {strides = array<i32>} : memref<64xf32, #tpu.memory_space<vmem>>, vector<16xf32>,
      %swap3A_233 = arith.index_cast %scan3A_123 : i32 to index
      %swap3A_234 = arith.constant 16 : index
      %swap3A_235 = tpu.vector_load %arg22[%swap3A_233, %swap3A_234] {strides = array<i32>} : memref<128x64xf32, #tpu.memory_space<vmem>>, vector<16xf32>,
      tpu.vector_store %arg22[%swap3A_233, %swap3A_234], %get3A_232 {strides = array<i32>} : memref<128x64xf32, #tpu.memory_space<vmem>>, vector<16xf32>,
      %get3A_236 = arith.constant 16 : index
      %get3A_237 = tpu.vector_load %arg25[%get3A_236] {strides = array<i32>} : memref<64xf32, #tpu.memory_space<vmem>>, vector<16xf32>,
      %swap3A_238 = arith.index_cast %scan3A_123 : i32 to index
      %swap3A_239 = arith.constant 16 : index
      %swap3A_240 = tpu.vector_load %arg23[%swap3A_238, %swap3A_239] {strides = array<i32>} : memref<128x64xf32, #tpu.memory_space<vmem>>, vector<16xf32>,
      tpu.vector_store %arg23[%swap3A_238, %swap3A_239], %get3A_237 {strides = array<i32>} : memref<128x64xf32, #tpu.memory_space<vmem>>, vector<16xf32>,
      %get3A_241 = arith.constant 32 : index
      %get3A_242 = tpu.vector_load %arg24[%get3A_241] {strides = array<i32>} : memref<64xf32, #tpu.memory_space<vmem>>, vector<16xf32>,
      %swap3A_243 = arith.index_cast %scan3A_123 : i32 to index
      %swap3A_244 = arith.constant 32 : index
      %swap3A_245 = tpu.vector_load %arg22[%swap3A_243, %swap3A_244] {strides = array<i32>} : memref<128x64xf32, #tpu.memory_space<vmem>>, vector<16xf32>,
      tpu.vector_store %arg22[%swap3A_243, %swap3A_244], %get3A_242 {strides = array<i32>} : memref<128x64xf32, #tpu.memory_space<vmem>>, vector<16xf32>,
      %get3A_246 = arith.constant 32 : index
      %get3A_247 = tpu.vector_load %arg25[%get3A_246] {strides = array<i32>} : memref<64xf32, #tpu.memory_space<vmem>>, vector<16xf32>,
      %swap3A_248 = arith.index_cast %scan3A_123 : i32 to index
      %swap3A_249 = arith.constant 32 : index
      %swap3A_250 = tpu.vector_load %arg23[%swap3A_248, %swap3A_249] {strides = array<i32>} : memref<128x64xf32, #tpu.memory_space<vmem>>, vector<16xf32>,
      tpu.vector_store %arg23[%swap3A_248, %swap3A_249], %get3A_247 {strides = array<i32>} : memref<128x64xf32, #tpu.memory_space<vmem>>, vector<16xf32>,
      %get3A_251 = arith.constant 48 : index
      %get3A_252 = tpu.vector_load %arg24[%get3A_251] {strides = array<i32>} : memref<64xf32, #tpu.memory_space<vmem>>, vector<16xf32>,
      %swap3A_253 = arith.index_cast %scan3A_123 : i32 to index
      %swap3A_254 = arith.constant 48 : index
      %swap3A_255 = tpu.vector_load %arg22[%swap3A_253, %swap3A_254] {strides = array<i32>} : memref<128x64xf32, #tpu.memory_space<vmem>>, vector<16xf32>,
      tpu.vector_store %arg22[%swap3A_253, %swap3A_254], %get3A_252 {strides = array<i32>} : memref<128x64xf32, #tpu.memory_space<vmem>>, vector<16xf32>,
      %get3A_256 = arith.constant 48 : index
      %get3A_257 = tpu.vector_load %arg25[%get3A_256] {strides = array<i32>} : memref<64xf32, #tpu.memory_space<vmem>>, vector<16xf32>,
      %swap3A_258 = arith.index_cast %scan3A_123 : i32 to index
      %swap3A_259 = arith.constant 48 : index
      %swap3A_260 = tpu.vector_load %arg23[%swap3A_258, %swap3A_259] {strides = array<i32>} : memref<128x64xf32, #tpu.memory_space<vmem>>, vector<16xf32>,
      tpu.vector_store %arg23[%swap3A_258, %swap3A_259], %get3A_257 {strides = array<i32>} : memref<128x64xf32, #tpu.memory_space<vmem>>, vector<16xf32>,
    }
    %scan3A_90 = arith.constant 128 : i32
    %dma_start3A_91 = arith.constant 0 : i32
    %dma_start3A_92 = arith.constant 0 : i32
    %dma_start3A_93 = tpu.memref_slice %arg12[%add3A, %dma_start3A_91, %dma_start3A_92] : memref<32x128x64xf32, #tpu.memory_space<hbm>> -> memref<1x128x64xf32, #tpu.memory_space<hbm>>
    %dma_start3A_94 = tpu.memref_squeeze %dma_start3A_93 : memref<1x128x64xf32, #tpu.memory_space<hbm>> -> memref<128x64xf32, #tpu.memory_space<hbm>>
    %dma_start3A_95 = arith.constant 0 : i32
    %dma_start3A_96 = arith.constant 0 : i32
    %dma_start3A_97 = tpu.memref_slice %arg12[%add3A, %dma_start3A_95, %dma_start3A_96] : memref<32x128x64xf32, #tpu.memory_space<hbm>> -> memref<1x128x64xf32, #tpu.memory_space<hbm>>
    %dma_start3A_98 = tpu.memref_squeeze %dma_start3A_97 : memref<1x128x64xf32, #tpu.memory_space<hbm>> -> memref<128x64xf32, #tpu.memory_space<hbm>>
    tpu.enqueue_dma source(%arg22 : memref<128x64xf32, #tpu.memory_space<vmem>>) target(%dma_start3A_98 : memref<128x64xf32, #tpu.memory_space<hbm>>) target_semaphore(%arg27 : memref<!tpu.dma_semaphore, #tpu.memory_space<semaphore_mem>>)
    %dma_start3A_99 = arith.constant 0 : i32
    %dma_start3A_100 = arith.constant 0 : i32
    %dma_start3A_101 = tpu.memref_slice %arg13[%add3A, %dma_start3A_99, %dma_start3A_100] : memref<32x128x64xf32, #tpu.memory_space<hbm>> -> memref<1x128x64xf32, #tpu.memory_space<hbm>>
    %dma_start3A_102 = tpu.memref_squeeze %dma_start3A_101 : memref<1x128x64xf32, #tpu.memory_space<hbm>> -> memref<128x64xf32, #tpu.memory_space<hbm>>
    %dma_start3A_103 = arith.constant 0 : i32
    %dma_start3A_104 = arith.constant 0 : i32
    %dma_start3A_105 = tpu.memref_slice %arg13[%add3A, %dma_start3A_103, %dma_start3A_104] : memref<32x128x64xf32, #tpu.memory_space<hbm>> -> memref<1x128x64xf32, #tpu.memory_space<hbm>>
    %dma_start3A_106 = tpu.memref_squeeze %dma_start3A_105 : memref<1x128x64xf32, #tpu.memory_space<hbm>> -> memref<128x64xf32, #tpu.memory_space<hbm>>
    tpu.enqueue_dma source(%arg23 : memref<128x64xf32, #tpu.memory_space<vmem>>) target(%dma_start3A_106 : memref<128x64xf32, #tpu.memory_space<hbm>>) target_semaphore(%arg27 : memref<!tpu.dma_semaphore, #tpu.memory_space<semaphore_mem>>)
    %dma_wait3A_107 = arith.constant 0 : i32
    %dma_wait3A_108 = arith.constant 0 : i32
    %dma_wait3A_109 = tpu.memref_slice %arg12[%add3A, %dma_wait3A_107, %dma_wait3A_108] : memref<32x128x64xf32, #tpu.memory_space<hbm>> -> memref<1x128x64xf32, #tpu.memory_space<hbm>>
    %dma_wait3A_110 = tpu.memref_squeeze %dma_wait3A_109 : memref<1x128x64xf32, #tpu.memory_space<hbm>> -> memref<128x64xf32, #tpu.memory_space<hbm>>
    %dma_wait3A_111 = arith.constant 0 : i32
    %dma_wait3A_112 = arith.constant 0 : i32
    %dma_wait3A_113 = tpu.memref_slice %arg12[%add3A, %dma_wait3A_111, %dma_wait3A_112] : memref<32x128x64xf32, #tpu.memory_space<hbm>> -> memref<1x128x64xf32, #tpu.memory_space<hbm>>
    %dma_wait3A_114 = tpu.memref_squeeze %dma_wait3A_113 : memref<1x128x64xf32, #tpu.memory_space<hbm>> -> memref<128x64xf32, #tpu.memory_space<hbm>>
    tpu.wait_dma2 semaphore(%arg27 : memref<!tpu.dma_semaphore, #tpu.memory_space<semaphore_mem>>) src(%arg22 : memref<128x64xf32, #tpu.memory_space<vmem>>) dst(%dma_wait3A_114 : memref<128x64xf32, #tpu.memory_space<hbm>>)
    %dma_wait3A_115 = arith.constant 0 : i32
    %dma_wait3A_116 = arith.constant 0 : i32
    %dma_wait3A_117 = tpu.memref_slice %arg13[%add3A, %dma_wait3A_115, %dma_wait3A_116] : memref<32x128x64xf32, #tpu.memory_space<hbm>> -> memref<1x128x64xf32, #tpu.memory_space<hbm>>
    %dma_wait3A_118 = tpu.memref_squeeze %dma_wait3A_117 : memref<1x128x64xf32, #tpu.memory_space<hbm>> -> memref<128x64xf32, #tpu.memory_space<hbm>>
    %dma_wait3A_119 = arith.constant 0 : i32
    %dma_wait3A_120 = arith.constant 0 : i32
    %dma_wait3A_121 = tpu.memref_slice %arg13[%add3A, %dma_wait3A_119, %dma_wait3A_120] : memref<32x128x64xf32, #tpu.memory_space<hbm>> -> memref<1x128x64xf32, #tpu.memory_space<hbm>>
    %dma_wait3A_122 = tpu.memref_squeeze %dma_wait3A_121 : memref<1x128x64xf32, #tpu.memory_space<hbm>> -> memref<128x64xf32, #tpu.memory_space<hbm>>
    tpu.wait_dma2 semaphore(%arg27 : memref<!tpu.dma_semaphore, #tpu.memory_space<semaphore_mem>>) src(%arg23 : memref<128x64xf32, #tpu.memory_space<vmem>>) dst(%dma_wait3A_122 : memref<128x64xf32, #tpu.memory_space<hbm>>)
    return
  }
}

module attributes {stable_mosaic.version = 14 : i64} {
  func.func @_tc2_body(%arg0: i32, %arg1: memref<4x128x64xf32, #tpu.memory_space<vmem>>, %arg2: memref<4x128x64xf32, #tpu.memory_space<vmem>>, %arg3: memref<512x1024xf32, #tpu.memory_space<vmem>>, %arg4: memref<1024x64xf32, #tpu.memory_space<vmem>>, %arg5: memref<1024x64xf32, #tpu.memory_space<vmem>>, %arg6: memref<1x1024xf32, #tpu.memory_space<vmem>>, %arg7: memref<512x1024xf32, #tpu.memory_space<vmem>>) attributes {dimension_semantics = [#tpu.dimension_semantics<arbitrary>], iteration_bounds = array<i64: 8>, scalar_prefetch = 0 : i64, scratch_operands = 0 : i64, tpu.core_type = #tpu.core_type<tc>, window_params = [{transform_indices = @transform_0, window_bounds = array<i64: 4, 128, 64>}, {transform_indices = @transform_1, window_bounds = array<i64: 4, 128, 64>}, {transform_indices = @transform_2, window_bounds = array<i64: 512, 1024>}, {pipeline_mode = #tpu.pipeline_mode<synchronous>, transform_indices = @transform_3, window_bounds = array<i64: 1024, 64>}, {pipeline_mode = #tpu.pipeline_mode<synchronous>, transform_indices = @transform_4, window_bounds = array<i64: 1024, 64>}, {pipeline_mode = #tpu.pipeline_mode<synchronous>, transform_indices = @transform_5, window_bounds = array<i64: 1, 1024>}, {transform_indices = @transform_6, window_bounds = array<i64: 512, 1024>}]} {
    %get3A = arith.constant 0 : index
    %get3A_0 = arith.constant 0 : index
    %get3A_1 = arith.constant 0 : index
    %get3A_2 = vector.load %arg1[%get3A, %get3A_0, %get3A_1] : memref<4x128x64xf32, #tpu.memory_space<vmem>>, vector<4x128x64xf32>
    %reshape3A = vector.shape_cast %get3A_2 : vector<4x128x64xf32> to vector<512x64xf32>
    %get3A_3 = arith.constant 0 : index
    %get3A_4 = arith.constant 0 : index
    %get3A_5 = arith.constant 0 : index
    %get3A_6 = vector.load %arg2[%get3A_3, %get3A_4, %get3A_5] : memref<4x128x64xf32, #tpu.memory_space<vmem>>, vector<4x128x64xf32>
    %reshape3A_7 = vector.shape_cast %get3A_6 : vector<4x128x64xf32> to vector<512x64xf32>
    %get3A_8 = arith.constant 0 : index
    %get3A_9 = arith.constant 0 : index
    %get3A_10 = vector.load %arg4[%get3A_8, %get3A_9] : memref<1024x64xf32, #tpu.memory_space<vmem>>, vector<1024x64xf32>
    %dot_general3A = arith.constant dense<0.000000e+00> : vector<512x1024xf32>
    %dot_general3A_11 = tpu.matmul %reshape3A, %get3A_10, %dot_general3A {dimension_numbers = #tpu.dot_dimension_numbers<[1], [1], [0], [0], [0, 0, 1, 0], [], []>, transpose_lhs_hint = false} : vector<512x64xf32>, vector<1024x64xf32>, vector<512x1024xf32> -> vector<512x1024xf32>
    %get3A_12 = arith.constant 0 : index
    %get3A_13 = arith.constant 0 : index
    %get3A_14 = vector.load %arg5[%get3A_12, %get3A_13] : memref<1024x64xf32, #tpu.memory_space<vmem>>, vector<1024x64xf32>
    %dot_general3A_15 = arith.constant dense<0.000000e+00> : vector<512x1024xf32>
    %dot_general3A_16 = tpu.matmul %reshape3A_7, %get3A_14, %dot_general3A_15 {dimension_numbers = #tpu.dot_dimension_numbers<[1], [1], [0], [0], [0, 0, 1, 0], [], []>, transpose_lhs_hint = false} : vector<512x64xf32>, vector<1024x64xf32>, vector<512x1024xf32> -> vector<512x1024xf32>
    %sub3A = arith.subf %dot_general3A_11, %dot_general3A_16 : vector<512x1024xf32>
    %get3A_17 = arith.constant 0 : index
    %get3A_18 = arith.constant 0 : index
    %get3A_19 = vector.load %arg6[%get3A_17, %get3A_18] : memref<1x1024xf32, #tpu.memory_space<vmem>>, vector<1x1024xf32>
    %get3A_20 = arith.constant 0 : index
    %get3A_21 = arith.constant 0 : index
    %get3A_22 = vector.load %arg3[%get3A_20, %get3A_21] : memref<512x1024xf32, #tpu.memory_space<vmem>>, vector<512x1024xf32>
    %mul3A = vector.broadcast %get3A_19 : vector<1x1024xf32> to vector<512x1024xf32>
    %mul3A_23 = arith.mulf %mul3A, %get3A_22 : vector<512x1024xf32>
    %add3A = arith.addf %sub3A, %mul3A_23 : vector<512x1024xf32>
    %swap3A = arith.constant 0 : index
    %swap3A_24 = arith.constant 0 : index
    %swap3A_25 = vector.load %arg7[%swap3A, %swap3A_24] : memref<512x1024xf32, #tpu.memory_space<vmem>>, vector<512x1024xf32>
    tpu.vector_store %arg7[%swap3A, %swap3A_24], %add3A {strides = array<i32>} : memref<512x1024xf32, #tpu.memory_space<vmem>>, vector<512x1024xf32>,
    return
  }
  func.func @transform_0(%arg0: i32) -> (i32, i32, i32) {
    %c0_i32 = arith.constant 0 : i32
    %c0_i32_0 = arith.constant 0 : i32
    %c0_i32_1 = arith.constant 0 : i32
    return %arg0, %c0_i32, %c0_i32_0 : i32, i32, i32
  }
  func.func @transform_1(%arg0: i32) -> (i32, i32, i32) {
    %c0_i32 = arith.constant 0 : i32
    %c0_i32_0 = arith.constant 0 : i32
    %c0_i32_1 = arith.constant 0 : i32
    return %arg0, %c0_i32, %c0_i32_0 : i32, i32, i32
  }
  func.func @transform_2(%arg0: i32) -> (i32, i32) {
    %c0_i32 = arith.constant 0 : i32
    %c0_i32_0 = arith.constant 0 : i32
    return %arg0, %c0_i32 : i32, i32
  }
  func.func @transform_3(%arg0: i32) -> (i32, i32) {
    %c0_i32 = arith.constant 0 : i32
    %c0_i32_0 = arith.constant 0 : i32
    %c0_i32_1 = arith.constant 0 : i32
    return %c0_i32, %c0_i32_0 : i32, i32
  }
  func.func @transform_4(%arg0: i32) -> (i32, i32) {
    %c0_i32 = arith.constant 0 : i32
    %c0_i32_0 = arith.constant 0 : i32
    %c0_i32_1 = arith.constant 0 : i32
    return %c0_i32, %c0_i32_0 : i32, i32
  }
  func.func @transform_5(%arg0: i32) -> (i32, i32) {
    %c0_i32 = arith.constant 0 : i32
    %c0_i32_0 = arith.constant 0 : i32
    %c0_i32_1 = arith.constant 0 : i32
    return %c0_i32, %c0_i32_0 : i32, i32
  }
  func.func @transform_6(%arg0: i32) -> (i32, i32) {
    %c0_i32 = arith.constant 0 : i32
    %c0_i32_0 = arith.constant 0 : i32
    return %arg0, %c0_i32 : i32, i32
  }
}

module attributes {stable_mosaic.version = 14 : i64} {
  func.func @_tc1_body(%arg0: i32, %arg1: memref<1024x1024xf32, #tpu.memory_space<vmem>>, %arg2: memref<64x1024xf32, #tpu.memory_space<vmem>>, %arg3: memref<64x1024xf32, #tpu.memory_space<vmem>>, %arg4: memref<64x1024xf32, #tpu.memory_space<vmem>>, %arg5: memref<64x1024xf32, #tpu.memory_space<vmem>>, %arg6: memref<1x64xf32, #tpu.memory_space<vmem>>, %arg7: memref<1x64xf32, #tpu.memory_space<vmem>>, %arg8: memref<6x1024xf32, #tpu.memory_space<vmem>>, %arg9: memref<4096x6xf32, #tpu.memory_space<vmem>>, %arg10: memref<8x128x64xf32, #tpu.memory_space<vmem>>, %arg11: memref<8x128x64xf32, #tpu.memory_space<vmem>>, %arg12: memref<8x128x64xf32, #tpu.memory_space<vmem>>, %arg13: memref<8x128x64xf32, #tpu.memory_space<vmem>>, %arg14: memref<8x128x64xi32, #tpu.memory_space<vmem>>) attributes {dimension_semantics = [#tpu.dimension_semantics<arbitrary>], iteration_bounds = array<i64: 4>, scalar_prefetch = 0 : i64, scratch_operands = 0 : i64, tpu.core_type = #tpu.core_type<tc>, window_params = [{transform_indices = @transform_0, window_bounds = array<i64: 1024, 1024>}, {pipeline_mode = #tpu.pipeline_mode<synchronous>, transform_indices = @transform_1, window_bounds = array<i64: 64, 1024>}, {pipeline_mode = #tpu.pipeline_mode<synchronous>, transform_indices = @transform_2, window_bounds = array<i64: 64, 1024>}, {pipeline_mode = #tpu.pipeline_mode<synchronous>, transform_indices = @transform_3, window_bounds = array<i64: 64, 1024>}, {pipeline_mode = #tpu.pipeline_mode<synchronous>, transform_indices = @transform_4, window_bounds = array<i64: 64, 1024>}, {pipeline_mode = #tpu.pipeline_mode<synchronous>, transform_indices = @transform_5, window_bounds = array<i64: 1, 64>}, {pipeline_mode = #tpu.pipeline_mode<synchronous>, transform_indices = @transform_6, window_bounds = array<i64: 1, 64>}, {pipeline_mode = #tpu.pipeline_mode<synchronous>, transform_indices = @transform_7, window_bounds = array<i64: 6, 1024>}, {pipeline_mode = #tpu.pipeline_mode<synchronous>, transform_indices = @transform_8, window_bounds = array<i64: 4096, 6>}, {transform_indices = @transform_9, window_bounds = array<i64: 8, 128, 64>}, {transform_indices = @transform_10, window_bounds = array<i64: 8, 128, 64>}, {transform_indices = @transform_11, window_bounds = array<i64: 8, 128, 64>}, {transform_indices = @transform_12, window_bounds = array<i64: 8, 128, 64>}, {transform_indices = @transform_13, window_bounds = array<i64: 8, 128, 64>}]} {
    %get3A = arith.constant 0 : index
    %get3A_0 = arith.constant 0 : index
    %get3A_1 = vector.load %arg1[%get3A, %get3A_0] : memref<1024x1024xf32, #tpu.memory_space<vmem>>, vector<1024x1024xf32>
    %get3A_2 = arith.constant 0 : index
    %get3A_3 = arith.constant 0 : index
    %get3A_4 = vector.load %arg2[%get3A_2, %get3A_3] : memref<64x1024xf32, #tpu.memory_space<vmem>>, vector<64x1024xf32>
    %dot_general3A = arith.constant dense<0.000000e+00> : vector<1024x64xf32>
    %dot_general3A_5 = tpu.matmul %get3A_1, %get3A_4, %dot_general3A {dimension_numbers = #tpu.dot_dimension_numbers<[1], [1], [0], [0], [0, 0, 1, 0], [], []>, transpose_lhs_hint = false} : vector<1024x1024xf32>, vector<64x1024xf32>, vector<1024x64xf32> -> vector<1024x64xf32>
    %get3A_6 = arith.constant 0 : index
    %get3A_7 = arith.constant 0 : index
    %get3A_8 = vector.load %arg6[%get3A_6, %get3A_7] : memref<1x64xf32, #tpu.memory_space<vmem>>, vector<1x64xf32>
    %add3A = vector.broadcast %get3A_8 : vector<1x64xf32> to vector<1024x64xf32>
    %add3A_9 = arith.addf %dot_general3A_5, %add3A : vector<1024x64xf32>
    %logistic3A = arith.negf %add3A_9 : vector<1024x64xf32>
    %logistic3A_10 = math.exp %logistic3A : vector<1024x64xf32>
    %logistic3A_11 = arith.constant 1.000000e+00 : f32
    %logistic3A_12 = vector.broadcast %logistic3A_11 : f32 to vector<1024x64xf32>
    %logistic3A_13 = arith.addf %logistic3A_12, %logistic3A_10 : vector<1024x64xf32>
    %logistic3A_14 = arith.divf %logistic3A_12, %logistic3A_13 : vector<1024x64xf32>
    %get3A_15 = arith.constant 0 : index
    %get3A_16 = arith.constant 0 : index
    %get3A_17 = vector.load %arg3[%get3A_15, %get3A_16] : memref<64x1024xf32, #tpu.memory_space<vmem>>, vector<64x1024xf32>
    %dot_general3A_18 = arith.constant dense<0.000000e+00> : vector<1024x64xf32>
    %dot_general3A_19 = tpu.matmul %get3A_1, %get3A_17, %dot_general3A_18 {dimension_numbers = #tpu.dot_dimension_numbers<[1], [1], [0], [0], [0, 0, 1, 0], [], []>, transpose_lhs_hint = false} : vector<1024x1024xf32>, vector<64x1024xf32>, vector<1024x64xf32> -> vector<1024x64xf32>
    %get3A_20 = arith.constant 0 : index
    %get3A_21 = arith.constant 0 : index
    %get3A_22 = vector.load %arg7[%get3A_20, %get3A_21] : memref<1x64xf32, #tpu.memory_space<vmem>>, vector<1x64xf32>
    %add3A_23 = vector.broadcast %get3A_22 : vector<1x64xf32> to vector<1024x64xf32>
    %add3A_24 = arith.addf %dot_general3A_19, %add3A_23 : vector<1024x64xf32>
    %logistic3A_25 = arith.negf %add3A_24 : vector<1024x64xf32>
    %logistic3A_26 = math.exp %logistic3A_25 : vector<1024x64xf32>
    %logistic3A_27 = arith.constant 1.000000e+00 : f32
    %logistic3A_28 = vector.broadcast %logistic3A_27 : f32 to vector<1024x64xf32>
    %logistic3A_29 = arith.addf %logistic3A_28, %logistic3A_26 : vector<1024x64xf32>
    %logistic3A_30 = arith.divf %logistic3A_28, %logistic3A_29 : vector<1024x64xf32>
    %mul3A = arith.constant 6.28318548 : f32
    %mul3A_31 = vector.broadcast %mul3A : f32 to vector<1024x64xf32>
    %mul3A_32 = arith.mulf %logistic3A_30, %mul3A_31 : vector<1024x64xf32>
    %cos3A = math.cos %mul3A_32 : vector<1024x64xf32>
    %mul3A_33 = arith.mulf %logistic3A_14, %cos3A : vector<1024x64xf32>
    %reshape3A = vector.shape_cast %mul3A_33 : vector<1024x64xf32> to vector<8x128x64xf32>
    %swap3A = arith.constant 0 : index
    %swap3A_34 = arith.constant 0 : index
    %swap3A_35 = arith.constant 0 : index
    %swap3A_36 = vector.load %arg10[%swap3A, %swap3A_34, %swap3A_35] : memref<8x128x64xf32, #tpu.memory_space<vmem>>, vector<8x128x64xf32>
    tpu.vector_store %arg10[%swap3A, %swap3A_34, %swap3A_35], %reshape3A {strides = array<i32>} : memref<8x128x64xf32, #tpu.memory_space<vmem>>, vector<8x128x64xf32>,
    %sin3A = math.sin %mul3A_32 : vector<1024x64xf32>
    %mul3A_37 = arith.mulf %logistic3A_14, %sin3A : vector<1024x64xf32>
    %reshape3A_38 = vector.shape_cast %mul3A_37 : vector<1024x64xf32> to vector<8x128x64xf32>
    %swap3A_39 = arith.constant 0 : index
    %swap3A_40 = arith.constant 0 : index
    %swap3A_41 = arith.constant 0 : index
    %swap3A_42 = vector.load %arg11[%swap3A_39, %swap3A_40, %swap3A_41] : memref<8x128x64xf32, #tpu.memory_space<vmem>>, vector<8x128x64xf32>
    tpu.vector_store %arg11[%swap3A_39, %swap3A_40, %swap3A_41], %reshape3A_38 {strides = array<i32>} : memref<8x128x64xf32, #tpu.memory_space<vmem>>, vector<8x128x64xf32>,
    %get3A_43 = arith.constant 0 : index
    %get3A_44 = arith.constant 0 : index
    %get3A_45 = vector.load %arg4[%get3A_43, %get3A_44] : memref<64x1024xf32, #tpu.memory_space<vmem>>, vector<64x1024xf32>
    %dot_general3A_46 = arith.constant dense<0.000000e+00> : vector<1024x64xf32>
    %dot_general3A_47 = tpu.matmul %get3A_1, %get3A_45, %dot_general3A_46 {dimension_numbers = #tpu.dot_dimension_numbers<[1], [1], [0], [0], [0, 0, 1, 0], [], []>, transpose_lhs_hint = false} : vector<1024x1024xf32>, vector<64x1024xf32>, vector<1024x64xf32> -> vector<1024x64xf32>
    %reshape3A_48 = vector.shape_cast %dot_general3A_47 : vector<1024x64xf32> to vector<8x128x64xf32>
    %swap3A_49 = arith.constant 0 : index
    %swap3A_50 = arith.constant 0 : index
    %swap3A_51 = arith.constant 0 : index
    %swap3A_52 = vector.load %arg12[%swap3A_49, %swap3A_50, %swap3A_51] : memref<8x128x64xf32, #tpu.memory_space<vmem>>, vector<8x128x64xf32>
    tpu.vector_store %arg12[%swap3A_49, %swap3A_50, %swap3A_51], %reshape3A_48 {strides = array<i32>} : memref<8x128x64xf32, #tpu.memory_space<vmem>>, vector<8x128x64xf32>,
    %get3A_53 = arith.constant 0 : index
    %get3A_54 = arith.constant 0 : index
    %get3A_55 = vector.load %arg5[%get3A_53, %get3A_54] : memref<64x1024xf32, #tpu.memory_space<vmem>>, vector<64x1024xf32>
    %dot_general3A_56 = arith.constant dense<0.000000e+00> : vector<1024x64xf32>
    %dot_general3A_57 = tpu.matmul %get3A_1, %get3A_55, %dot_general3A_56 {dimension_numbers = #tpu.dot_dimension_numbers<[1], [1], [0], [0], [0, 0, 1, 0], [], []>, transpose_lhs_hint = false} : vector<1024x1024xf32>, vector<64x1024xf32>, vector<1024x64xf32> -> vector<1024x64xf32>
    %reshape3A_58 = vector.shape_cast %dot_general3A_57 : vector<1024x64xf32> to vector<8x128x64xf32>
    %swap3A_59 = arith.constant 0 : index
    %swap3A_60 = arith.constant 0 : index
    %swap3A_61 = arith.constant 0 : index
    %swap3A_62 = vector.load %arg13[%swap3A_59, %swap3A_60, %swap3A_61] : memref<8x128x64xf32, #tpu.memory_space<vmem>>, vector<8x128x64xf32>
    tpu.vector_store %arg13[%swap3A_59, %swap3A_60, %swap3A_61], %reshape3A_58 {strides = array<i32>} : memref<8x128x64xf32, #tpu.memory_space<vmem>>, vector<8x128x64xf32>,
    %get3A_63 = arith.constant 0 : index
    %get3A_64 = arith.constant 0 : index
    %get3A_65 = vector.load %arg8[%get3A_63, %get3A_64] : memref<6x1024xf32, #tpu.memory_space<vmem>>, vector<6x1024xf32>
    %dot_general3A_66 = arith.constant dense<0.000000e+00> : vector<1024x6xf32>
    %dot_general3A_67 = tpu.matmul %get3A_1, %get3A_65, %dot_general3A_66 {dimension_numbers = #tpu.dot_dimension_numbers<[1], [1], [0], [0], [0, 0, 1, 0], [], []>, transpose_lhs_hint = false} : vector<1024x1024xf32>, vector<6x1024xf32>, vector<1024x6xf32> -> vector<1024x6xf32>
    %reduce_max3A = arith.constant dense<0xFF800000> : vector<1024xf32>
    %reduce_max3A_68 = vector.multi_reduction <maximumf>, %dot_general3A_67, %reduce_max3A [1] : vector<1024x6xf32> to vector<1024xf32>
    %broadcast_in_dim3A = vector.shape_cast %reduce_max3A_68 : vector<1024xf32> to vector<1024x1xf32>
    %sub3A = vector.broadcast %broadcast_in_dim3A : vector<1024x1xf32> to vector<1024x6xf32>
    %sub3A_69 = arith.subf %dot_general3A_67, %sub3A : vector<1024x6xf32>
    %exp3A = math.exp %sub3A_69 : vector<1024x6xf32>
    %reduce_sum3A = arith.constant dense<0.000000e+00> : vector<1024xf32>
    %reduce_sum3A_70 = vector.multi_reduction <add>, %exp3A, %reduce_sum3A [1] : vector<1024x6xf32> to vector<1024xf32>
    %broadcast_in_dim3A_71 = vector.shape_cast %reduce_sum3A_70 : vector<1024xf32> to vector<1024x1xf32>
    %div3A = vector.broadcast %broadcast_in_dim3A_71 : vector<1024x1xf32> to vector<1024x6xf32>
    %div3A_72 = arith.divf %exp3A, %div3A : vector<1024x6xf32>
    %get3A_73 = arith.constant 0 : index
    %get3A_74 = arith.constant 0 : index
    %get3A_75 = vector.load %arg9[%get3A_73, %get3A_74] : memref<4096x6xf32, #tpu.memory_space<vmem>>, vector<4096x6xf32>
    %dot_general3A_76 = arith.constant dense<0.000000e+00> : vector<4096x1024xf32>
    %dot_general3A_77 = tpu.matmul %get3A_75, %div3A_72, %dot_general3A_76 {dimension_numbers = #tpu.dot_dimension_numbers<[1], [1], [0], [0], [0, 0, 1, 0], [], []>, transpose_lhs_hint = false} : vector<4096x6xf32>, vector<1024x6xf32>, vector<4096x1024xf32> -> vector<4096x1024xf32>
    %reshape3A_78 = vector.shape_cast %dot_general3A_77 : vector<4096x1024xf32> to vector<64x64x1024xf32>
    %slice3A = vector.extract_strided_slice %reshape3A_78 {offsets = [0, 0, 0], sizes = [1, 64, 1024], strides = [1, 1, 1]} : vector<64x64x1024xf32> to vector<1x64x1024xf32>
    %squeeze3A = vector.shape_cast %slice3A : vector<1x64x1024xf32> to vector<64x1024xf32>
    %broadcast_in_dim3A_79 = arith.constant 0.000000e+00 : f32
    %broadcast_in_dim3A_80 = vector.broadcast %broadcast_in_dim3A_79 : f32 to vector<64x1024xf32>
    %slice3A_81 = vector.extract_strided_slice %reshape3A_78 {offsets = [1, 0, 0], sizes = [1, 64, 1024], strides = [1, 1, 1]} : vector<64x64x1024xf32> to vector<1x64x1024xf32>
    %squeeze3A_82 = vector.shape_cast %slice3A_81 : vector<1x64x1024xf32> to vector<64x1024xf32>
    %gt3A = arith.cmpf ogt, %squeeze3A_82, %squeeze3A : vector<64x1024xf32>
    %select_n3A = arith.select %gt3A, %squeeze3A_82, %squeeze3A : vector<64x1024xi1>, vector<64x1024xf32>
    %jit3A = arith.constant 1.000000e+00 : f32
    %broadcast_in_dim3A_83 = vector.broadcast %jit3A : f32 to vector<64x1024xf32>
    %select_n3A_84 = arith.select %gt3A, %broadcast_in_dim3A_83, %broadcast_in_dim3A_80 : vector<64x1024xi1>, vector<64x1024xf32>
    %slice3A_85 = vector.extract_strided_slice %reshape3A_78 {offsets = [2, 0, 0], sizes = [1, 64, 1024], strides = [1, 1, 1]} : vector<64x64x1024xf32> to vector<1x64x1024xf32>
    %squeeze3A_86 = vector.shape_cast %slice3A_85 : vector<1x64x1024xf32> to vector<64x1024xf32>
    %gt3A_87 = arith.cmpf ogt, %squeeze3A_86, %select_n3A : vector<64x1024xf32>
    %select_n3A_88 = arith.select %gt3A_87, %squeeze3A_86, %select_n3A : vector<64x1024xi1>, vector<64x1024xf32>
    %jit3A_89 = arith.constant 2.000000e+00 : f32
    %broadcast_in_dim3A_90 = vector.broadcast %jit3A_89 : f32 to vector<64x1024xf32>
    %select_n3A_91 = arith.select %gt3A_87, %broadcast_in_dim3A_90, %select_n3A_84 : vector<64x1024xi1>, vector<64x1024xf32>
    %slice3A_92 = vector.extract_strided_slice %reshape3A_78 {offsets = [3, 0, 0], sizes = [1, 64, 1024], strides = [1, 1, 1]} : vector<64x64x1024xf32> to vector<1x64x1024xf32>
    %squeeze3A_93 = vector.shape_cast %slice3A_92 : vector<1x64x1024xf32> to vector<64x1024xf32>
    %gt3A_94 = arith.cmpf ogt, %squeeze3A_93, %select_n3A_88 : vector<64x1024xf32>
    %select_n3A_95 = arith.select %gt3A_94, %squeeze3A_93, %select_n3A_88 : vector<64x1024xi1>, vector<64x1024xf32>
    %jit3A_96 = arith.constant 3.000000e+00 : f32
    %broadcast_in_dim3A_97 = vector.broadcast %jit3A_96 : f32 to vector<64x1024xf32>
    %select_n3A_98 = arith.select %gt3A_94, %broadcast_in_dim3A_97, %select_n3A_91 : vector<64x1024xi1>, vector<64x1024xf32>
    %slice3A_99 = vector.extract_strided_slice %reshape3A_78 {offsets = [4, 0, 0], sizes = [1, 64, 1024], strides = [1, 1, 1]} : vector<64x64x1024xf32> to vector<1x64x1024xf32>
    %squeeze3A_100 = vector.shape_cast %slice3A_99 : vector<1x64x1024xf32> to vector<64x1024xf32>
    %gt3A_101 = arith.cmpf ogt, %squeeze3A_100, %select_n3A_95 : vector<64x1024xf32>
    %select_n3A_102 = arith.select %gt3A_101, %squeeze3A_100, %select_n3A_95 : vector<64x1024xi1>, vector<64x1024xf32>
    %jit3A_103 = arith.constant 4.000000e+00 : f32
    %broadcast_in_dim3A_104 = vector.broadcast %jit3A_103 : f32 to vector<64x1024xf32>
    %select_n3A_105 = arith.select %gt3A_101, %broadcast_in_dim3A_104, %select_n3A_98 : vector<64x1024xi1>, vector<64x1024xf32>
    %slice3A_106 = vector.extract_strided_slice %reshape3A_78 {offsets = [5, 0, 0], sizes = [1, 64, 1024], strides = [1, 1, 1]} : vector<64x64x1024xf32> to vector<1x64x1024xf32>
    %squeeze3A_107 = vector.shape_cast %slice3A_106 : vector<1x64x1024xf32> to vector<64x1024xf32>
    %gt3A_108 = arith.cmpf ogt, %squeeze3A_107, %select_n3A_102 : vector<64x1024xf32>
    %select_n3A_109 = arith.select %gt3A_108, %squeeze3A_107, %select_n3A_102 : vector<64x1024xi1>, vector<64x1024xf32>
    %jit3A_110 = arith.constant 5.000000e+00 : f32
    %broadcast_in_dim3A_111 = vector.broadcast %jit3A_110 : f32 to vector<64x1024xf32>
    %select_n3A_112 = arith.select %gt3A_108, %broadcast_in_dim3A_111, %select_n3A_105 : vector<64x1024xi1>, vector<64x1024xf32>
    %slice3A_113 = vector.extract_strided_slice %reshape3A_78 {offsets = [6, 0, 0], sizes = [1, 64, 1024], strides = [1, 1, 1]} : vector<64x64x1024xf32> to vector<1x64x1024xf32>
    %squeeze3A_114 = vector.shape_cast %slice3A_113 : vector<1x64x1024xf32> to vector<64x1024xf32>
    %gt3A_115 = arith.cmpf ogt, %squeeze3A_114, %select_n3A_109 : vector<64x1024xf32>
    %select_n3A_116 = arith.select %gt3A_115, %squeeze3A_114, %select_n3A_109 : vector<64x1024xi1>, vector<64x1024xf32>
    %jit3A_117 = arith.constant 6.000000e+00 : f32
    %broadcast_in_dim3A_118 = vector.broadcast %jit3A_117 : f32 to vector<64x1024xf32>
    %select_n3A_119 = arith.select %gt3A_115, %broadcast_in_dim3A_118, %select_n3A_112 : vector<64x1024xi1>, vector<64x1024xf32>
    %slice3A_120 = vector.extract_strided_slice %reshape3A_78 {offsets = [7, 0, 0], sizes = [1, 64, 1024], strides = [1, 1, 1]} : vector<64x64x1024xf32> to vector<1x64x1024xf32>
    %squeeze3A_121 = vector.shape_cast %slice3A_120 : vector<1x64x1024xf32> to vector<64x1024xf32>
    %gt3A_122 = arith.cmpf ogt, %squeeze3A_121, %select_n3A_116 : vector<64x1024xf32>
    %select_n3A_123 = arith.select %gt3A_122, %squeeze3A_121, %select_n3A_116 : vector<64x1024xi1>, vector<64x1024xf32>
    %jit3A_124 = arith.constant 7.000000e+00 : f32
    %broadcast_in_dim3A_125 = vector.broadcast %jit3A_124 : f32 to vector<64x1024xf32>
    %select_n3A_126 = arith.select %gt3A_122, %broadcast_in_dim3A_125, %select_n3A_119 : vector<64x1024xi1>, vector<64x1024xf32>
    %slice3A_127 = vector.extract_strided_slice %reshape3A_78 {offsets = [8, 0, 0], sizes = [1, 64, 1024], strides = [1, 1, 1]} : vector<64x64x1024xf32> to vector<1x64x1024xf32>
    %squeeze3A_128 = vector.shape_cast %slice3A_127 : vector<1x64x1024xf32> to vector<64x1024xf32>
    %gt3A_129 = arith.cmpf ogt, %squeeze3A_128, %select_n3A_123 : vector<64x1024xf32>
    %select_n3A_130 = arith.select %gt3A_129, %squeeze3A_128, %select_n3A_123 : vector<64x1024xi1>, vector<64x1024xf32>
    %jit3A_131 = arith.constant 8.000000e+00 : f32
    %broadcast_in_dim3A_132 = vector.broadcast %jit3A_131 : f32 to vector<64x1024xf32>
    %select_n3A_133 = arith.select %gt3A_129, %broadcast_in_dim3A_132, %select_n3A_126 : vector<64x1024xi1>, vector<64x1024xf32>
    %slice3A_134 = vector.extract_strided_slice %reshape3A_78 {offsets = [9, 0, 0], sizes = [1, 64, 1024], strides = [1, 1, 1]} : vector<64x64x1024xf32> to vector<1x64x1024xf32>
    %squeeze3A_135 = vector.shape_cast %slice3A_134 : vector<1x64x1024xf32> to vector<64x1024xf32>
    %gt3A_136 = arith.cmpf ogt, %squeeze3A_135, %select_n3A_130 : vector<64x1024xf32>
    %select_n3A_137 = arith.select %gt3A_136, %squeeze3A_135, %select_n3A_130 : vector<64x1024xi1>, vector<64x1024xf32>
    %jit3A_138 = arith.constant 9.000000e+00 : f32
    %broadcast_in_dim3A_139 = vector.broadcast %jit3A_138 : f32 to vector<64x1024xf32>
    %select_n3A_140 = arith.select %gt3A_136, %broadcast_in_dim3A_139, %select_n3A_133 : vector<64x1024xi1>, vector<64x1024xf32>
    %slice3A_141 = vector.extract_strided_slice %reshape3A_78 {offsets = [10, 0, 0], sizes = [1, 64, 1024], strides = [1, 1, 1]} : vector<64x64x1024xf32> to vector<1x64x1024xf32>
    %squeeze3A_142 = vector.shape_cast %slice3A_141 : vector<1x64x1024xf32> to vector<64x1024xf32>
    %gt3A_143 = arith.cmpf ogt, %squeeze3A_142, %select_n3A_137 : vector<64x1024xf32>
    %select_n3A_144 = arith.select %gt3A_143, %squeeze3A_142, %select_n3A_137 : vector<64x1024xi1>, vector<64x1024xf32>
    %jit3A_145 = arith.constant 1.000000e+01 : f32
    %broadcast_in_dim3A_146 = vector.broadcast %jit3A_145 : f32 to vector<64x1024xf32>
    %select_n3A_147 = arith.select %gt3A_143, %broadcast_in_dim3A_146, %select_n3A_140 : vector<64x1024xi1>, vector<64x1024xf32>
    %slice3A_148 = vector.extract_strided_slice %reshape3A_78 {offsets = [11, 0, 0], sizes = [1, 64, 1024], strides = [1, 1, 1]} : vector<64x64x1024xf32> to vector<1x64x1024xf32>
    %squeeze3A_149 = vector.shape_cast %slice3A_148 : vector<1x64x1024xf32> to vector<64x1024xf32>
    %gt3A_150 = arith.cmpf ogt, %squeeze3A_149, %select_n3A_144 : vector<64x1024xf32>
    %select_n3A_151 = arith.select %gt3A_150, %squeeze3A_149, %select_n3A_144 : vector<64x1024xi1>, vector<64x1024xf32>
    %jit3A_152 = arith.constant 1.100000e+01 : f32
    %broadcast_in_dim3A_153 = vector.broadcast %jit3A_152 : f32 to vector<64x1024xf32>
    %select_n3A_154 = arith.select %gt3A_150, %broadcast_in_dim3A_153, %select_n3A_147 : vector<64x1024xi1>, vector<64x1024xf32>
    %slice3A_155 = vector.extract_strided_slice %reshape3A_78 {offsets = [12, 0, 0], sizes = [1, 64, 1024], strides = [1, 1, 1]} : vector<64x64x1024xf32> to vector<1x64x1024xf32>
    %squeeze3A_156 = vector.shape_cast %slice3A_155 : vector<1x64x1024xf32> to vector<64x1024xf32>
    %gt3A_157 = arith.cmpf ogt, %squeeze3A_156, %select_n3A_151 : vector<64x1024xf32>
    %select_n3A_158 = arith.select %gt3A_157, %squeeze3A_156, %select_n3A_151 : vector<64x1024xi1>, vector<64x1024xf32>
    %jit3A_159 = arith.constant 1.200000e+01 : f32
    %broadcast_in_dim3A_160 = vector.broadcast %jit3A_159 : f32 to vector<64x1024xf32>
    %select_n3A_161 = arith.select %gt3A_157, %broadcast_in_dim3A_160, %select_n3A_154 : vector<64x1024xi1>, vector<64x1024xf32>
    %slice3A_162 = vector.extract_strided_slice %reshape3A_78 {offsets = [13, 0, 0], sizes = [1, 64, 1024], strides = [1, 1, 1]} : vector<64x64x1024xf32> to vector<1x64x1024xf32>
    %squeeze3A_163 = vector.shape_cast %slice3A_162 : vector<1x64x1024xf32> to vector<64x1024xf32>
    %gt3A_164 = arith.cmpf ogt, %squeeze3A_163, %select_n3A_158 : vector<64x1024xf32>
    %select_n3A_165 = arith.select %gt3A_164, %squeeze3A_163, %select_n3A_158 : vector<64x1024xi1>, vector<64x1024xf32>
    %jit3A_166 = arith.constant 1.300000e+01 : f32
    %broadcast_in_dim3A_167 = vector.broadcast %jit3A_166 : f32 to vector<64x1024xf32>
    %select_n3A_168 = arith.select %gt3A_164, %broadcast_in_dim3A_167, %select_n3A_161 : vector<64x1024xi1>, vector<64x1024xf32>
    %slice3A_169 = vector.extract_strided_slice %reshape3A_78 {offsets = [14, 0, 0], sizes = [1, 64, 1024], strides = [1, 1, 1]} : vector<64x64x1024xf32> to vector<1x64x1024xf32>
    %squeeze3A_170 = vector.shape_cast %slice3A_169 : vector<1x64x1024xf32> to vector<64x1024xf32>
    %gt3A_171 = arith.cmpf ogt, %squeeze3A_170, %select_n3A_165 : vector<64x1024xf32>
    %select_n3A_172 = arith.select %gt3A_171, %squeeze3A_170, %select_n3A_165 : vector<64x1024xi1>, vector<64x1024xf32>
    %jit3A_173 = arith.constant 1.400000e+01 : f32
    %broadcast_in_dim3A_174 = vector.broadcast %jit3A_173 : f32 to vector<64x1024xf32>
    %select_n3A_175 = arith.select %gt3A_171, %broadcast_in_dim3A_174, %select_n3A_168 : vector<64x1024xi1>, vector<64x1024xf32>
    %slice3A_176 = vector.extract_strided_slice %reshape3A_78 {offsets = [15, 0, 0], sizes = [1, 64, 1024], strides = [1, 1, 1]} : vector<64x64x1024xf32> to vector<1x64x1024xf32>
    %squeeze3A_177 = vector.shape_cast %slice3A_176 : vector<1x64x1024xf32> to vector<64x1024xf32>
    %gt3A_178 = arith.cmpf ogt, %squeeze3A_177, %select_n3A_172 : vector<64x1024xf32>
    %select_n3A_179 = arith.select %gt3A_178, %squeeze3A_177, %select_n3A_172 : vector<64x1024xi1>, vector<64x1024xf32>
    %jit3A_180 = arith.constant 1.500000e+01 : f32
    %broadcast_in_dim3A_181 = vector.broadcast %jit3A_180 : f32 to vector<64x1024xf32>
    %select_n3A_182 = arith.select %gt3A_178, %broadcast_in_dim3A_181, %select_n3A_175 : vector<64x1024xi1>, vector<64x1024xf32>
    %slice3A_183 = vector.extract_strided_slice %reshape3A_78 {offsets = [16, 0, 0], sizes = [1, 64, 1024], strides = [1, 1, 1]} : vector<64x64x1024xf32> to vector<1x64x1024xf32>
    %squeeze3A_184 = vector.shape_cast %slice3A_183 : vector<1x64x1024xf32> to vector<64x1024xf32>
    %gt3A_185 = arith.cmpf ogt, %squeeze3A_184, %select_n3A_179 : vector<64x1024xf32>
    %select_n3A_186 = arith.select %gt3A_185, %squeeze3A_184, %select_n3A_179 : vector<64x1024xi1>, vector<64x1024xf32>
    %jit3A_187 = arith.constant 1.600000e+01 : f32
    %broadcast_in_dim3A_188 = vector.broadcast %jit3A_187 : f32 to vector<64x1024xf32>
    %select_n3A_189 = arith.select %gt3A_185, %broadcast_in_dim3A_188, %select_n3A_182 : vector<64x1024xi1>, vector<64x1024xf32>
    %slice3A_190 = vector.extract_strided_slice %reshape3A_78 {offsets = [17, 0, 0], sizes = [1, 64, 1024], strides = [1, 1, 1]} : vector<64x64x1024xf32> to vector<1x64x1024xf32>
    %squeeze3A_191 = vector.shape_cast %slice3A_190 : vector<1x64x1024xf32> to vector<64x1024xf32>
    %gt3A_192 = arith.cmpf ogt, %squeeze3A_191, %select_n3A_186 : vector<64x1024xf32>
    %select_n3A_193 = arith.select %gt3A_192, %squeeze3A_191, %select_n3A_186 : vector<64x1024xi1>, vector<64x1024xf32>
    %jit3A_194 = arith.constant 1.700000e+01 : f32
    %broadcast_in_dim3A_195 = vector.broadcast %jit3A_194 : f32 to vector<64x1024xf32>
    %select_n3A_196 = arith.select %gt3A_192, %broadcast_in_dim3A_195, %select_n3A_189 : vector<64x1024xi1>, vector<64x1024xf32>
    %slice3A_197 = vector.extract_strided_slice %reshape3A_78 {offsets = [18, 0, 0], sizes = [1, 64, 1024], strides = [1, 1, 1]} : vector<64x64x1024xf32> to vector<1x64x1024xf32>
    %squeeze3A_198 = vector.shape_cast %slice3A_197 : vector<1x64x1024xf32> to vector<64x1024xf32>
    %gt3A_199 = arith.cmpf ogt, %squeeze3A_198, %select_n3A_193 : vector<64x1024xf32>
    %select_n3A_200 = arith.select %gt3A_199, %squeeze3A_198, %select_n3A_193 : vector<64x1024xi1>, vector<64x1024xf32>
    %jit3A_201 = arith.constant 1.800000e+01 : f32
    %broadcast_in_dim3A_202 = vector.broadcast %jit3A_201 : f32 to vector<64x1024xf32>
    %select_n3A_203 = arith.select %gt3A_199, %broadcast_in_dim3A_202, %select_n3A_196 : vector<64x1024xi1>, vector<64x1024xf32>
    %slice3A_204 = vector.extract_strided_slice %reshape3A_78 {offsets = [19, 0, 0], sizes = [1, 64, 1024], strides = [1, 1, 1]} : vector<64x64x1024xf32> to vector<1x64x1024xf32>
    %squeeze3A_205 = vector.shape_cast %slice3A_204 : vector<1x64x1024xf32> to vector<64x1024xf32>
    %gt3A_206 = arith.cmpf ogt, %squeeze3A_205, %select_n3A_200 : vector<64x1024xf32>
    %select_n3A_207 = arith.select %gt3A_206, %squeeze3A_205, %select_n3A_200 : vector<64x1024xi1>, vector<64x1024xf32>
    %jit3A_208 = arith.constant 1.900000e+01 : f32
    %broadcast_in_dim3A_209 = vector.broadcast %jit3A_208 : f32 to vector<64x1024xf32>
    %select_n3A_210 = arith.select %gt3A_206, %broadcast_in_dim3A_209, %select_n3A_203 : vector<64x1024xi1>, vector<64x1024xf32>
    %slice3A_211 = vector.extract_strided_slice %reshape3A_78 {offsets = [20, 0, 0], sizes = [1, 64, 1024], strides = [1, 1, 1]} : vector<64x64x1024xf32> to vector<1x64x1024xf32>
    %squeeze3A_212 = vector.shape_cast %slice3A_211 : vector<1x64x1024xf32> to vector<64x1024xf32>
    %gt3A_213 = arith.cmpf ogt, %squeeze3A_212, %select_n3A_207 : vector<64x1024xf32>
    %select_n3A_214 = arith.select %gt3A_213, %squeeze3A_212, %select_n3A_207 : vector<64x1024xi1>, vector<64x1024xf32>
    %jit3A_215 = arith.constant 2.000000e+01 : f32
    %broadcast_in_dim3A_216 = vector.broadcast %jit3A_215 : f32 to vector<64x1024xf32>
    %select_n3A_217 = arith.select %gt3A_213, %broadcast_in_dim3A_216, %select_n3A_210 : vector<64x1024xi1>, vector<64x1024xf32>
    %slice3A_218 = vector.extract_strided_slice %reshape3A_78 {offsets = [21, 0, 0], sizes = [1, 64, 1024], strides = [1, 1, 1]} : vector<64x64x1024xf32> to vector<1x64x1024xf32>
    %squeeze3A_219 = vector.shape_cast %slice3A_218 : vector<1x64x1024xf32> to vector<64x1024xf32>
    %gt3A_220 = arith.cmpf ogt, %squeeze3A_219, %select_n3A_214 : vector<64x1024xf32>
    %select_n3A_221 = arith.select %gt3A_220, %squeeze3A_219, %select_n3A_214 : vector<64x1024xi1>, vector<64x1024xf32>
    %jit3A_222 = arith.constant 2.100000e+01 : f32
    %broadcast_in_dim3A_223 = vector.broadcast %jit3A_222 : f32 to vector<64x1024xf32>
    %select_n3A_224 = arith.select %gt3A_220, %broadcast_in_dim3A_223, %select_n3A_217 : vector<64x1024xi1>, vector<64x1024xf32>
    %slice3A_225 = vector.extract_strided_slice %reshape3A_78 {offsets = [22, 0, 0], sizes = [1, 64, 1024], strides = [1, 1, 1]} : vector<64x64x1024xf32> to vector<1x64x1024xf32>
    %squeeze3A_226 = vector.shape_cast %slice3A_225 : vector<1x64x1024xf32> to vector<64x1024xf32>
    %gt3A_227 = arith.cmpf ogt, %squeeze3A_226, %select_n3A_221 : vector<64x1024xf32>
    %select_n3A_228 = arith.select %gt3A_227, %squeeze3A_226, %select_n3A_221 : vector<64x1024xi1>, vector<64x1024xf32>
    %jit3A_229 = arith.constant 2.200000e+01 : f32
    %broadcast_in_dim3A_230 = vector.broadcast %jit3A_229 : f32 to vector<64x1024xf32>
    %select_n3A_231 = arith.select %gt3A_227, %broadcast_in_dim3A_230, %select_n3A_224 : vector<64x1024xi1>, vector<64x1024xf32>
    %slice3A_232 = vector.extract_strided_slice %reshape3A_78 {offsets = [23, 0, 0], sizes = [1, 64, 1024], strides = [1, 1, 1]} : vector<64x64x1024xf32> to vector<1x64x1024xf32>
    %squeeze3A_233 = vector.shape_cast %slice3A_232 : vector<1x64x1024xf32> to vector<64x1024xf32>
    %gt3A_234 = arith.cmpf ogt, %squeeze3A_233, %select_n3A_228 : vector<64x1024xf32>
    %select_n3A_235 = arith.select %gt3A_234, %squeeze3A_233, %select_n3A_228 : vector<64x1024xi1>, vector<64x1024xf32>
    %jit3A_236 = arith.constant 2.300000e+01 : f32
    %broadcast_in_dim3A_237 = vector.broadcast %jit3A_236 : f32 to vector<64x1024xf32>
    %select_n3A_238 = arith.select %gt3A_234, %broadcast_in_dim3A_237, %select_n3A_231 : vector<64x1024xi1>, vector<64x1024xf32>
    %slice3A_239 = vector.extract_strided_slice %reshape3A_78 {offsets = [24, 0, 0], sizes = [1, 64, 1024], strides = [1, 1, 1]} : vector<64x64x1024xf32> to vector<1x64x1024xf32>
    %squeeze3A_240 = vector.shape_cast %slice3A_239 : vector<1x64x1024xf32> to vector<64x1024xf32>
    %gt3A_241 = arith.cmpf ogt, %squeeze3A_240, %select_n3A_235 : vector<64x1024xf32>
    %select_n3A_242 = arith.select %gt3A_241, %squeeze3A_240, %select_n3A_235 : vector<64x1024xi1>, vector<64x1024xf32>
    %jit3A_243 = arith.constant 2.400000e+01 : f32
    %broadcast_in_dim3A_244 = vector.broadcast %jit3A_243 : f32 to vector<64x1024xf32>
    %select_n3A_245 = arith.select %gt3A_241, %broadcast_in_dim3A_244, %select_n3A_238 : vector<64x1024xi1>, vector<64x1024xf32>
    %slice3A_246 = vector.extract_strided_slice %reshape3A_78 {offsets = [25, 0, 0], sizes = [1, 64, 1024], strides = [1, 1, 1]} : vector<64x64x1024xf32> to vector<1x64x1024xf32>
    %squeeze3A_247 = vector.shape_cast %slice3A_246 : vector<1x64x1024xf32> to vector<64x1024xf32>
    %gt3A_248 = arith.cmpf ogt, %squeeze3A_247, %select_n3A_242 : vector<64x1024xf32>
    %select_n3A_249 = arith.select %gt3A_248, %squeeze3A_247, %select_n3A_242 : vector<64x1024xi1>, vector<64x1024xf32>
    %jit3A_250 = arith.constant 2.500000e+01 : f32
    %broadcast_in_dim3A_251 = vector.broadcast %jit3A_250 : f32 to vector<64x1024xf32>
    %select_n3A_252 = arith.select %gt3A_248, %broadcast_in_dim3A_251, %select_n3A_245 : vector<64x1024xi1>, vector<64x1024xf32>
    %slice3A_253 = vector.extract_strided_slice %reshape3A_78 {offsets = [26, 0, 0], sizes = [1, 64, 1024], strides = [1, 1, 1]} : vector<64x64x1024xf32> to vector<1x64x1024xf32>
    %squeeze3A_254 = vector.shape_cast %slice3A_253 : vector<1x64x1024xf32> to vector<64x1024xf32>
    %gt3A_255 = arith.cmpf ogt, %squeeze3A_254, %select_n3A_249 : vector<64x1024xf32>
    %select_n3A_256 = arith.select %gt3A_255, %squeeze3A_254, %select_n3A_249 : vector<64x1024xi1>, vector<64x1024xf32>
    %jit3A_257 = arith.constant 2.600000e+01 : f32
    %broadcast_in_dim3A_258 = vector.broadcast %jit3A_257 : f32 to vector<64x1024xf32>
    %select_n3A_259 = arith.select %gt3A_255, %broadcast_in_dim3A_258, %select_n3A_252 : vector<64x1024xi1>, vector<64x1024xf32>
    %slice3A_260 = vector.extract_strided_slice %reshape3A_78 {offsets = [27, 0, 0], sizes = [1, 64, 1024], strides = [1, 1, 1]} : vector<64x64x1024xf32> to vector<1x64x1024xf32>
    %squeeze3A_261 = vector.shape_cast %slice3A_260 : vector<1x64x1024xf32> to vector<64x1024xf32>
    %gt3A_262 = arith.cmpf ogt, %squeeze3A_261, %select_n3A_256 : vector<64x1024xf32>
    %select_n3A_263 = arith.select %gt3A_262, %squeeze3A_261, %select_n3A_256 : vector<64x1024xi1>, vector<64x1024xf32>
    %jit3A_264 = arith.constant 2.700000e+01 : f32
    %broadcast_in_dim3A_265 = vector.broadcast %jit3A_264 : f32 to vector<64x1024xf32>
    %select_n3A_266 = arith.select %gt3A_262, %broadcast_in_dim3A_265, %select_n3A_259 : vector<64x1024xi1>, vector<64x1024xf32>
    %slice3A_267 = vector.extract_strided_slice %reshape3A_78 {offsets = [28, 0, 0], sizes = [1, 64, 1024], strides = [1, 1, 1]} : vector<64x64x1024xf32> to vector<1x64x1024xf32>
    %squeeze3A_268 = vector.shape_cast %slice3A_267 : vector<1x64x1024xf32> to vector<64x1024xf32>
    %gt3A_269 = arith.cmpf ogt, %squeeze3A_268, %select_n3A_263 : vector<64x1024xf32>
    %select_n3A_270 = arith.select %gt3A_269, %squeeze3A_268, %select_n3A_263 : vector<64x1024xi1>, vector<64x1024xf32>
    %jit3A_271 = arith.constant 2.800000e+01 : f32
    %broadcast_in_dim3A_272 = vector.broadcast %jit3A_271 : f32 to vector<64x1024xf32>
    %select_n3A_273 = arith.select %gt3A_269, %broadcast_in_dim3A_272, %select_n3A_266 : vector<64x1024xi1>, vector<64x1024xf32>
    %slice3A_274 = vector.extract_strided_slice %reshape3A_78 {offsets = [29, 0, 0], sizes = [1, 64, 1024], strides = [1, 1, 1]} : vector<64x64x1024xf32> to vector<1x64x1024xf32>
    %squeeze3A_275 = vector.shape_cast %slice3A_274 : vector<1x64x1024xf32> to vector<64x1024xf32>
    %gt3A_276 = arith.cmpf ogt, %squeeze3A_275, %select_n3A_270 : vector<64x1024xf32>
    %select_n3A_277 = arith.select %gt3A_276, %squeeze3A_275, %select_n3A_270 : vector<64x1024xi1>, vector<64x1024xf32>
    %jit3A_278 = arith.constant 2.900000e+01 : f32
    %broadcast_in_dim3A_279 = vector.broadcast %jit3A_278 : f32 to vector<64x1024xf32>
    %select_n3A_280 = arith.select %gt3A_276, %broadcast_in_dim3A_279, %select_n3A_273 : vector<64x1024xi1>, vector<64x1024xf32>
    %slice3A_281 = vector.extract_strided_slice %reshape3A_78 {offsets = [30, 0, 0], sizes = [1, 64, 1024], strides = [1, 1, 1]} : vector<64x64x1024xf32> to vector<1x64x1024xf32>
    %squeeze3A_282 = vector.shape_cast %slice3A_281 : vector<1x64x1024xf32> to vector<64x1024xf32>
    %gt3A_283 = arith.cmpf ogt, %squeeze3A_282, %select_n3A_277 : vector<64x1024xf32>
    %select_n3A_284 = arith.select %gt3A_283, %squeeze3A_282, %select_n3A_277 : vector<64x1024xi1>, vector<64x1024xf32>
    %jit3A_285 = arith.constant 3.000000e+01 : f32
    %broadcast_in_dim3A_286 = vector.broadcast %jit3A_285 : f32 to vector<64x1024xf32>
    %select_n3A_287 = arith.select %gt3A_283, %broadcast_in_dim3A_286, %select_n3A_280 : vector<64x1024xi1>, vector<64x1024xf32>
    %slice3A_288 = vector.extract_strided_slice %reshape3A_78 {offsets = [31, 0, 0], sizes = [1, 64, 1024], strides = [1, 1, 1]} : vector<64x64x1024xf32> to vector<1x64x1024xf32>
    %squeeze3A_289 = vector.shape_cast %slice3A_288 : vector<1x64x1024xf32> to vector<64x1024xf32>
    %gt3A_290 = arith.cmpf ogt, %squeeze3A_289, %select_n3A_284 : vector<64x1024xf32>
    %select_n3A_291 = arith.select %gt3A_290, %squeeze3A_289, %select_n3A_284 : vector<64x1024xi1>, vector<64x1024xf32>
    %jit3A_292 = arith.constant 3.100000e+01 : f32
    %broadcast_in_dim3A_293 = vector.broadcast %jit3A_292 : f32 to vector<64x1024xf32>
    %select_n3A_294 = arith.select %gt3A_290, %broadcast_in_dim3A_293, %select_n3A_287 : vector<64x1024xi1>, vector<64x1024xf32>
    %slice3A_295 = vector.extract_strided_slice %reshape3A_78 {offsets = [32, 0, 0], sizes = [1, 64, 1024], strides = [1, 1, 1]} : vector<64x64x1024xf32> to vector<1x64x1024xf32>
    %squeeze3A_296 = vector.shape_cast %slice3A_295 : vector<1x64x1024xf32> to vector<64x1024xf32>
    %gt3A_297 = arith.cmpf ogt, %squeeze3A_296, %select_n3A_291 : vector<64x1024xf32>
    %select_n3A_298 = arith.select %gt3A_297, %squeeze3A_296, %select_n3A_291 : vector<64x1024xi1>, vector<64x1024xf32>
    %jit3A_299 = arith.constant 3.200000e+01 : f32
    %broadcast_in_dim3A_300 = vector.broadcast %jit3A_299 : f32 to vector<64x1024xf32>
    %select_n3A_301 = arith.select %gt3A_297, %broadcast_in_dim3A_300, %select_n3A_294 : vector<64x1024xi1>, vector<64x1024xf32>
    %slice3A_302 = vector.extract_strided_slice %reshape3A_78 {offsets = [33, 0, 0], sizes = [1, 64, 1024], strides = [1, 1, 1]} : vector<64x64x1024xf32> to vector<1x64x1024xf32>
    %squeeze3A_303 = vector.shape_cast %slice3A_302 : vector<1x64x1024xf32> to vector<64x1024xf32>
    %gt3A_304 = arith.cmpf ogt, %squeeze3A_303, %select_n3A_298 : vector<64x1024xf32>
    %select_n3A_305 = arith.select %gt3A_304, %squeeze3A_303, %select_n3A_298 : vector<64x1024xi1>, vector<64x1024xf32>
    %jit3A_306 = arith.constant 3.300000e+01 : f32
    %broadcast_in_dim3A_307 = vector.broadcast %jit3A_306 : f32 to vector<64x1024xf32>
    %select_n3A_308 = arith.select %gt3A_304, %broadcast_in_dim3A_307, %select_n3A_301 : vector<64x1024xi1>, vector<64x1024xf32>
    %slice3A_309 = vector.extract_strided_slice %reshape3A_78 {offsets = [34, 0, 0], sizes = [1, 64, 1024], strides = [1, 1, 1]} : vector<64x64x1024xf32> to vector<1x64x1024xf32>
    %squeeze3A_310 = vector.shape_cast %slice3A_309 : vector<1x64x1024xf32> to vector<64x1024xf32>
    %gt3A_311 = arith.cmpf ogt, %squeeze3A_310, %select_n3A_305 : vector<64x1024xf32>
    %select_n3A_312 = arith.select %gt3A_311, %squeeze3A_310, %select_n3A_305 : vector<64x1024xi1>, vector<64x1024xf32>
    %jit3A_313 = arith.constant 3.400000e+01 : f32
    %broadcast_in_dim3A_314 = vector.broadcast %jit3A_313 : f32 to vector<64x1024xf32>
    %select_n3A_315 = arith.select %gt3A_311, %broadcast_in_dim3A_314, %select_n3A_308 : vector<64x1024xi1>, vector<64x1024xf32>
    %slice3A_316 = vector.extract_strided_slice %reshape3A_78 {offsets = [35, 0, 0], sizes = [1, 64, 1024], strides = [1, 1, 1]} : vector<64x64x1024xf32> to vector<1x64x1024xf32>
    %squeeze3A_317 = vector.shape_cast %slice3A_316 : vector<1x64x1024xf32> to vector<64x1024xf32>
    %gt3A_318 = arith.cmpf ogt, %squeeze3A_317, %select_n3A_312 : vector<64x1024xf32>
    %select_n3A_319 = arith.select %gt3A_318, %squeeze3A_317, %select_n3A_312 : vector<64x1024xi1>, vector<64x1024xf32>
    %jit3A_320 = arith.constant 3.500000e+01 : f32
    %broadcast_in_dim3A_321 = vector.broadcast %jit3A_320 : f32 to vector<64x1024xf32>
    %select_n3A_322 = arith.select %gt3A_318, %broadcast_in_dim3A_321, %select_n3A_315 : vector<64x1024xi1>, vector<64x1024xf32>
    %slice3A_323 = vector.extract_strided_slice %reshape3A_78 {offsets = [36, 0, 0], sizes = [1, 64, 1024], strides = [1, 1, 1]} : vector<64x64x1024xf32> to vector<1x64x1024xf32>
    %squeeze3A_324 = vector.shape_cast %slice3A_323 : vector<1x64x1024xf32> to vector<64x1024xf32>
    %gt3A_325 = arith.cmpf ogt, %squeeze3A_324, %select_n3A_319 : vector<64x1024xf32>
    %select_n3A_326 = arith.select %gt3A_325, %squeeze3A_324, %select_n3A_319 : vector<64x1024xi1>, vector<64x1024xf32>
    %jit3A_327 = arith.constant 3.600000e+01 : f32
    %broadcast_in_dim3A_328 = vector.broadcast %jit3A_327 : f32 to vector<64x1024xf32>
    %select_n3A_329 = arith.select %gt3A_325, %broadcast_in_dim3A_328, %select_n3A_322 : vector<64x1024xi1>, vector<64x1024xf32>
    %slice3A_330 = vector.extract_strided_slice %reshape3A_78 {offsets = [37, 0, 0], sizes = [1, 64, 1024], strides = [1, 1, 1]} : vector<64x64x1024xf32> to vector<1x64x1024xf32>
    %squeeze3A_331 = vector.shape_cast %slice3A_330 : vector<1x64x1024xf32> to vector<64x1024xf32>
    %gt3A_332 = arith.cmpf ogt, %squeeze3A_331, %select_n3A_326 : vector<64x1024xf32>
    %select_n3A_333 = arith.select %gt3A_332, %squeeze3A_331, %select_n3A_326 : vector<64x1024xi1>, vector<64x1024xf32>
    %jit3A_334 = arith.constant 3.700000e+01 : f32
    %broadcast_in_dim3A_335 = vector.broadcast %jit3A_334 : f32 to vector<64x1024xf32>
    %select_n3A_336 = arith.select %gt3A_332, %broadcast_in_dim3A_335, %select_n3A_329 : vector<64x1024xi1>, vector<64x1024xf32>
    %slice3A_337 = vector.extract_strided_slice %reshape3A_78 {offsets = [38, 0, 0], sizes = [1, 64, 1024], strides = [1, 1, 1]} : vector<64x64x1024xf32> to vector<1x64x1024xf32>
    %squeeze3A_338 = vector.shape_cast %slice3A_337 : vector<1x64x1024xf32> to vector<64x1024xf32>
    %gt3A_339 = arith.cmpf ogt, %squeeze3A_338, %select_n3A_333 : vector<64x1024xf32>
    %select_n3A_340 = arith.select %gt3A_339, %squeeze3A_338, %select_n3A_333 : vector<64x1024xi1>, vector<64x1024xf32>
    %jit3A_341 = arith.constant 3.800000e+01 : f32
    %broadcast_in_dim3A_342 = vector.broadcast %jit3A_341 : f32 to vector<64x1024xf32>
    %select_n3A_343 = arith.select %gt3A_339, %broadcast_in_dim3A_342, %select_n3A_336 : vector<64x1024xi1>, vector<64x1024xf32>
    %slice3A_344 = vector.extract_strided_slice %reshape3A_78 {offsets = [39, 0, 0], sizes = [1, 64, 1024], strides = [1, 1, 1]} : vector<64x64x1024xf32> to vector<1x64x1024xf32>
    %squeeze3A_345 = vector.shape_cast %slice3A_344 : vector<1x64x1024xf32> to vector<64x1024xf32>
    %gt3A_346 = arith.cmpf ogt, %squeeze3A_345, %select_n3A_340 : vector<64x1024xf32>
    %select_n3A_347 = arith.select %gt3A_346, %squeeze3A_345, %select_n3A_340 : vector<64x1024xi1>, vector<64x1024xf32>
    %jit3A_348 = arith.constant 3.900000e+01 : f32
    %broadcast_in_dim3A_349 = vector.broadcast %jit3A_348 : f32 to vector<64x1024xf32>
    %select_n3A_350 = arith.select %gt3A_346, %broadcast_in_dim3A_349, %select_n3A_343 : vector<64x1024xi1>, vector<64x1024xf32>
    %slice3A_351 = vector.extract_strided_slice %reshape3A_78 {offsets = [40, 0, 0], sizes = [1, 64, 1024], strides = [1, 1, 1]} : vector<64x64x1024xf32> to vector<1x64x1024xf32>
    %squeeze3A_352 = vector.shape_cast %slice3A_351 : vector<1x64x1024xf32> to vector<64x1024xf32>
    %gt3A_353 = arith.cmpf ogt, %squeeze3A_352, %select_n3A_347 : vector<64x1024xf32>
    %select_n3A_354 = arith.select %gt3A_353, %squeeze3A_352, %select_n3A_347 : vector<64x1024xi1>, vector<64x1024xf32>
    %jit3A_355 = arith.constant 4.000000e+01 : f32
    %broadcast_in_dim3A_356 = vector.broadcast %jit3A_355 : f32 to vector<64x1024xf32>
    %select_n3A_357 = arith.select %gt3A_353, %broadcast_in_dim3A_356, %select_n3A_350 : vector<64x1024xi1>, vector<64x1024xf32>
    %slice3A_358 = vector.extract_strided_slice %reshape3A_78 {offsets = [41, 0, 0], sizes = [1, 64, 1024], strides = [1, 1, 1]} : vector<64x64x1024xf32> to vector<1x64x1024xf32>
    %squeeze3A_359 = vector.shape_cast %slice3A_358 : vector<1x64x1024xf32> to vector<64x1024xf32>
    %gt3A_360 = arith.cmpf ogt, %squeeze3A_359, %select_n3A_354 : vector<64x1024xf32>
    %select_n3A_361 = arith.select %gt3A_360, %squeeze3A_359, %select_n3A_354 : vector<64x1024xi1>, vector<64x1024xf32>
    %jit3A_362 = arith.constant 4.100000e+01 : f32
    %broadcast_in_dim3A_363 = vector.broadcast %jit3A_362 : f32 to vector<64x1024xf32>
    %select_n3A_364 = arith.select %gt3A_360, %broadcast_in_dim3A_363, %select_n3A_357 : vector<64x1024xi1>, vector<64x1024xf32>
    %slice3A_365 = vector.extract_strided_slice %reshape3A_78 {offsets = [42, 0, 0], sizes = [1, 64, 1024], strides = [1, 1, 1]} : vector<64x64x1024xf32> to vector<1x64x1024xf32>
    %squeeze3A_366 = vector.shape_cast %slice3A_365 : vector<1x64x1024xf32> to vector<64x1024xf32>
    %gt3A_367 = arith.cmpf ogt, %squeeze3A_366, %select_n3A_361 : vector<64x1024xf32>
    %select_n3A_368 = arith.select %gt3A_367, %squeeze3A_366, %select_n3A_361 : vector<64x1024xi1>, vector<64x1024xf32>
    %jit3A_369 = arith.constant 4.200000e+01 : f32
    %broadcast_in_dim3A_370 = vector.broadcast %jit3A_369 : f32 to vector<64x1024xf32>
    %select_n3A_371 = arith.select %gt3A_367, %broadcast_in_dim3A_370, %select_n3A_364 : vector<64x1024xi1>, vector<64x1024xf32>
    %slice3A_372 = vector.extract_strided_slice %reshape3A_78 {offsets = [43, 0, 0], sizes = [1, 64, 1024], strides = [1, 1, 1]} : vector<64x64x1024xf32> to vector<1x64x1024xf32>
    %squeeze3A_373 = vector.shape_cast %slice3A_372 : vector<1x64x1024xf32> to vector<64x1024xf32>
    %gt3A_374 = arith.cmpf ogt, %squeeze3A_373, %select_n3A_368 : vector<64x1024xf32>
    %select_n3A_375 = arith.select %gt3A_374, %squeeze3A_373, %select_n3A_368 : vector<64x1024xi1>, vector<64x1024xf32>
    %jit3A_376 = arith.constant 4.300000e+01 : f32
    %broadcast_in_dim3A_377 = vector.broadcast %jit3A_376 : f32 to vector<64x1024xf32>
    %select_n3A_378 = arith.select %gt3A_374, %broadcast_in_dim3A_377, %select_n3A_371 : vector<64x1024xi1>, vector<64x1024xf32>
    %slice3A_379 = vector.extract_strided_slice %reshape3A_78 {offsets = [44, 0, 0], sizes = [1, 64, 1024], strides = [1, 1, 1]} : vector<64x64x1024xf32> to vector<1x64x1024xf32>
    %squeeze3A_380 = vector.shape_cast %slice3A_379 : vector<1x64x1024xf32> to vector<64x1024xf32>
    %gt3A_381 = arith.cmpf ogt, %squeeze3A_380, %select_n3A_375 : vector<64x1024xf32>
    %select_n3A_382 = arith.select %gt3A_381, %squeeze3A_380, %select_n3A_375 : vector<64x1024xi1>, vector<64x1024xf32>
    %jit3A_383 = arith.constant 4.400000e+01 : f32
    %broadcast_in_dim3A_384 = vector.broadcast %jit3A_383 : f32 to vector<64x1024xf32>
    %select_n3A_385 = arith.select %gt3A_381, %broadcast_in_dim3A_384, %select_n3A_378 : vector<64x1024xi1>, vector<64x1024xf32>
    %slice3A_386 = vector.extract_strided_slice %reshape3A_78 {offsets = [45, 0, 0], sizes = [1, 64, 1024], strides = [1, 1, 1]} : vector<64x64x1024xf32> to vector<1x64x1024xf32>
    %squeeze3A_387 = vector.shape_cast %slice3A_386 : vector<1x64x1024xf32> to vector<64x1024xf32>
    %gt3A_388 = arith.cmpf ogt, %squeeze3A_387, %select_n3A_382 : vector<64x1024xf32>
    %select_n3A_389 = arith.select %gt3A_388, %squeeze3A_387, %select_n3A_382 : vector<64x1024xi1>, vector<64x1024xf32>
    %jit3A_390 = arith.constant 4.500000e+01 : f32
    %broadcast_in_dim3A_391 = vector.broadcast %jit3A_390 : f32 to vector<64x1024xf32>
    %select_n3A_392 = arith.select %gt3A_388, %broadcast_in_dim3A_391, %select_n3A_385 : vector<64x1024xi1>, vector<64x1024xf32>
    %slice3A_393 = vector.extract_strided_slice %reshape3A_78 {offsets = [46, 0, 0], sizes = [1, 64, 1024], strides = [1, 1, 1]} : vector<64x64x1024xf32> to vector<1x64x1024xf32>
    %squeeze3A_394 = vector.shape_cast %slice3A_393 : vector<1x64x1024xf32> to vector<64x1024xf32>
    %gt3A_395 = arith.cmpf ogt, %squeeze3A_394, %select_n3A_389 : vector<64x1024xf32>
    %select_n3A_396 = arith.select %gt3A_395, %squeeze3A_394, %select_n3A_389 : vector<64x1024xi1>, vector<64x1024xf32>
    %jit3A_397 = arith.constant 4.600000e+01 : f32
    %broadcast_in_dim3A_398 = vector.broadcast %jit3A_397 : f32 to vector<64x1024xf32>
    %select_n3A_399 = arith.select %gt3A_395, %broadcast_in_dim3A_398, %select_n3A_392 : vector<64x1024xi1>, vector<64x1024xf32>
    %slice3A_400 = vector.extract_strided_slice %reshape3A_78 {offsets = [47, 0, 0], sizes = [1, 64, 1024], strides = [1, 1, 1]} : vector<64x64x1024xf32> to vector<1x64x1024xf32>
    %squeeze3A_401 = vector.shape_cast %slice3A_400 : vector<1x64x1024xf32> to vector<64x1024xf32>
    %gt3A_402 = arith.cmpf ogt, %squeeze3A_401, %select_n3A_396 : vector<64x1024xf32>
    %select_n3A_403 = arith.select %gt3A_402, %squeeze3A_401, %select_n3A_396 : vector<64x1024xi1>, vector<64x1024xf32>
    %jit3A_404 = arith.constant 4.700000e+01 : f32
    %broadcast_in_dim3A_405 = vector.broadcast %jit3A_404 : f32 to vector<64x1024xf32>
    %select_n3A_406 = arith.select %gt3A_402, %broadcast_in_dim3A_405, %select_n3A_399 : vector<64x1024xi1>, vector<64x1024xf32>
    %slice3A_407 = vector.extract_strided_slice %reshape3A_78 {offsets = [48, 0, 0], sizes = [1, 64, 1024], strides = [1, 1, 1]} : vector<64x64x1024xf32> to vector<1x64x1024xf32>
    %squeeze3A_408 = vector.shape_cast %slice3A_407 : vector<1x64x1024xf32> to vector<64x1024xf32>
    %gt3A_409 = arith.cmpf ogt, %squeeze3A_408, %select_n3A_403 : vector<64x1024xf32>
    %select_n3A_410 = arith.select %gt3A_409, %squeeze3A_408, %select_n3A_403 : vector<64x1024xi1>, vector<64x1024xf32>
    %jit3A_411 = arith.constant 4.800000e+01 : f32
    %broadcast_in_dim3A_412 = vector.broadcast %jit3A_411 : f32 to vector<64x1024xf32>
    %select_n3A_413 = arith.select %gt3A_409, %broadcast_in_dim3A_412, %select_n3A_406 : vector<64x1024xi1>, vector<64x1024xf32>
    %slice3A_414 = vector.extract_strided_slice %reshape3A_78 {offsets = [49, 0, 0], sizes = [1, 64, 1024], strides = [1, 1, 1]} : vector<64x64x1024xf32> to vector<1x64x1024xf32>
    %squeeze3A_415 = vector.shape_cast %slice3A_414 : vector<1x64x1024xf32> to vector<64x1024xf32>
    %gt3A_416 = arith.cmpf ogt, %squeeze3A_415, %select_n3A_410 : vector<64x1024xf32>
    %select_n3A_417 = arith.select %gt3A_416, %squeeze3A_415, %select_n3A_410 : vector<64x1024xi1>, vector<64x1024xf32>
    %jit3A_418 = arith.constant 4.900000e+01 : f32
    %broadcast_in_dim3A_419 = vector.broadcast %jit3A_418 : f32 to vector<64x1024xf32>
    %select_n3A_420 = arith.select %gt3A_416, %broadcast_in_dim3A_419, %select_n3A_413 : vector<64x1024xi1>, vector<64x1024xf32>
    %slice3A_421 = vector.extract_strided_slice %reshape3A_78 {offsets = [50, 0, 0], sizes = [1, 64, 1024], strides = [1, 1, 1]} : vector<64x64x1024xf32> to vector<1x64x1024xf32>
    %squeeze3A_422 = vector.shape_cast %slice3A_421 : vector<1x64x1024xf32> to vector<64x1024xf32>
    %gt3A_423 = arith.cmpf ogt, %squeeze3A_422, %select_n3A_417 : vector<64x1024xf32>
    %select_n3A_424 = arith.select %gt3A_423, %squeeze3A_422, %select_n3A_417 : vector<64x1024xi1>, vector<64x1024xf32>
    %jit3A_425 = arith.constant 5.000000e+01 : f32
    %broadcast_in_dim3A_426 = vector.broadcast %jit3A_425 : f32 to vector<64x1024xf32>
    %select_n3A_427 = arith.select %gt3A_423, %broadcast_in_dim3A_426, %select_n3A_420 : vector<64x1024xi1>, vector<64x1024xf32>
    %slice3A_428 = vector.extract_strided_slice %reshape3A_78 {offsets = [51, 0, 0], sizes = [1, 64, 1024], strides = [1, 1, 1]} : vector<64x64x1024xf32> to vector<1x64x1024xf32>
    %squeeze3A_429 = vector.shape_cast %slice3A_428 : vector<1x64x1024xf32> to vector<64x1024xf32>
    %gt3A_430 = arith.cmpf ogt, %squeeze3A_429, %select_n3A_424 : vector<64x1024xf32>
    %select_n3A_431 = arith.select %gt3A_430, %squeeze3A_429, %select_n3A_424 : vector<64x1024xi1>, vector<64x1024xf32>
    %jit3A_432 = arith.constant 5.100000e+01 : f32
    %broadcast_in_dim3A_433 = vector.broadcast %jit3A_432 : f32 to vector<64x1024xf32>
    %select_n3A_434 = arith.select %gt3A_430, %broadcast_in_dim3A_433, %select_n3A_427 : vector<64x1024xi1>, vector<64x1024xf32>
    %slice3A_435 = vector.extract_strided_slice %reshape3A_78 {offsets = [52, 0, 0], sizes = [1, 64, 1024], strides = [1, 1, 1]} : vector<64x64x1024xf32> to vector<1x64x1024xf32>
    %squeeze3A_436 = vector.shape_cast %slice3A_435 : vector<1x64x1024xf32> to vector<64x1024xf32>
    %gt3A_437 = arith.cmpf ogt, %squeeze3A_436, %select_n3A_431 : vector<64x1024xf32>
    %select_n3A_438 = arith.select %gt3A_437, %squeeze3A_436, %select_n3A_431 : vector<64x1024xi1>, vector<64x1024xf32>
    %jit3A_439 = arith.constant 5.200000e+01 : f32
    %broadcast_in_dim3A_440 = vector.broadcast %jit3A_439 : f32 to vector<64x1024xf32>
    %select_n3A_441 = arith.select %gt3A_437, %broadcast_in_dim3A_440, %select_n3A_434 : vector<64x1024xi1>, vector<64x1024xf32>
    %slice3A_442 = vector.extract_strided_slice %reshape3A_78 {offsets = [53, 0, 0], sizes = [1, 64, 1024], strides = [1, 1, 1]} : vector<64x64x1024xf32> to vector<1x64x1024xf32>
    %squeeze3A_443 = vector.shape_cast %slice3A_442 : vector<1x64x1024xf32> to vector<64x1024xf32>
    %gt3A_444 = arith.cmpf ogt, %squeeze3A_443, %select_n3A_438 : vector<64x1024xf32>
    %select_n3A_445 = arith.select %gt3A_444, %squeeze3A_443, %select_n3A_438 : vector<64x1024xi1>, vector<64x1024xf32>
    %jit3A_446 = arith.constant 5.300000e+01 : f32
    %broadcast_in_dim3A_447 = vector.broadcast %jit3A_446 : f32 to vector<64x1024xf32>
    %select_n3A_448 = arith.select %gt3A_444, %broadcast_in_dim3A_447, %select_n3A_441 : vector<64x1024xi1>, vector<64x1024xf32>
    %slice3A_449 = vector.extract_strided_slice %reshape3A_78 {offsets = [54, 0, 0], sizes = [1, 64, 1024], strides = [1, 1, 1]} : vector<64x64x1024xf32> to vector<1x64x1024xf32>
    %squeeze3A_450 = vector.shape_cast %slice3A_449 : vector<1x64x1024xf32> to vector<64x1024xf32>
    %gt3A_451 = arith.cmpf ogt, %squeeze3A_450, %select_n3A_445 : vector<64x1024xf32>
    %select_n3A_452 = arith.select %gt3A_451, %squeeze3A_450, %select_n3A_445 : vector<64x1024xi1>, vector<64x1024xf32>
    %jit3A_453 = arith.constant 5.400000e+01 : f32
    %broadcast_in_dim3A_454 = vector.broadcast %jit3A_453 : f32 to vector<64x1024xf32>
    %select_n3A_455 = arith.select %gt3A_451, %broadcast_in_dim3A_454, %select_n3A_448 : vector<64x1024xi1>, vector<64x1024xf32>
    %slice3A_456 = vector.extract_strided_slice %reshape3A_78 {offsets = [55, 0, 0], sizes = [1, 64, 1024], strides = [1, 1, 1]} : vector<64x64x1024xf32> to vector<1x64x1024xf32>
    %squeeze3A_457 = vector.shape_cast %slice3A_456 : vector<1x64x1024xf32> to vector<64x1024xf32>
    %gt3A_458 = arith.cmpf ogt, %squeeze3A_457, %select_n3A_452 : vector<64x1024xf32>
    %select_n3A_459 = arith.select %gt3A_458, %squeeze3A_457, %select_n3A_452 : vector<64x1024xi1>, vector<64x1024xf32>
    %jit3A_460 = arith.constant 5.500000e+01 : f32
    %broadcast_in_dim3A_461 = vector.broadcast %jit3A_460 : f32 to vector<64x1024xf32>
    %select_n3A_462 = arith.select %gt3A_458, %broadcast_in_dim3A_461, %select_n3A_455 : vector<64x1024xi1>, vector<64x1024xf32>
    %slice3A_463 = vector.extract_strided_slice %reshape3A_78 {offsets = [56, 0, 0], sizes = [1, 64, 1024], strides = [1, 1, 1]} : vector<64x64x1024xf32> to vector<1x64x1024xf32>
    %squeeze3A_464 = vector.shape_cast %slice3A_463 : vector<1x64x1024xf32> to vector<64x1024xf32>
    %gt3A_465 = arith.cmpf ogt, %squeeze3A_464, %select_n3A_459 : vector<64x1024xf32>
    %select_n3A_466 = arith.select %gt3A_465, %squeeze3A_464, %select_n3A_459 : vector<64x1024xi1>, vector<64x1024xf32>
    %jit3A_467 = arith.constant 5.600000e+01 : f32
    %broadcast_in_dim3A_468 = vector.broadcast %jit3A_467 : f32 to vector<64x1024xf32>
    %select_n3A_469 = arith.select %gt3A_465, %broadcast_in_dim3A_468, %select_n3A_462 : vector<64x1024xi1>, vector<64x1024xf32>
    %slice3A_470 = vector.extract_strided_slice %reshape3A_78 {offsets = [57, 0, 0], sizes = [1, 64, 1024], strides = [1, 1, 1]} : vector<64x64x1024xf32> to vector<1x64x1024xf32>
    %squeeze3A_471 = vector.shape_cast %slice3A_470 : vector<1x64x1024xf32> to vector<64x1024xf32>
    %gt3A_472 = arith.cmpf ogt, %squeeze3A_471, %select_n3A_466 : vector<64x1024xf32>
    %select_n3A_473 = arith.select %gt3A_472, %squeeze3A_471, %select_n3A_466 : vector<64x1024xi1>, vector<64x1024xf32>
    %jit3A_474 = arith.constant 5.700000e+01 : f32
    %broadcast_in_dim3A_475 = vector.broadcast %jit3A_474 : f32 to vector<64x1024xf32>
    %select_n3A_476 = arith.select %gt3A_472, %broadcast_in_dim3A_475, %select_n3A_469 : vector<64x1024xi1>, vector<64x1024xf32>
    %slice3A_477 = vector.extract_strided_slice %reshape3A_78 {offsets = [58, 0, 0], sizes = [1, 64, 1024], strides = [1, 1, 1]} : vector<64x64x1024xf32> to vector<1x64x1024xf32>
    %squeeze3A_478 = vector.shape_cast %slice3A_477 : vector<1x64x1024xf32> to vector<64x1024xf32>
    %gt3A_479 = arith.cmpf ogt, %squeeze3A_478, %select_n3A_473 : vector<64x1024xf32>
    %select_n3A_480 = arith.select %gt3A_479, %squeeze3A_478, %select_n3A_473 : vector<64x1024xi1>, vector<64x1024xf32>
    %jit3A_481 = arith.constant 5.800000e+01 : f32
    %broadcast_in_dim3A_482 = vector.broadcast %jit3A_481 : f32 to vector<64x1024xf32>
    %select_n3A_483 = arith.select %gt3A_479, %broadcast_in_dim3A_482, %select_n3A_476 : vector<64x1024xi1>, vector<64x1024xf32>
    %slice3A_484 = vector.extract_strided_slice %reshape3A_78 {offsets = [59, 0, 0], sizes = [1, 64, 1024], strides = [1, 1, 1]} : vector<64x64x1024xf32> to vector<1x64x1024xf32>
    %squeeze3A_485 = vector.shape_cast %slice3A_484 : vector<1x64x1024xf32> to vector<64x1024xf32>
    %gt3A_486 = arith.cmpf ogt, %squeeze3A_485, %select_n3A_480 : vector<64x1024xf32>
    %select_n3A_487 = arith.select %gt3A_486, %squeeze3A_485, %select_n3A_480 : vector<64x1024xi1>, vector<64x1024xf32>
    %jit3A_488 = arith.constant 5.900000e+01 : f32
    %broadcast_in_dim3A_489 = vector.broadcast %jit3A_488 : f32 to vector<64x1024xf32>
    %select_n3A_490 = arith.select %gt3A_486, %broadcast_in_dim3A_489, %select_n3A_483 : vector<64x1024xi1>, vector<64x1024xf32>
    %slice3A_491 = vector.extract_strided_slice %reshape3A_78 {offsets = [60, 0, 0], sizes = [1, 64, 1024], strides = [1, 1, 1]} : vector<64x64x1024xf32> to vector<1x64x1024xf32>
    %squeeze3A_492 = vector.shape_cast %slice3A_491 : vector<1x64x1024xf32> to vector<64x1024xf32>
    %gt3A_493 = arith.cmpf ogt, %squeeze3A_492, %select_n3A_487 : vector<64x1024xf32>
    %select_n3A_494 = arith.select %gt3A_493, %squeeze3A_492, %select_n3A_487 : vector<64x1024xi1>, vector<64x1024xf32>
    %jit3A_495 = arith.constant 6.000000e+01 : f32
    %broadcast_in_dim3A_496 = vector.broadcast %jit3A_495 : f32 to vector<64x1024xf32>
    %select_n3A_497 = arith.select %gt3A_493, %broadcast_in_dim3A_496, %select_n3A_490 : vector<64x1024xi1>, vector<64x1024xf32>
    %slice3A_498 = vector.extract_strided_slice %reshape3A_78 {offsets = [61, 0, 0], sizes = [1, 64, 1024], strides = [1, 1, 1]} : vector<64x64x1024xf32> to vector<1x64x1024xf32>
    %squeeze3A_499 = vector.shape_cast %slice3A_498 : vector<1x64x1024xf32> to vector<64x1024xf32>
    %gt3A_500 = arith.cmpf ogt, %squeeze3A_499, %select_n3A_494 : vector<64x1024xf32>
    %select_n3A_501 = arith.select %gt3A_500, %squeeze3A_499, %select_n3A_494 : vector<64x1024xi1>, vector<64x1024xf32>
    %jit3A_502 = arith.constant 6.100000e+01 : f32
    %broadcast_in_dim3A_503 = vector.broadcast %jit3A_502 : f32 to vector<64x1024xf32>
    %select_n3A_504 = arith.select %gt3A_500, %broadcast_in_dim3A_503, %select_n3A_497 : vector<64x1024xi1>, vector<64x1024xf32>
    %slice3A_505 = vector.extract_strided_slice %reshape3A_78 {offsets = [62, 0, 0], sizes = [1, 64, 1024], strides = [1, 1, 1]} : vector<64x64x1024xf32> to vector<1x64x1024xf32>
    %squeeze3A_506 = vector.shape_cast %slice3A_505 : vector<1x64x1024xf32> to vector<64x1024xf32>
    %gt3A_507 = arith.cmpf ogt, %squeeze3A_506, %select_n3A_501 : vector<64x1024xf32>
    %select_n3A_508 = arith.select %gt3A_507, %squeeze3A_506, %select_n3A_501 : vector<64x1024xi1>, vector<64x1024xf32>
    %jit3A_509 = arith.constant 6.200000e+01 : f32
    %broadcast_in_dim3A_510 = vector.broadcast %jit3A_509 : f32 to vector<64x1024xf32>
    %select_n3A_511 = arith.select %gt3A_507, %broadcast_in_dim3A_510, %select_n3A_504 : vector<64x1024xi1>, vector<64x1024xf32>
    %slice3A_512 = vector.extract_strided_slice %reshape3A_78 {offsets = [63, 0, 0], sizes = [1, 64, 1024], strides = [1, 1, 1]} : vector<64x64x1024xf32> to vector<1x64x1024xf32>
    %squeeze3A_513 = vector.shape_cast %slice3A_512 : vector<1x64x1024xf32> to vector<64x1024xf32>
    %gt3A_514 = arith.cmpf ogt, %squeeze3A_513, %select_n3A_508 : vector<64x1024xf32>
    %jit3A_515 = arith.constant 6.300000e+01 : f32
    %broadcast_in_dim3A_516 = vector.broadcast %jit3A_515 : f32 to vector<64x1024xf32>
    %select_n3A_517 = arith.select %gt3A_514, %broadcast_in_dim3A_516, %select_n3A_511 : vector<64x1024xi1>, vector<64x1024xf32>
    %transpose3A = tpu.transpose %select_n3A_517, [1, 0] : vector<64x1024xf32> -> vector<1024x64xf32>
    %convert_element_type3A = arith.fptosi %transpose3A : vector<1024x64xf32> to vector<1024x64xi32>
    %reshape3A_518 = vector.shape_cast %convert_element_type3A : vector<1024x64xi32> to vector<8x128x64xi32>
    %swap3A_519 = arith.constant 0 : index
    %swap3A_520 = arith.constant 0 : index
    %swap3A_521 = arith.constant 0 : index
    %swap3A_522 = vector.load %arg14[%swap3A_519, %swap3A_520, %swap3A_521] : memref<8x128x64xi32, #tpu.memory_space<vmem>>, vector<8x128x64xi32>
    tpu.vector_store %arg14[%swap3A_519, %swap3A_520, %swap3A_521], %reshape3A_518 {strides = array<i32>} : memref<8x128x64xi32, #tpu.memory_space<vmem>>, vector<8x128x64xi32>,
    return
  }
  func.func @transform_0(%arg0: i32) -> (i32, i32) {
    %c0_i32 = arith.constant 0 : i32
    %c0_i32_0 = arith.constant 0 : i32
    return %arg0, %c0_i32 : i32, i32
  }
  func.func @transform_1(%arg0: i32) -> (i32, i32) {
    %c0_i32 = arith.constant 0 : i32
    %c0_i32_0 = arith.constant 0 : i32
    %c0_i32_1 = arith.constant 0 : i32
    return %c0_i32, %c0_i32_0 : i32, i32
  }
  func.func @transform_2(%arg0: i32) -> (i32, i32) {
    %c0_i32 = arith.constant 0 : i32
    %c0_i32_0 = arith.constant 0 : i32
    %c0_i32_1 = arith.constant 0 : i32
    return %c0_i32, %c0_i32_0 : i32, i32
  }
  func.func @transform_3(%arg0: i32) -> (i32, i32) {
    %c0_i32 = arith.constant 0 : i32
    %c0_i32_0 = arith.constant 0 : i32
    %c0_i32_1 = arith.constant 0 : i32
    return %c0_i32, %c0_i32_0 : i32, i32
  }
  func.func @transform_4(%arg0: i32) -> (i32, i32) {
    %c0_i32 = arith.constant 0 : i32
    %c0_i32_0 = arith.constant 0 : i32
    %c0_i32_1 = arith.constant 0 : i32
    return %c0_i32, %c0_i32_0 : i32, i32
  }
  func.func @transform_5(%arg0: i32) -> (i32, i32) {
    %c0_i32 = arith.constant 0 : i32
    %c0_i32_0 = arith.constant 0 : i32
    %c0_i32_1 = arith.constant 0 : i32
    return %c0_i32, %c0_i32_0 : i32, i32
  }
  func.func @transform_6(%arg0: i32) -> (i32, i32) {
    %c0_i32 = arith.constant 0 : i32
    %c0_i32_0 = arith.constant 0 : i32
    %c0_i32_1 = arith.constant 0 : i32
    return %c0_i32, %c0_i32_0 : i32, i32
  }
  func.func @transform_7(%arg0: i32) -> (i32, i32) {
    %c0_i32 = arith.constant 0 : i32
    %c0_i32_0 = arith.constant 0 : i32
    %c0_i32_1 = arith.constant 0 : i32
    return %c0_i32, %c0_i32_0 : i32, i32
  }
  func.func @transform_8(%arg0: i32) -> (i32, i32) {
    %c0_i32 = arith.constant 0 : i32
    %c0_i32_0 = arith.constant 0 : i32
    %c0_i32_1 = arith.constant 0 : i32
    return %c0_i32, %c0_i32_0 : i32, i32
  }
  func.func @transform_9(%arg0: i32) -> (i32, i32, i32) {
    %c0_i32 = arith.constant 0 : i32
    %c0_i32_0 = arith.constant 0 : i32
    %c0_i32_1 = arith.constant 0 : i32
    return %arg0, %c0_i32, %c0_i32_0 : i32, i32, i32
  }
  func.func @transform_10(%arg0: i32) -> (i32, i32, i32) {
    %c0_i32 = arith.constant 0 : i32
    %c0_i32_0 = arith.constant 0 : i32
    %c0_i32_1 = arith.constant 0 : i32
    return %arg0, %c0_i32, %c0_i32_0 : i32, i32, i32
  }
  func.func @transform_11(%arg0: i32) -> (i32, i32, i32) {
    %c0_i32 = arith.constant 0 : i32
    %c0_i32_0 = arith.constant 0 : i32
    %c0_i32_1 = arith.constant 0 : i32
    return %arg0, %c0_i32, %c0_i32_0 : i32, i32, i32
  }
  func.func @transform_12(%arg0: i32) -> (i32, i32, i32) {
    %c0_i32 = arith.constant 0 : i32
    %c0_i32_0 = arith.constant 0 : i32
    %c0_i32_1 = arith.constant 0 : i32
    return %arg0, %c0_i32, %c0_i32_0 : i32, i32, i32
  }
  func.func @transform_13(%arg0: i32) -> (i32, i32, i32) {
    %c0_i32 = arith.constant 0 : i32
    %c0_i32_0 = arith.constant 0 : i32
    %c0_i32_1 = arith.constant 0 : i32
    return %arg0, %c0_i32, %c0_i32_0 : i32, i32, i32
  }
}

</mosaic_0001>

<sc_bundles>
// kernel: kernel.6.cloned.1.call-start
scs
__scs_entry_jumppad:
0x0: {  	(pc) =	sbr.rel $0x88, $3  }
0x1: {  	(tag) =	ssettag $0x0;
	lr =	simm.s32 $0x1  }
0x2: {  	[smem:$0x3F95] =	sst lr;
	_ =	strace $0xD0000000  }
0x3: {  	_ = 	snop  }
0x4: {  	_ = 	snop  }
0x5: {  	_ = 	snop  }
0x6: {  	_ = 	snop  }
0x7: {  	_ = 	snop  }
__scs_overlays_trampoline_lowered:
0x8: {  	[smem:$0x3FA4] =	sst s0  }
0x9: {  	[smem:$0x3FA5] =	sst s1  }
0xa: {  	[smem:$0x3FA6] =	sst s2  }
0xb: {  	[smem:$0x3FA7] =	sst s3  }
0xc: {  	[smem:$0x3FA8] =	sst s4  }
0xd: {  	[smem:$0x3FA9] =	sst s5  }
0xe: {  	[smem:$0x3FAA] =	sst s6  }
0xf: {  	[smem:$0x3FAB] =	sst s7  }
0x10: {  	[smem:$0x3FAC] =	sst s8  }
0x11: {  	[smem:$0x3FAD] =	sst s9;
	s0 =	simm.s32 @!p0 $0x0  }
0x12: {  	s1 =	sld [smem:$0x3F93];
	s0 =	simm.s32 @p0 $0x1  }
0x13: {  	[smem:$0x3FAE] =	sst s0;
	s0 =	simm.s32 @!p1 $0x0  }
0x14: {  	s2 =	sld [smem:$0x3F92];
	s0 =	simm.s32 @p1 $0x1  }
0x15: {  	[smem:$0x3FAF] =	sst s0;
	s0 =	simm.s32 @!p2 $0x0  }
0x16: {  	s3 =	sld [smem:$0x3FDB];
	s0 =	simm.s32 @p2 $0x1  }
0x17: {  	s4 =	simm.s32 $0x1BF5;
	[smem:$0x3FB1] =	sst s0  }
0x18: {  	s0 =	sld [smem:$0x3F94];
	_ =	swait.ge [sflag:s4], $0x0  }
0x19: {  	s7 =	sld [smem:$0x3F95]  }
0x1a: {  	s8 =	sadd.s32 $0xFFFFE003, lr  }
0x1b: {  	s9 =	sadd.s32 $0xFFFFFEF7, lr;
	s5 =	simm.s32 $0xFFFFFFFF;
	p2 =	slt.u32 s8, $0xFFFFF086  }
0x1c: {  	p1 =	slt.u32 s9, $0xF7A;
	s5 =	simm.s32 @!p2 $0x0  }
0x1d: {  	s5 =	simm.s32 @p1 $0x1;
	p0 =	seq.s32 s7, s2  }
0x1e: {  	s7 =	smul.u32 @!p0 $0xF7A, s2;
	p2 =	seq.s32 @!p0 s5, $0x0  }
0x1f: {  	s9 =	smul.u32 $0xF7A, s1;
	s8 =	simm.s32 @!p0 $0x1BF5;
	p2 =	por !p2, p0  }
0x20: {  	[sflag:s8] =	ssyncset.s32 @!p0 $0xFFFFF086;
	s6 =	sadd.s32 @!p0 s3, s7;
	s7 =	simm.s32 @!p0 $0x108  }
0x21: {  	s3 =	sadd.s32 s3, s9;
	s6 =	sadd.s32 @!p0 $0x88, s6;
	s7 =	simm.s32 @p2 $0x1082  }
0x22: {  	[simem:s7], [sflag:s8] =	dma.local @!p0 [hbm:s6], $0xF7A  }
0x23: {  	s9 =	sor.u32 $0xD0000000, s2;
	s6 =	simm.s32 $0x108;
	_ =	swait.ge @!p0 [sflag:s8], $0x0  }
0x24: {  	s3 =	sadd.s32 $0x88, s3;
	s6 =	simm.s32 @!p1 $0x1082;
	[sflag:s4] =	ssyncset.s32 $0xFFFFF086  }
0x25: {  	[simem:s6], [sflag:s4] =	dma.local [hbm:s3], $0xF7A  }
0x26: {  	[smem:$0x3F95] =	sst s1;
	(tag) =	ssettag s2;
	_ =	strace s9  }
0x27: {  	s1 =	sld [smem:$0x3FA5]  }
0x28: {  	s2 =	sld [smem:$0x3FA6]  }
0x29: {  	s4 =	sld [smem:$0x3FA8]  }
0x2a: {  	p0 =	seq.s32 s5, $0x0;
	s5 =	sld [smem:$0x3FA9]  }
0x2b: {  	s6 =	sld [smem:$0x3FAA]  }
0x2c: {  	s7 =	sld [smem:$0x3FAB]  }
0x2d: {  	s3 =	simm.s32 $0x108;
	s8 =	sld [smem:$0x3FAC]  }
0x2e: {  	s3 =	simm.s32 @!p0 $0x1082;
	s9 =	sld [smem:$0x3FAD]  }
0x2f: {  	lr =	sadd.s32 s0, s3;
	s0 =	sld [smem:$0x3FA4]  }
0x30: {  	s3 =	sld [smem:$0x3FA7]  }
0x31: {  	[smem:$0x3FB0] =	sst s10  }
0x32: {  	s10 =	sld [smem:$0x3FAE];
	_ =	sdelay $0x3  }
0x33: {  	p0 =	seq.s32 s10, $0x1;
	s10 =	sld [smem:$0x3FB0];
	_ =	sdelay $0x3  }
0x34: {  	[smem:$0x3FB0] =	sst s10  }
0x35: {  	s10 =	sld [smem:$0x3FAF];
	_ =	sdelay $0x3  }
0x36: {  	p1 =	seq.s32 s10, $0x1;
	s10 =	sld [smem:$0x3FB0];
	_ =	sdelay $0x3  }
0x37: {  	[smem:$0x3FB0] =	sst s10  }
0x38: {  	s10 =	sld [smem:$0x3FB1]  }
0x39: {  	_ = 	snop;
	(pc) =	sbr.ind lr, $3  }
0x3a: {  	_ = 	snop  }
0x3b: {  	_ = 	snop  }
0x3c: {  	p2 =	seq.s32 s10, $0x1;
	s10 =	sld [smem:$0x3FB0]  }
0x3d: {  	_ =	shalt  }
0x3e: {  	_ =	shalt  }
0x3f: {  	_ =	shalt  }
0x40: {  	_ =	shalt  }
0x41: {  	_ =	shalt  }
0x42: {  	_ =	shalt  }
0x43: {  	_ =	shalt  }
0x44: {  	_ =	shalt  }
0x45: {  	_ =	shalt  }
0x46: {  	_ =	shalt  }
0x47: {  	_ =	shalt  }
0x48: {  	_ =	shalt  }
0x49: {  	_ =	shalt  }
0x4a: {  	_ =	shalt  }
0x4b: {  	_ =	shalt  }
0x4c: {  	_ =	shalt  }
0x4d: {  	_ =	shalt  }
0x4e: {  	_ =	shalt  }
0x4f: {  	_ =	shalt  }
0x50: {  	_ =	shalt  }
0x51: {  	_ =	shalt  }
0x52: {  	_ =	shalt  }
0x53: {  	_ =	shalt  }
0x54: {  	_ =	shalt  }
0x55: {  	_ =	shalt  }
0x56: {  	_ =	shalt  }
0x57: {  	_ =	shalt  }
0x58: {  	_ =	shalt  }
0x59: {  	_ =	shalt  }
0x5a: {  	_ =	shalt  }
0x5b: {  	_ =	shalt  }
0x5c: {  	_ =	shalt  }
0x5d: {  	_ =	shalt  }
0x5e: {  	_ =	shalt  }
0x5f: {  	_ =	shalt  }
0x60: {  	_ =	shalt  }
0x61: {  	_ =	shalt  }
0x62: {  	_ =	shalt  }
0x63: {  	_ =	shalt  }
0x64: {  	_ =	shalt  }
0x65: {  	_ =	shalt  }
0x66: {  	_ =	shalt  }
0x67: {  	_ =	shalt  }
0x68: {  	_ =	shalt  }
0x69: {  	_ =	shalt  }
0x6a: {  	_ =	shalt  }
0x6b: {  	_ =	shalt  }
0x6c: {  	_ =	shalt  }
0x6d: {  	_ =	shalt  }
0x6e: {  	_ =	shalt  }
0x6f: {  	_ =	shalt  }
0x70: {  	_ =	shalt  }
0x71: {  	_ =	shalt  }
0x72: {  	_ =	shalt  }
0x73: {  	_ =	shalt  }
0x74: {  	_ =	shalt  }
0x75: {  	_ =	shalt  }
0x76: {  	_ =	shalt  }
0x77: {  	_ =	shalt  }
0x78: {  	_ =	shalt  }
0x79: {  	_ =	shalt  }
0x7a: {  	_ =	shalt  }
0x7b: {  	_ =	shalt  }
0x7c: {  	_ =	shalt  }
0x7d: {  	_ =	shalt  }
0x7e: {  	_ =	shalt  }
0x7f: {  	_ =	shalt  }
0x80: {  	_ =	shalt  }
0x81: {  	_ =	shalt  }
0x82: {  	_ =	shalt  }
0x83: {  	_ =	shalt  }
0x84: {  	_ =	shalt  }
0x85: {  	_ =	shalt  }
0x86: {  	_ =	shalt  }
0x87: {  	_ =	shalt  }
.Lfunc_end0:
.L_simem_size_0:
called_computation_lowered:
.L_overlay_start_0:
0x88: {  	s2 =	sld [smem:$0x3FD9]  }
0x89: {  	s3 =	sld [smem:$0x3FFE];
	_ =	sdelay $0x1  }
0x8a: {  	s1 =	srdreg.scid  }
0x8b: {  	s0 =	sand.u32 $0x1, s1  }
0x8c: {  	s17 =	sshll.u32 s0, $0xA;
	s2 =	sadd.s32 s3, s2  }
0x8d: {  	s2 =	sadd.s32 s2, s17  }
0x8e: {  	[smem:$0x3FBC] =	sst s2  }
0x8f: {  	_ = 	snop  }
0x90: {  	s2 =	sld [smem:$0x3FD0];
	(tm) =	ssettm $0x1  }
0x91: {  	s18 =	sld [smem:$0x3FFB];
	_ =	sdelay $0x3  }
0x92: {  	_ =	strace s18  }
0x93: {  	s3 =	sld [smem:$0x3FFC];
	_ =	sdelay $0x3  }
0x94: {  	_ =	strace s3  }
0x95: {  	s3 =	sld [smem:$0x3FFD];
	_ =	sdelay $0x3  }
0x96: {  	_ =	strace s3  }
0x97: {  	_ =	strace $0x8FFFFFFF  }
0x98: {  	s19 =	sld [smem:$0x3FDB];
	_ =	sdelay $0x1  }
0x99: {  	s4 =	simm.s32 $_scs_section_size  }
0x9a: {  	s5 =	simm.s32 $_size__tile_overlayer_lowered;
	s6 =	simm.s32 $_tile_overlayer_lowered  }
0x9b: {  	s22 =	simm.s32 $0x1BFF;
	s21 =	sshll.u32 s6, $0x1;
	s3 =	sadd.s32 s4, s19  }
0x9c: {  	s7 =	simm.s32 $0x0;
	s20 =	sshll.u32 s5, $0x1;
	s5 =	sadd.s32 s21, s3  }
0x9d: {  	[timem:s7], [sflag:s22] =	dma.local [hbm:s5], s20  }
0x9e: {  	_ =	swait.ge [sflag:s22], s20  }
0x9f: {  	s4 =	ssub.s32 $0x0, s20;
	[sflag:s22] =	ssyncset.done $0x0  }
0xa0: {  	[sflag:s22] =	ssyncadd.s32 s4;
	_ =	sdelay $0x1  }
0xa1: {  	s23 =	simm.s32 $0x1B8B  }
0xa2: {  	_ =	swait.ge [sflag:s23], $0x1  }
0xa3: {  	[sflag:s23] =	ssyncset.done $0x0  }
0xa4: {  	s25 =	simm.s32 $0x1B8E;
	s24 =	sld [smem:$0x3FFE];
	[sflag:s23] =	ssyncadd.s32 $0xFFFFFFFF  }
0xa5: {  	s26 =	simm.s32 $execute0_lowered;
	[smem:$0x3FD2] =	sst s25  }
0xa6: {  	s5 =	sshll.u32 s26, $0x1;
	_ =	strace $0x80000046;
	[dreg:$0x1] =	wrdreg $0xFFFFFFFF  }
0xa7: {  	s28 =	simm.s32 $_size_execute0_lowered;
	s3 =	sadd.s32 s3, s5;
	[dreg:$0x0] =	wrdreg $0x0  }
0xa8: {  	s5 =	sshll.u32 s28, $0x1;
	[dreg:$0x2] =	wrdreg s3  }
0xa9: {  	[dreg:$0x3] =	wrdreg s5  }
0xaa: {  	[dreg:$0x4] =	wrdreg $0xC0  }
0xab: {  	_ =	task [dreg:s7], $0x5FFFF  }
0xac: {  	[dreg:$0x1] =	wrdreg $0xFFFFFFFF  }
0xad: {  	[dreg:$0x0] =	wrdreg $0x60  }
0xae: {  	[dreg:$0x2] =	wrdreg s2  }
0xaf: {  	[dreg:$0x3] =	wrdreg s24  }
0xb0: {  	[dreg:$0x4] =	wrdreg $0x9  }
0xb1: {  	_ =	task.clear_ibuf [dreg:s7], $0x5FFFF;
	_ =	strace $0x90000046  }
0xb2: {  	s29 =	simm.s32 $0x9;
	_ =	strace $0x80000048  }
0xb3: {  	_ =	swait.ge [sflag:s29], $0x1  }
0xb4: {  	[sflag:s29] =	ssyncadd.s32 $0xFFFFFFFF  }
0xb5: {  	_ =	strace $0x90000048  }
0xb6: {  	_ =	sfence  }
0xb7: {  	s30 =	sld [smem:$0x0];
	_ =	sdelay $0x2  }
0xb8: {  	s31 =	sshll.u32 s1, $0xD;
	s1 =	sshrl.u32 s1, $0x2  }
0xb9: {  	s3 =	sand.u32 $0x4000, s31;
	s1 =	sadd.s32 s1, s30  }
0xba: {  	s0 =	sor.u32 s3, s0;
	s1 =	sshll.u32 s1, $0x11  }
0xbb: {  	s0 =	sor.u32 s1, s0  }
0xbc: {  	s0 =	sadd.s32 $0x8F2B, s0  }
0xbd: {  	[sflag:s0] =	ssyncadd.remote.s32 $0x1  }
0xbe: {  	_ =	sfence.sel $0xFFFF  }
0xbf: {  	[dreg:$0x0] =	wrdreg $0xFFFFFFFF;
	(pc) =	sbr.abs _section_cstart, $3  }
0xc0: {  	[dreg:$0x1] =	wrdreg $0xFFFFFFFF  }
0xc1: {  	_ =	task.clear_ibuf [dreg:s7], $0x2FFFF;
	_ =	strace $0x9FFFFFFF  }
0xc2: {  	(tm) =	ssettm $0x7FFFFFFF  }
0xc3: {  	_ =	shalt  }
tec
execute0_lowered:
.L_overlay_start_1:
0x0: {  	(tag) =	ssettag $0x1  }
0x1: {  	s0 =	rddreg [dreg:$0x0]  }
0x2: {  	s1 =	rddreg [dreg:$0x1]  }
0x3: {  	s2 =	simm.s32 $0x0;
	s3 =	srdreg.scid;
	s4 =	stileid.u32  }
0x4: {  	s19 =	simm.s32 $0x4000;
	s20 =	simm.s32 $0x8000;
	s21 =	simm.s32 $0xC000  }
0x5: {  	s22 =	simm.s32 $0x10000;
	s23 =	simm.s32 $0x1;
	s24 =	simm.s32 $0x14000  }
0x6: {  	[smem:$0x7FF] =	sst s2;
	s3 =	sand.u32 $0x1, s3;
	s4 =	sshll.u32 s4, $0x1  }
0x7: {  	_ =	strace $0x80000047;
	s4 =	sor.u32 s3, s4;
	s3 =	ssub.s32 $0x2, s3  }
0x8: {  	s5 =	sshll.u32 s4, $0xB;
	s4 =	sshll.u32 s4, $0x4;
	s25 =	sshrl.u32 s3, $0x1  }
0x9: {  	s6 =	sadd.s32 s5, s1;
	s1 =	sadd.s32 s4, s1;
	s0 =	sadd.s32 s0, s5  }
0xa: {  	s3 =	ssub.s32 s3, s25;
	s25 =	simm.s32 $0x14080;
	[dreg:$0x3] =	wrdreg s0  }
0xb: {  	s26 =	sadd.s32 $0x4400, s6;
	s28 =	sadd.s32 $0x14400, s6;
	s29 =	sadd.s32 $0x24400, s6  }
0xc: {  	s30 =	sadd.s32 $0x34400, s6;
	s31 =	sadd.s32 $0x44400, s6;
	s9 =	sadd.s32 $0x54400, s6  }
0xd: {  	s10 =	sadd.s32 $0x64400, s6;
	s11 =	sadd.s32 $0x74400, s6;
	[dreg:$0x4] =	wrdreg s26  }
0xe: {  	s12 =	sadd.s32 $0x84400, s6;
	s13 =	sadd.s32 $0x94400, s1;
	[dreg:$0x5] =	wrdreg s28  }
0xf: {  	s14 =	sadd.s32 $0x94600, s1;
	s15 =	sadd.s32 $0x94800, s1;
	[dreg:$0x6] =	wrdreg s29  }
0x10: {  	s16 =	sadd.s32 $0x94A00, s1;
	s17 =	sadd.s32 $0x94C00, s1;
	[dreg:$0x7] =	wrdreg s30  }
0x11: {  	s18 =	smax.u32 s3, $0x1;
	s0 =	simm.s32 $0x0;
	[dreg:$0x8] =	wrdreg s31  }
.LBB2_1:
0x12: {  	s1 =	rddreg [dreg:$0x3]  }
0x13: {  	[tilespmem:s2], [sflag:$0x1] =	stream.linear.gather [hbm4b:s1+s2], $0x4000, $0x38;
	[tilespmem:$0x14100] =	vst v63  }
0x14: {  	s6 =	rddreg [dreg:$0x4]  }
0x15: {  	[tilespmem:s19], [sflag:$0x1] =	stream.linear.gather [hbm4b:s6+s2], $0x4000, $0x38;
	[tilespmem:$0x14100] =	vst v63  }
0x16: {  	s7 =	rddreg [dreg:$0x5]  }
0x17: {  	[tilespmem:s20], [sflag:$0x1] =	stream.linear.gather [hbm4b:s7+s2], $0x4000, $0x38;
	[tilespmem:$0x14100] =	vst v63  }
0x18: {  	s8 =	rddreg [dreg:$0x6]  }
0x19: {  	[tilespmem:s21], [sflag:$0x1] =	stream.linear.gather [hbm4b:s8+s2], $0x4000, $0x38;
	[tilespmem:$0x14100] =	vst v63  }
0x1a: {  	s26 =	rddreg [dreg:$0x7]  }
0x1b: {  	[tilespmem:s22], [sflag:$0x1] =	stream.linear.gather [hbm4b:s26+s2], $0x4000, $0x38;
	[tilespmem:$0x14100] =	vst v63  }
0x1c: {  	_ =	swait.ge [sflag:s23], $0x4000  }
0x1d: {  	[sflag:s23] =	ssyncset.done $0x0  }
0x1e: {  	[sflag:s23] =	ssyncadd.s32 $0xFFFFC000  }
0x1f: {  	_ =	swait.ge [sflag:s23], $0x4000  }
0x20: {  	[sflag:s23] =	ssyncset.done $0x0  }
0x21: {  	[sflag:s23] =	ssyncadd.s32 $0xFFFFC000  }
0x22: {  	_ =	swait.ge [sflag:s23], $0x4000  }
0x23: {  	[sflag:s23] =	ssyncset.done $0x0  }
0x24: {  	[sflag:s23] =	ssyncadd.s32 $0xFFFFC000  }
0x25: {  	_ =	swait.ge [sflag:s23], $0x4000  }
0x26: {  	[sflag:s23] =	ssyncset.done $0x0  }
0x27: {  	[sflag:s23] =	ssyncadd.s32 $0xFFFFC000  }
0x28: {  	_ =	swait.ge [sflag:s23], $0x4000  }
0x29: {  	[sflag:s23] =	ssyncset.done $0x0  }
0x2a: {  	s28 =	simm.s32 $0xC020;
	[sflag:s23] =	ssyncadd.s32 $0xFFFFC000  }
0x2b: {  	v0 =	vld [tilespmem:s28+$0xFFFFFFE0];
	_ =	sdelay $0x4  }
0x2c: {  	s29 =	simm.s32 $0x10020;
	[tilespmem:$0x14000] =	vst v0  }
0x2d: {  	v0 =	vld [tilespmem:s29+$0xFFFFFFE0];
	_ =	sdelay $0x4  }
0x2e: {  	[tilespmem:$0x14080] =	vst v0  }
0x2f: {  	v0 =	vld [tilespmem:s28+$0xFFFFFFF0];
	_ =	sdelay $0x4  }
0x30: {  	[tilespmem:$0x14010] =	vst v0  }
0x31: {  	v0 =	vld [tilespmem:s29+$0xFFFFFFF0];
	_ =	sdelay $0x4  }
0x32: {  	[tilespmem:$0x14090] =	vst v0  }
0x33: {  	v0 =	vld [tilespmem:s28+$0x0];
	_ =	sdelay $0x4  }
0x34: {  	[tilespmem:$0x14020] =	vst v0  }
0x35: {  	v0 =	vld [tilespmem:s29+$0x0];
	_ =	sdelay $0x4  }
0x36: {  	[tilespmem:$0x140A0] =	vst v0  }
0x37: {  	v0 =	vld [tilespmem:s28+$0x10];
	_ =	sdelay $0x4  }
0x38: {  	[tilespmem:$0x14030] =	vst v0  }
0x39: {  	v0 =	vld [tilespmem:s29+$0x10];
	_ =	sdelay $0x4  }
0x3a: {  	s30 =	simm.s32 $0x4020;
	[tilespmem:$0x140B0] =	vst v0  }
0x3b: {  	s1 =	simm.s32 $0x8020;
	v1 =	vld [tilespmem:s30+$0xFFFFFFE0]  }
0x3c: {  	s26 =	simm.s32 $0x20;
	v2 =	vld [tilespmem:s1+$0xFFFFFFE0]  }
0x3d: {  	v3 =	vld [tilespmem:s26+$0xFFFFFFE0];
	_ =	sdelay $0x2  }
0x3e: {  	v0 =	vimm.f32 $0.0e+00  }
0x3f: {  	v1 =	vmul.f32 v1, v0;
	v2 =	vmul.f32 v2, v0;
	_ =	sdelay $0x1  }
0x40: {  	v4 =	vsub.f32 v1, v2  }
0x41: {  	v1 =	vadd.f32 v2, v1  }
0x42: {  	[tilespmem:v3+s24+$0x0] =	vst.idx.add.f32.msk $0xffff, v4  }
0x43: {  	[tilespmem:v3+s25+$0x0] =	vst.idx.add.f32.msk $0xffff, v1  }
0x44: {  	v1 =	vld [tilespmem:s30+$0xFFFFFFF0]  }
0x45: {  	v2 =	vld [tilespmem:s1+$0xFFFFFFF0]  }
0x46: {  	v3 =	vld [tilespmem:s26+$0xFFFFFFF0];
	_ =	sdelay $0x3  }
0x47: {  	v1 =	vmul.f32 v1, v0;
	v2 =	vmul.f32 v2, v0;
	_ =	sdelay $0x1  }
0x48: {  	v4 =	vsub.f32 v1, v2  }
0x49: {  	v1 =	vadd.f32 v2, v1  }
0x4a: {  	[tilespmem:v3+s24+$0x0] =	vst.idx.add.f32.msk $0xffff, v4  }
0x4b: {  	[tilespmem:v3+s25+$0x0] =	vst.idx.add.f32.msk $0xffff, v1  }
0x4c: {  	v1 =	vld [tilespmem:s30+$0x0]  }
0x4d: {  	v2 =	vld [tilespmem:s1+$0x0]  }
0x4e: {  	v3 =	vld [tilespmem:s26+$0x0];
	_ =	sdelay $0x3  }
0x4f: {  	v1 =	vmul.f32 v1, v0;
	v2 =	vmul.f32 v2, v0;
	_ =	sdelay $0x1  }
0x50: {  	v4 =	vsub.f32 v1, v2  }
0x51: {  	v1 =	vadd.f32 v2, v1  }
0x52: {  	[tilespmem:v3+s24+$0x0] =	vst.idx.add.f32.msk $0xffff, v4  }
0x53: {  	[tilespmem:v3+s25+$0x0] =	vst.idx.add.f32.msk $0xffff, v1  }
0x54: {  	v2 =	vld [tilespmem:s30+$0x10]  }
0x55: {  	v4 =	vld [tilespmem:s1+$0x10]  }
0x56: {  	v3 =	vlaneseq.u32;
	v1 =	vimm.f32 $1.000000000e+00;
	v5 =	vld [tilespmem:s26+$0x10]  }
0x57: {  	v8 =	vor.u32 $0x10, v3;
	v6 =	vor.u32 $0x20, v3;
	v7 =	vor.u32 $0x30, v3  }
0x58: {  	s3 =	simm.s32 $0x0;
	v10 =	vand.u32 $0xFFFFFF80, v3;
	v3 =	vand.u32 $0x7F, v3;
	v9 =	vand.u32 $0xFFFFFF80, v7  }
0x59: {  	v11 =	vand.u32 $0xFFFFFF80, v6;
	v14 =	vadd.s32 s3, v10;
	v10 =	vand.u32 $0xFFFFFF80, v8  }
0x5a: {  	v12 =	vand.u32 $0x7F, v6;
	v2 =	vmul.f32 v2, v0;
	v4 =	vmul.f32 v4, v0  }
0x5b: {  	v6 =	vand.u32 $0x7F, v7;
	v7 =	vimm.f32 $0.0e+00;
	v9 =	vadd.s32 s3, v9  }
0x5c: {  	v11 =	vadd.s32 s3, v11;
	v13 =	vor.u32 v6, v9;
	v15 =	vsub.f32 v2, v4  }
0x5d: {  	v10 =	vadd.s32 s3, v10;
	v14 =	vor.u32 v3, v14;
	v2 =	vadd.f32 v4, v2  }
0x5e: {  	s5 =	simm.s32 $0x1;
	s31 =	simm.s32 $0x4020;
	s4 =	simm.s32 $0x10020;
	v3 =	vimm.f32 $1.000000000e+00;
	v6 =	vimm.f32 $1.000000000e+00;
	v9 =	vimm.f32 $0.0e+00;
	[tilespmem:v5+s24+$0x0] =	vst.idx.add.f32.msk $0xffff, v15  }
0x5f: {  	s6 =	simm.s32 $0x80A0;
	s7 =	simm.s32 $0xA0;
	s3 =	simm.s32 $0xC020;
	v4 =	vimm.f32 $0.0e+00;
	[tilespmem:v5+s25+$0x0] =	vst.idx.add.f32.msk $0xffff, v2;
	v5 =	vimm.f32 $1.000000000e+00;
	v2 =	vimm.f32 $1.000000000e+00  }
.LBB2_2:
0x60: {  	v17 =	vld [tilespmem:$0x14080];
	s28 =	sadd.s32 $0x80, s28;
	s29 =	sadd.s32 $0x80, s29;
	s30 =	sadd.s32 $0x80, s30  }
0x61: {  	p0 =	sne.s32 s5, $0x7F;
	v11 =	vor.u32 v12, v11;
	s8 =	smov.u32 s5;
	s5 =	sadd.s32 $0x1, s5;
	v19 =	vld.idx.msk [tilespmem:v13+s20+$0x0], $0xffff  }
0x62: {  	v12 =	vld.idx.msk [tilespmem:v13+s19+$0x0], $0xffff  }
0x63: {  	v13 =	vld.idx.msk [tilespmem:v13+s2+$0x0], $0xffff  }
0x64: {  	v16 =	vld.idx.msk [tilespmem:v14+s20+$0x0], $0xffff  }
0x65: {  	v8 =	vand.u32 $0x7F, v8;
	v20 =	vld.idx.msk [tilespmem:v14+s19+$0x0], $0xffff  }
0x66: {  	v8 =	vor.u32 v8, v10;
	v21 =	vld.idx.msk [tilespmem:v11+s20+$0x0], $0xffff  }
0x67: {  	v10 =	vld.idx.msk [tilespmem:v11+s19+$0x0], $0xffff  }
0x68: {  	s8 =	sshll.u32 s8, $0x7;
	v25 =	vmul.f32 v12, v1;
	v26 =	vmul.f32 v12, v0;
	v15 =	vand.u32 $0xFFFFFF80, v13;
	v14 =	vld.idx.msk [tilespmem:v14+s2+$0x0], $0xffff  }
0x69: {  	v15 =	vadd.s32 s8, v15;
	v27 =	vld.idx.msk [tilespmem:v11+s2+$0x0], $0xffff  }
0x6a: {  	v11 =	vmul.f32 v16, v7;
	v18 =	vld [tilespmem:$0x14000]  }
0x6b: {  	v12 =	vmul.f32 v20, v6;
	v7 =	vmul.f32 v20, v7;
	v20 =	vld.idx.msk [tilespmem:v8+s20+$0x0], $0xffff  }
0x6c: {  	v16 =	vmul.f32 v16, v6;
	v23 =	vmul.f32 v21, v9;
	v22 =	vld.idx.msk [tilespmem:v8+s19+$0x0], $0xffff  }
0x6d: {  	v6 =	vsub.f32 v12, v11;
	v3 =	vmul.f32 v10, v3;
	v9 =	vmul.f32 v10, v9;
	v8 =	vld.idx.msk [tilespmem:v8+s2+$0x0], $0xffff  }
0x6e: {  	v7 =	vadd.f32 v16, v7;
	v10 =	vand.u32 $0xFFFFFF80, v14;
	v11 =	vand.u32 $0xFFFFFF80, v27;
	[tilespmem:s26+$0xFFFFFFE0] =	vst v14  }
0x6f: {  	v16 =	vadd.s32 s8, v10;
	v3 =	vsub.f32 v3, v23;
	v11 =	vadd.s32 s8, v11;
	[tilespmem:s31+$0xFFFFFFE0] =	vst v6  }
0x70: {  	v12 =	vand.u32 $0x7F, v27;
	[tilespmem:s1+$0xFFFFFFE0] =	vst v7  }
0x71: {  	v28 =	vmul.f32 v20, v5;
	[tilespmem:s3+$0xFFFFFFE0] =	vst v18  }
0x72: {  	v20 =	vmul.f32 v20, v4;
	v5 =	vmul.f32 v22, v5;
	v10 =	vand.u32 $0xFFFFFF80, v8;
	[tilespmem:s4+$0xFFFFFFE0] =	vst v17  }
0x73: {  	v4 =	vmul.f32 v22, v4;
	v10 =	vadd.s32 s8, v10;
	v23 =	vld [tilespmem:$0x14010]  }
0x74: {  	v5 =	vsub.f32 v5, v20;
	v24 =	vld [tilespmem:$0x14090]  }
0x75: {  	v4 =	vadd.f32 v28, v4;
	[tilespmem:s26+$0xFFFFFFF0] =	vst v8  }
0x76: {  	[tilespmem:s31+$0xFFFFFFF0] =	vst v5  }
0x77: {  	[tilespmem:s1+$0xFFFFFFF0] =	vst v4  }
0x78: {  	[tilespmem:s3+$0xFFFFFFF0] =	vst v23  }
0x79: {  	[tilespmem:s4+$0xFFFFFFF0] =	vst v24  }
0x7a: {  	v20 =	vmul.f32 v21, v2;
	v2 =	vmov v3;
	v21 =	vld [tilespmem:$0x14020]  }
0x7b: {  	v22 =	vld [tilespmem:$0x140A0]  }
0x7c: {  	v9 =	vadd.f32 v20, v9;
	[tilespmem:s26+$0x0] =	vst v27  }
0x7d: {  	[tilespmem:s31+$0x0] =	vst v3  }
0x7e: {  	[tilespmem:s1+$0x0] =	vst v9  }
0x7f: {  	[tilespmem:s3+$0x0] =	vst v21  }
0x80: {  	v0 =	vmul.f32 v19, v0;
	[tilespmem:s4+$0x0] =	vst v22  }
0x81: {  	v27 =	vmul.f32 v19, v1;
	v19 =	vld [tilespmem:$0x14030]  }
0x82: {  	v1 =	vsub.f32 v25, v0;
	v20 =	vld [tilespmem:$0x140B0]  }
0x83: {  	v0 =	vadd.f32 v27, v26;
	[tilespmem:s26+$0x10] =	vst v13;
	s26 =	smov.u32 s7  }
0x84: {  	[tilespmem:s31+$0x10] =	vst v1;
	s31 =	smov.u32 s30  }
0x85: {  	[tilespmem:s1+$0x10] =	vst v0;
	s1 =	smov.u32 s6  }
0x86: {  	[tilespmem:s3+$0x10] =	vst v19;
	s3 =	smov.u32 s28  }
0x87: {  	[tilespmem:s4+$0x10] =	vst v20;
	s4 =	smov.u32 s29  }
0x88: {  	v25 =	vld [tilespmem:s28+$0xFFFFFFE0];
	_ =	sdelay $0x4  }
0x89: {  	[tilespmem:$0x14000] =	vst v25  }
0x8a: {  	v25 =	vld [tilespmem:s29+$0xFFFFFFE0];
	_ =	sdelay $0x4  }
0x8b: {  	[tilespmem:$0x14080] =	vst v25  }
0x8c: {  	v25 =	vld [tilespmem:s28+$0xFFFFFFF0];
	_ =	sdelay $0x4  }
0x8d: {  	[tilespmem:$0x14010] =	vst v25  }
0x8e: {  	v25 =	vld [tilespmem:s29+$0xFFFFFFF0];
	_ =	sdelay $0x4  }
0x8f: {  	[tilespmem:$0x14090] =	vst v25  }
0x90: {  	v25 =	vld [tilespmem:s28+$0x0];
	_ =	sdelay $0x4  }
0x91: {  	[tilespmem:$0x14020] =	vst v25  }
0x92: {  	v25 =	vld [tilespmem:s29+$0x0];
	_ =	sdelay $0x4  }
0x93: {  	[tilespmem:$0x140A0] =	vst v25  }
0x94: {  	v25 =	vld [tilespmem:s28+$0x10];
	_ =	sdelay $0x4  }
0x95: {  	[tilespmem:$0x14030] =	vst v25  }
0x96: {  	v25 =	vld [tilespmem:s29+$0x10];
	_ =	sdelay $0x4  }
0x97: {  	[tilespmem:$0x140B0] =	vst v25  }
0x98: {  	v25 =	vld [tilespmem:s30+$0xFFFFFFE0]  }
0x99: {  	v26 =	vld [tilespmem:s6+$0xFFFFFFE0]  }
0x9a: {  	v27 =	vld [tilespmem:s7+$0xFFFFFFE0];
	_ =	sdelay $0x2  }
0x9b: {  	v28 =	vmul.f32 v25, v18  }
0x9c: {  	v29 =	vmul.f32 v26, v17;
	v17 =	vmul.f32 v25, v17  }
0x9d: {  	v18 =	vmul.f32 v26, v18  }
0x9e: {  	v25 =	vsub.f32 v28, v29  }
0x9f: {  	v17 =	vadd.f32 v18, v17  }
0xa0: {  	[tilespmem:v27+s24+$0x0] =	vst.idx.add.f32.msk $0xffff, v25  }
0xa1: {  	[tilespmem:v27+s25+$0x0] =	vst.idx.add.f32.msk $0xffff, v17  }
0xa2: {  	v17 =	vld [tilespmem:s30+$0xFFFFFFF0]  }
0xa3: {  	v18 =	vld [tilespmem:s6+$0xFFFFFFF0]  }
0xa4: {  	v25 =	vld [tilespmem:s7+$0xFFFFFFF0];
	_ =	sdelay $0x2  }
0xa5: {  	v26 =	vmul.f32 v17, v24  }
0xa6: {  	v17 =	vmul.f32 v17, v23;
	v24 =	vmul.f32 v18, v24  }
0xa7: {  	v18 =	vmul.f32 v18, v23  }
0xa8: {  	v17 =	vsub.f32 v17, v24  }
0xa9: {  	v18 =	vadd.f32 v18, v26  }
0xaa: {  	[tilespmem:v25+s24+$0x0] =	vst.idx.add.f32.msk $0xffff, v17  }
0xab: {  	[tilespmem:v25+s25+$0x0] =	vst.idx.add.f32.msk $0xffff, v18  }
0xac: {  	v17 =	vld [tilespmem:s30+$0x0]  }
0xad: {  	v18 =	vld [tilespmem:s6+$0x0]  }
0xae: {  	v23 =	vld [tilespmem:s7+$0x0];
	_ =	sdelay $0x3  }
0xaf: {  	v24 =	vmul.f32 v17, v21;
	v25 =	vmul.f32 v18, v22  }
0xb0: {  	v17 =	vmul.f32 v17, v22;
	v18 =	vmul.f32 v18, v21  }
0xb1: {  	v21 =	vsub.f32 v24, v25  }
0xb2: {  	v17 =	vadd.f32 v18, v17  }
0xb3: {  	[tilespmem:v23+s24+$0x0] =	vst.idx.add.f32.msk $0xffff, v21  }
0xb4: {  	[tilespmem:v23+s25+$0x0] =	vst.idx.add.f32.msk $0xffff, v17  }
0xb5: {  	v17 =	vld [tilespmem:s30+$0x10]  }
0xb6: {  	v18 =	vld [tilespmem:s6+$0x10]  }
0xb7: {  	v21 =	vld [tilespmem:s7+$0x10];
	_ =	sdelay $0x2  }
0xb8: {  	v22 =	vmul.f32 v17, v19  }
0xb9: {  	v23 =	vmul.f32 v18, v20;
	v18 =	vmul.f32 v18, v19  }
.Ltmp0:
0xba: {  	v13 =	vand.u32 $0x7F, v13;
	v17 =	vmul.f32 v17, v20;
	(pc) =	sbr.rel @p0 .LBB2_2-.Ltmp0, $4  }
0xbb: {  	v13 =	vor.u32 v13, v15;
	v19 =	vsub.f32 v22, v23  }
0xbc: {  	v15 =	vadd.f32 v18, v17  }
0xbd: {  	v14 =	vand.u32 $0x7F, v14;
	[tilespmem:v21+s24+$0x0] =	vst.idx.add.f32.msk $0xffff, v19  }
0xbe: {  	v14 =	vor.u32 v14, v16;
	s6 =	sadd.s32 $0x80, s6;
	s7 =	sadd.s32 $0x80, s7;
	[tilespmem:v21+s25+$0x0] =	vst.idx.add.f32.msk $0xffff, v15  }
0xbf: {  	_ =	sdelay $0x2  }
0xc0: {  	v15 =	vld [tilespmem:$0x14080]  }
0xc1: {  	v43 =	vld.idx.msk [tilespmem:v13+s20+$0x0], $0xffff  }
0xc2: {  	v16 =	vld.idx.msk [tilespmem:v13+s19+$0x0], $0xffff  }
0xc3: {  	v11 =	vor.u32 v12, v11;
	v44 =	vld.idx.msk [tilespmem:v13+s2+$0x0], $0xffff  }
0xc4: {  	v17 =	vld.idx.msk [tilespmem:v14+s20+$0x0], $0xffff  }
0xc5: {  	v18 =	vld.idx.msk [tilespmem:v14+s19+$0x0], $0xffff;
	v8 =	vand.u32 $0x7F, v8  }
0xc6: {  	v46 =	vld.idx.msk [tilespmem:v14+s2+$0x0], $0xffff;
	v8 =	vor.u32 v8, v10  }
0xc7: {  	v20 =	vld [tilespmem:$0x14000]  }
0xc8: {  	v45 =	vld.idx.msk [tilespmem:v11+s20+$0x0], $0xffff  }
0xc9: {  	v19 =	vld.idx.msk [tilespmem:v11+s19+$0x0], $0xffff  }
0xca: {  	v11 =	vld.idx.msk [tilespmem:v11+s2+$0x0], $0xffff;
	v21 =	vmul.f32 v17, v7;
	v22 =	vmul.f32 v18, v6  }
0xcb: {  	v47 =	vmul.f32 v18, v7;
	v48 =	vmul.f32 v17, v6;
	v23 =	vld.idx.msk [tilespmem:v8+s20+$0x0], $0xffff  }
0xcc: {  	v49 =	vld.idx.msk [tilespmem:v8+s19+$0x0], $0xffff;
	v50 =	vsub.f32 v22, v21  }
0xcd: {  	v8 =	vld.idx.msk [tilespmem:v8+s2+$0x0], $0xffff;
	[tilespmem:s26+$0xFFFFFFE0] =	vst v46;
	v6 =	vadd.f32 v48, v47  }
0xce: {  	[tilespmem:s31+$0xFFFFFFE0] =	vst v50  }
0xcf: {  	[tilespmem:s1+$0xFFFFFFE0] =	vst v6  }
0xd0: {  	[tilespmem:s3+$0xFFFFFFE0] =	vst v20  }
0xd1: {  	v51 =	vmul.f32 v49, v5;
	v52 =	vmul.f32 v23, v4;
	[tilespmem:s4+$0xFFFFFFE0] =	vst v15  }
0xd2: {  	v53 =	vmul.f32 v23, v5;
	v54 =	vmul.f32 v49, v4;
	v14 =	vld [tilespmem:$0x14010]  }
0xd3: {  	v6 =	vsub.f32 v51, v52;
	v55 =	vld [tilespmem:$0x14090]  }
0xd4: {  	v4 =	vadd.f32 v53, v54;
	[tilespmem:s26+$0xFFFFFFF0] =	vst v8  }
0xd5: {  	[tilespmem:s31+$0xFFFFFFF0] =	vst v6  }
0xd6: {  	[tilespmem:s1+$0xFFFFFFF0] =	vst v4  }
0xd7: {  	[tilespmem:s3+$0xFFFFFFF0] =	vst v14  }
0xd8: {  	v56 =	vmul.f32 v45, v9;
	v3 =	vmul.f32 v19, v3;
	[tilespmem:s4+$0xFFFFFFF0] =	vst v55  }
0xd9: {  	v57 =	vmul.f32 v19, v9;
	v2 =	vmul.f32 v45, v2;
	v6 =	vld [tilespmem:$0x14020]  }
0xda: {  	v3 =	vsub.f32 v3, v56;
	v58 =	vld [tilespmem:$0x140A0]  }
0xdb: {  	v2 =	vadd.f32 v2, v57;
	[tilespmem:s26+$0x0] =	vst v11  }
0xdc: {  	[tilespmem:s31+$0x0] =	vst v3  }
0xdd: {  	[tilespmem:s1+$0x0] =	vst v2  }
0xde: {  	[tilespmem:s3+$0x0] =	vst v6  }
0xdf: {  	v59 =	vmul.f32 v16, v1;
	v60 =	vmul.f32 v43, v0;
	[tilespmem:s4+$0x0] =	vst v58  }
0xe0: {  	v61 =	vmul.f32 v16, v0;
	v62 =	vmul.f32 v43, v1;
	v4 =	vld [tilespmem:$0x14030]  }
0xe1: {  	v2 =	vsub.f32 v59, v60;
	v63 =	vld [tilespmem:$0x140B0]  }
0xe2: {  	v0 =	vadd.f32 v62, v61;
	[tilespmem:s26+$0x10] =	vst v44  }
0xe3: {  	[tilespmem:s31+$0x10] =	vst v2  }
0xe4: {  	[tilespmem:s1+$0x10] =	vst v0  }
0xe5: {  	[tilespmem:s3+$0x10] =	vst v4  }
0xe6: {  	s8 =	rddreg [dreg:$0x8];
	[tilespmem:s4+$0x10] =	vst v63  }
0xe7: {  	[hbm4b:s8+s2] =	stream.linear.scatter [tilespmem:s2], [sflag:$0x1], $0x4000, $0x38;
	[tilespmem:$0x14100] =	vst v63  }
0xe8: {  	_ = 	snop  }
0xe9: {  	[hbm4b:s9+s2] =	stream.linear.scatter [tilespmem:s19], [sflag:$0x1], $0x4000, $0x38;
	[tilespmem:$0x14100] =	vst v63  }
0xea: {  	_ = 	snop  }
0xeb: {  	[hbm4b:s10+s2] =	stream.linear.scatter [tilespmem:s20], [sflag:$0x1], $0x4000, $0x38;
	[tilespmem:$0x14100] =	vst v63  }
0xec: {  	_ = 	snop  }
0xed: {  	[hbm4b:s11+s2] =	stream.linear.scatter [tilespmem:s21], [sflag:$0x1], $0x4000, $0x38;
	[tilespmem:$0x14100] =	vst v63  }
0xee: {  	_ = 	snop  }
0xef: {  	[hbm4b:s12+s2] =	stream.linear.scatter [tilespmem:s22], [sflag:$0x1], $0x4000, $0x38;
	[tilespmem:$0x14100] =	vst v63  }
0xf0: {  	s26 =	simm.s32 $0x3F80  }
0xf1: {  	[hbm4b:s13+s2] =	stream.linear.scatter [tilespmem:s26], [sflag:$0x1], $0x80, $0x38;
	[tilespmem:$0x14100] =	vst v63  }
0xf2: {  	s28 =	simm.s32 $0x7F80  }
0xf3: {  	[hbm4b:s14+s2] =	stream.linear.scatter [tilespmem:s28], [sflag:$0x1], $0x80, $0x38;
	[tilespmem:$0x14100] =	vst v63  }
0xf4: {  	s29 =	simm.s32 $0xBF80  }
0xf5: {  	[hbm4b:s15+s2] =	stream.linear.scatter [tilespmem:s29], [sflag:$0x1], $0x80, $0x38;
	[tilespmem:$0x14100] =	vst v63  }
0xf6: {  	s30 =	simm.s32 $0xFF80  }
0xf7: {  	[hbm4b:s16+s2] =	stream.linear.scatter [tilespmem:s30], [sflag:$0x1], $0x80, $0x38;
	[tilespmem:$0x14100] =	vst v63  }
0xf8: {  	s31 =	simm.s32 $0x13F80  }
0xf9: {  	[hbm4b:s17+s2] =	stream.linear.scatter [tilespmem:s31], [sflag:$0x1], $0x80, $0x38;
	[tilespmem:$0x14100] =	vst v63  }
0xfa: {  	_ =	swait.ge [sflag:s23], $0x4000  }
0xfb: {  	[sflag:s23] =	ssyncset.done $0x0  }
0xfc: {  	[sflag:s23] =	ssyncadd.s32 $0xFFFFC000  }
0xfd: {  	_ =	swait.ge [sflag:s23], $0x4000  }
0xfe: {  	[sflag:s23] =	ssyncset.done $0x0  }
0xff: {  	[sflag:s23] =	ssyncadd.s32 $0xFFFFC000  }
0x100: {  	_ =	swait.ge [sflag:s23], $0x4000  }
0x101: {  	[sflag:s23] =	ssyncset.done $0x0  }
0x102: {  	[sflag:s23] =	ssyncadd.s32 $0xFFFFC000  }
0x103: {  	_ =	swait.ge [sflag:s23], $0x4000  }
0x104: {  	[sflag:s23] =	ssyncset.done $0x0  }
0x105: {  	[sflag:s23] =	ssyncadd.s32 $0xFFFFC000  }
0x106: {  	_ =	swait.ge [sflag:s23], $0x4000  }
0x107: {  	[sflag:s23] =	ssyncset.done $0x0  }
0x108: {  	[sflag:s23] =	ssyncadd.s32 $0xFFFFC000  }
0x109: {  	_ =	swait.ge [sflag:s23], $0x80  }
0x10a: {  	[sflag:s23] =	ssyncset.done $0x0  }
0x10b: {  	[sflag:s23] =	ssyncadd.s32 $0xFFFFFF80  }
0x10c: {  	_ =	swait.ge [sflag:s23], $0x80  }
0x10d: {  	[sflag:s23] =	ssyncset.done $0x0  }
0x10e: {  	[sflag:s23] =	ssyncadd.s32 $0xFFFFFF80  }
0x10f: {  	_ =	swait.ge [sflag:s23], $0x80  }
0x110: {  	[sflag:s23] =	ssyncset.done $0x0  }
0x111: {  	s0 =	sadd.s32 $0x1, s0;
	[sflag:s23] =	ssyncadd.s32 $0xFFFFFF80  }
0x112: {  	p0 =	sne.s32 s0, s18;
	_ =	swait.ge [sflag:s23], $0x80  }
.Ltmp1:
0x113: {  	[sflag:s23] =	ssyncset.done $0x0;
	(pc) =	sbr.rel @p0 .LBB2_1-.Ltmp1, $4  }
0x114: {  	[sflag:s23] =	ssyncadd.s32 $0xFFFFFF80  }
0x115: {  	_ =	swait.ge [sflag:s23], $0x80  }
0x116: {  	[sflag:s23] =	ssyncset.done $0x0  }
0x117: {  	[sflag:s23] =	ssyncadd.s32 $0xFFFFFF80  }
0x118: {  	_ =	sfence.sel $0x180000  }
0x119: {  	[bflag:$0x0] =	sbarrier.arrive $0xFFFF  }
0x11a: {  	_ =	strace $0x90000047  }
0x11b: {  	s0 =	stileid.u32;
	[bflag:$0x2] =	sbarrier.arrive $0xFFFF  }
0x11c: {  	p0 =	sne.s32 s0, $0x0;
	s0 =	rddreg [dreg:$0x2]  }
0x11d: {  	s0 =	sadd.s32 @!p0 $0x100000, s0  }
0x11e: {  	[sflag:s0] =	ssyncadd.tile.s32 @!p0 $0x1;
	_ =	shalt  }
.Lfunc_end2:
_tile_overlayer_lowered:
.L_overlay_start_2:
0x11f: {  	(tag) =	ssettag $0x2  }
0x120: {  	s0 =	rddreg [dreg:$0x0];
	s2 =	stileid.u32  }
0x121: {  	s1 =	rddreg [dreg:$0x1];
	p0 =	sne.s32 s2, $0x0  }
0x122: {  	s3 =	rddreg [dreg:$0x2];
	[bflag:$0x3] =	sbarrier.arrive $0xFFFF;
	s2 =	simm.s32 @!p0 $0x1C02  }
0x123: {  	[timem:s3], [sflag:s2] =	dma.local @!p0 [hbm:s0], s1  }
0x124: {  	s0 =	simm.s32 @!p0 $0x2  }
0x125: {  	_ =	swait.ge @!p0 [sflag:s0], s1  }
0x126: {  	s1 =	ssub.s32 @!p0 $0x0, s1;
	[sflag:s0] =	ssyncset.done @!p0 $0x0  }
0x127: {  	[sflag:s0] =	ssyncadd.s32 @!p0 s1  }
0x128: {  	[bflag:$0x3] =	sbarrier.arrive $0xFFFF  }
0x129: {  	_ =	shalt  }

// kernel: kernel.9.cloned.1.call-start
scs
__scs_entry_jumppad:
0x0: {  	(pc) =	sbr.rel $0x88, $3  }
0x1: {  	(tag) =	ssettag $0x0;
	lr =	simm.s32 $0x1  }
0x2: {  	[smem:$0x3F95] =	sst lr;
	_ =	strace $0xD0000000  }
0x3: {  	_ = 	snop  }
0x4: {  	_ = 	snop  }
0x5: {  	_ = 	snop  }
0x6: {  	_ = 	snop  }
0x7: {  	_ = 	snop  }
__scs_overlays_trampoline_lowered:
0x8: {  	[smem:$0x3FA4] =	sst s0  }
0x9: {  	[smem:$0x3FA5] =	sst s1  }
0xa: {  	[smem:$0x3FA6] =	sst s2  }
0xb: {  	[smem:$0x3FA7] =	sst s3  }
0xc: {  	[smem:$0x3FA8] =	sst s4  }
0xd: {  	[smem:$0x3FA9] =	sst s5  }
0xe: {  	[smem:$0x3FAA] =	sst s6  }
0xf: {  	[smem:$0x3FAB] =	sst s7  }
0x10: {  	[smem:$0x3FAC] =	sst s8  }
0x11: {  	[smem:$0x3FAD] =	sst s9;
	s0 =	simm.s32 @!p0 $0x0  }
0x12: {  	s1 =	sld [smem:$0x3F93];
	s0 =	simm.s32 @p0 $0x1  }
0x13: {  	[smem:$0x3FAE] =	sst s0;
	s0 =	simm.s32 @!p1 $0x0  }
0x14: {  	s2 =	sld [smem:$0x3F92];
	s0 =	simm.s32 @p1 $0x1  }
0x15: {  	[smem:$0x3FAF] =	sst s0;
	s0 =	simm.s32 @!p2 $0x0  }
0x16: {  	s3 =	sld [smem:$0x3FDB];
	s0 =	simm.s32 @p2 $0x1  }
0x17: {  	s4 =	simm.s32 $0x1BF5;
	[smem:$0x3FB1] =	sst s0  }
0x18: {  	s0 =	sld [smem:$0x3F94];
	_ =	swait.ge [sflag:s4], $0x0  }
0x19: {  	s7 =	sld [smem:$0x3F95]  }
0x1a: {  	s8 =	sadd.s32 $0xFFFFE003, lr  }
0x1b: {  	s9 =	sadd.s32 $0xFFFFFEF7, lr;
	s5 =	simm.s32 $0xFFFFFFFF;
	p2 =	slt.u32 s8, $0xFFFFF086  }
0x1c: {  	p1 =	slt.u32 s9, $0xF7A;
	s5 =	simm.s32 @!p2 $0x0  }
0x1d: {  	s5 =	simm.s32 @p1 $0x1;
	p0 =	seq.s32 s7, s2  }
0x1e: {  	s7 =	smul.u32 @!p0 $0xF7A, s2;
	p2 =	seq.s32 @!p0 s5, $0x0  }
0x1f: {  	s9 =	smul.u32 $0xF7A, s1;
	s8 =	simm.s32 @!p0 $0x1BF5;
	p2 =	por !p2, p0  }
0x20: {  	[sflag:s8] =	ssyncset.s32 @!p0 $0xFFFFF086;
	s6 =	sadd.s32 @!p0 s3, s7;
	s7 =	simm.s32 @!p0 $0x108  }
0x21: {  	s3 =	sadd.s32 s3, s9;
	s6 =	sadd.s32 @!p0 $0x88, s6;
	s7 =	simm.s32 @p2 $0x1082  }
0x22: {  	[simem:s7], [sflag:s8] =	dma.local @!p0 [hbm:s6], $0xF7A  }
0x23: {  	s9 =	sor.u32 $0xD0000000, s2;
	s6 =	simm.s32 $0x108;
	_ =	swait.ge @!p0 [sflag:s8], $0x0  }
0x24: {  	s3 =	sadd.s32 $0x88, s3;
	s6 =	simm.s32 @!p1 $0x1082;
	[sflag:s4] =	ssyncset.s32 $0xFFFFF086  }
0x25: {  	[simem:s6], [sflag:s4] =	dma.local [hbm:s3], $0xF7A  }
0x26: {  	[smem:$0x3F95] =	sst s1;
	(tag) =	ssettag s2;
	_ =	strace s9  }
0x27: {  	s1 =	sld [smem:$0x3FA5]  }
0x28: {  	s2 =	sld [smem:$0x3FA6]  }
0x29: {  	s4 =	sld [smem:$0x3FA8]  }
0x2a: {  	p0 =	seq.s32 s5, $0x0;
	s5 =	sld [smem:$0x3FA9]  }
0x2b: {  	s6 =	sld [smem:$0x3FAA]  }
0x2c: {  	s7 =	sld [smem:$0x3FAB]  }
0x2d: {  	s3 =	simm.s32 $0x108;
	s8 =	sld [smem:$0x3FAC]  }
0x2e: {  	s3 =	simm.s32 @!p0 $0x1082;
	s9 =	sld [smem:$0x3FAD]  }
0x2f: {  	lr =	sadd.s32 s0, s3;
	s0 =	sld [smem:$0x3FA4]  }
0x30: {  	s3 =	sld [smem:$0x3FA7]  }
0x31: {  	[smem:$0x3FB0] =	sst s10  }
0x32: {  	s10 =	sld [smem:$0x3FAE];
	_ =	sdelay $0x3  }
0x33: {  	p0 =	seq.s32 s10, $0x1;
	s10 =	sld [smem:$0x3FB0];
	_ =	sdelay $0x3  }
0x34: {  	[smem:$0x3FB0] =	sst s10  }
0x35: {  	s10 =	sld [smem:$0x3FAF];
	_ =	sdelay $0x3  }
0x36: {  	p1 =	seq.s32 s10, $0x1;
	s10 =	sld [smem:$0x3FB0];
	_ =	sdelay $0x3  }
0x37: {  	[smem:$0x3FB0] =	sst s10  }
0x38: {  	s10 =	sld [smem:$0x3FB1]  }
0x39: {  	_ = 	snop;
	(pc) =	sbr.ind lr, $3  }
0x3a: {  	_ = 	snop  }
0x3b: {  	_ = 	snop  }
0x3c: {  	p2 =	seq.s32 s10, $0x1;
	s10 =	sld [smem:$0x3FB0]  }
0x3d: {  	_ =	shalt  }
0x3e: {  	_ =	shalt  }
0x3f: {  	_ =	shalt  }
0x40: {  	_ =	shalt  }
0x41: {  	_ =	shalt  }
0x42: {  	_ =	shalt  }
0x43: {  	_ =	shalt  }
0x44: {  	_ =	shalt  }
0x45: {  	_ =	shalt  }
0x46: {  	_ =	shalt  }
0x47: {  	_ =	shalt  }
0x48: {  	_ =	shalt  }
0x49: {  	_ =	shalt  }
0x4a: {  	_ =	shalt  }
0x4b: {  	_ =	shalt  }
0x4c: {  	_ =	shalt  }
0x4d: {  	_ =	shalt  }
0x4e: {  	_ =	shalt  }
0x4f: {  	_ =	shalt  }
0x50: {  	_ =	shalt  }
0x51: {  	_ =	shalt  }
0x52: {  	_ =	shalt  }
0x53: {  	_ =	shalt  }
0x54: {  	_ =	shalt  }
0x55: {  	_ =	shalt  }
0x56: {  	_ =	shalt  }
0x57: {  	_ =	shalt  }
0x58: {  	_ =	shalt  }
0x59: {  	_ =	shalt  }
0x5a: {  	_ =	shalt  }
0x5b: {  	_ =	shalt  }
0x5c: {  	_ =	shalt  }
0x5d: {  	_ =	shalt  }
0x5e: {  	_ =	shalt  }
0x5f: {  	_ =	shalt  }
0x60: {  	_ =	shalt  }
0x61: {  	_ =	shalt  }
0x62: {  	_ =	shalt  }
0x63: {  	_ =	shalt  }
0x64: {  	_ =	shalt  }
0x65: {  	_ =	shalt  }
0x66: {  	_ =	shalt  }
0x67: {  	_ =	shalt  }
0x68: {  	_ =	shalt  }
0x69: {  	_ =	shalt  }
0x6a: {  	_ =	shalt  }
0x6b: {  	_ =	shalt  }
0x6c: {  	_ =	shalt  }
0x6d: {  	_ =	shalt  }
0x6e: {  	_ =	shalt  }
0x6f: {  	_ =	shalt  }
0x70: {  	_ =	shalt  }
0x71: {  	_ =	shalt  }
0x72: {  	_ =	shalt  }
0x73: {  	_ =	shalt  }
0x74: {  	_ =	shalt  }
0x75: {  	_ =	shalt  }
0x76: {  	_ =	shalt  }
0x77: {  	_ =	shalt  }
0x78: {  	_ =	shalt  }
0x79: {  	_ =	shalt  }
0x7a: {  	_ =	shalt  }
0x7b: {  	_ =	shalt  }
0x7c: {  	_ =	shalt  }
0x7d: {  	_ =	shalt  }
0x7e: {  	_ =	shalt  }
0x7f: {  	_ =	shalt  }
0x80: {  	_ =	shalt  }
0x81: {  	_ =	shalt  }
0x82: {  	_ =	shalt  }
0x83: {  	_ =	shalt  }
0x84: {  	_ =	shalt  }
0x85: {  	_ =	shalt  }
0x86: {  	_ =	shalt  }
0x87: {  	_ =	shalt  }
.Lfunc_end0:
.L_simem_size_0:
called_computation.1_lowered:
.L_overlay_start_0:
0x88: {  	s2 =	sld [smem:$0x3FD9]  }
0x89: {  	s3 =	sld [smem:$0x3FFE];
	_ =	sdelay $0x1  }
0x8a: {  	s1 =	srdreg.scid  }
0x8b: {  	s0 =	sand.u32 $0x1, s1  }
0x8c: {  	s17 =	sshll.u32 s0, $0xA;
	s2 =	sadd.s32 s3, s2  }
0x8d: {  	s2 =	sadd.s32 s2, s17  }
0x8e: {  	[smem:$0x3FBC] =	sst s2  }
0x8f: {  	_ = 	snop  }
0x90: {  	s2 =	sld [smem:$0x3FD0];
	(tm) =	ssettm $0x1  }
0x91: {  	s18 =	sld [smem:$0x3FFB];
	_ =	sdelay $0x3  }
0x92: {  	_ =	strace s18  }
0x93: {  	s3 =	sld [smem:$0x3FFC];
	_ =	sdelay $0x3  }
0x94: {  	_ =	strace s3  }
0x95: {  	s3 =	sld [smem:$0x3FFD];
	_ =	sdelay $0x3  }
0x96: {  	_ =	strace s3  }
0x97: {  	_ =	strace $0x8FFFFFFF  }
0x98: {  	s19 =	sld [smem:$0x3FDB];
	_ =	sdelay $0x1  }
0x99: {  	s4 =	simm.s32 $_scs_section_size  }
0x9a: {  	s5 =	simm.s32 $_size__tile_overlayer_lowered;
	s6 =	simm.s32 $_tile_overlayer_lowered  }
0x9b: {  	s22 =	simm.s32 $0x1BFF;
	s21 =	sshll.u32 s6, $0x1;
	s3 =	sadd.s32 s4, s19  }
0x9c: {  	s7 =	simm.s32 $0x0;
	s20 =	sshll.u32 s5, $0x1;
	s5 =	sadd.s32 s21, s3  }
0x9d: {  	[timem:s7], [sflag:s22] =	dma.local [hbm:s5], s20  }
0x9e: {  	_ =	swait.ge [sflag:s22], s20  }
0x9f: {  	s4 =	ssub.s32 $0x0, s20;
	[sflag:s22] =	ssyncset.done $0x0  }
0xa0: {  	[sflag:s22] =	ssyncadd.s32 s4;
	_ =	sdelay $0x1  }
0xa1: {  	s23 =	simm.s32 $0x1B8B  }
0xa2: {  	_ =	swait.ge [sflag:s23], $0x1  }
0xa3: {  	[sflag:s23] =	ssyncset.done $0x0  }
0xa4: {  	s25 =	simm.s32 $0x1B8E;
	s24 =	sld [smem:$0x3FFE];
	[sflag:s23] =	ssyncadd.s32 $0xFFFFFFFF  }
0xa5: {  	s26 =	simm.s32 $execute0_lowered;
	[smem:$0x3FD2] =	sst s25  }
0xa6: {  	s5 =	sshll.u32 s26, $0x1;
	_ =	strace $0x80000049;
	[dreg:$0x1] =	wrdreg $0xFFFFFFFF  }
0xa7: {  	s28 =	simm.s32 $_size_execute0_lowered;
	s3 =	sadd.s32 s3, s5;
	[dreg:$0x0] =	wrdreg $0x0  }
0xa8: {  	s5 =	sshll.u32 s28, $0x1;
	[dreg:$0x2] =	wrdreg s3  }
0xa9: {  	[dreg:$0x3] =	wrdreg s5  }
0xaa: {  	[dreg:$0x4] =	wrdreg $0xC0  }
0xab: {  	_ =	task [dreg:s7], $0x5FFFF  }
0xac: {  	[dreg:$0x1] =	wrdreg $0xFFFFFFFF  }
0xad: {  	[dreg:$0x0] =	wrdreg $0x60  }
0xae: {  	[dreg:$0x2] =	wrdreg s24  }
0xaf: {  	[dreg:$0x3] =	wrdreg s2  }
0xb0: {  	[dreg:$0x4] =	wrdreg $0x9  }
0xb1: {  	_ =	task.clear_ibuf [dreg:s7], $0x5FFFF;
	_ =	strace $0x90000049  }
0xb2: {  	s29 =	simm.s32 $0x9;
	_ =	strace $0x8000004B  }
0xb3: {  	_ =	swait.ge [sflag:s29], $0x1  }
0xb4: {  	[sflag:s29] =	ssyncadd.s32 $0xFFFFFFFF  }
0xb5: {  	_ =	strace $0x9000004B  }
0xb6: {  	_ =	sfence  }
0xb7: {  	s30 =	sld [smem:$0x0];
	_ =	sdelay $0x2  }
0xb8: {  	s31 =	sshll.u32 s1, $0xD;
	s1 =	sshrl.u32 s1, $0x2  }
0xb9: {  	s3 =	sand.u32 $0x4000, s31;
	s1 =	sadd.s32 s1, s30  }
0xba: {  	s0 =	sor.u32 s3, s0;
	s1 =	sshll.u32 s1, $0x11  }
0xbb: {  	s0 =	sor.u32 s1, s0  }
0xbc: {  	s0 =	sadd.s32 $0x8F2B, s0  }
0xbd: {  	[sflag:s0] =	ssyncadd.remote.s32 $0x1  }
0xbe: {  	_ =	sfence.sel $0xFFFF  }
0xbf: {  	[dreg:$0x0] =	wrdreg $0xFFFFFFFF;
	(pc) =	sbr.abs _section_cstart, $3  }
0xc0: {  	[dreg:$0x1] =	wrdreg $0xFFFFFFFF  }
0xc1: {  	_ =	task.clear_ibuf [dreg:s7], $0x2FFFF;
	_ =	strace $0x9FFFFFFF  }
0xc2: {  	(tm) =	ssettm $0x7FFFFFFF  }
0xc3: {  	_ =	shalt  }
tec
execute0_lowered:
.L_overlay_start_1:
0x0: {  	(tag) =	ssettag $0x1  }
0x1: {  	s0 =	rddreg [dreg:$0x0]  }
0x2: {  	s1 =	rddreg [dreg:$0x1];
	s2 =	simm.s32 $0x0  }
0x3: {  	s3 =	srdreg.scid;
	s4 =	stileid.u32;
	s23 =	simm.s32 $0xD000  }
0x4: {  	s24 =	simm.s32 $0x11000;
	s25 =	simm.s32 $0x15000;
	s28 =	simm.s32 $0x19000  }
0x5: {  	s29 =	simm.s32 $0x19080;
	s30 =	simm.s32 $0x2;
	s31 =	simm.s32 $0x0  }
0x6: {  	[smem:$0x7FF] =	sst s2;
	s7 =	sand.u32 $0x1, s3;
	s5 =	sshll.u32 s4, $0x1  }
0x7: {  	s3 =	sadd.s32 $0x94400, s0;
	s4 =	sadd.s32 $0x94600, s0;
	s6 =	sadd.s32 $0x94800, s0  }
0x8: {  	s8 =	sadd.s32 $0x94C00, s0;
	s5 =	sor.u32 s7, s5;
	s9 =	ssub.s32 $0x2, s7  }
0x9: {  	_ =	strace $0x8000004A;
	s14 =	sshll.u32 s5, $0xB;
	s10 =	sshrl.u32 s9, $0x1  }
0xa: {  	s7 =	sadd.s32 $0x94A00, s0;
	s15 =	sadd.s32 s14, s0;
	s26 =	ssub.s32 s9, s10  }
0xb: {  	s14 =	sadd.s32 s1, s14;
	s9 =	sadd.s32 $0x44400, s15;
	s10 =	sadd.s32 $0x54400, s15  }
0xc: {  	s11 =	sadd.s32 $0x64400, s15;
	s12 =	sadd.s32 $0x74400, s15;
	s13 =	sadd.s32 $0x84400, s15  }
0xd: {  	s15 =	sadd.s32 $0x4400, s15;
	s16 =	smax.u32 s26, $0x1;
	s26 =	simm.s32 $0x1  }
.LBB2_1:
0xe: {  	[tilespmem:s2], [sflag:$0x1] =	stream.linear.gather [hbm4b:s3+s2], $0x1000, $0x38;
	[tilespmem:$0x19100] =	vst v63  }
0xf: {  	s0 =	simm.s32 $0x1000  }
0x10: {  	[tilespmem:s0], [sflag:$0x1] =	stream.linear.gather [hbm4b:s4+s2], $0x1000, $0x38;
	[tilespmem:$0x19100] =	vst v63  }
0x11: {  	s18 =	simm.s32 $0x2000  }
0x12: {  	[tilespmem:s18], [sflag:$0x1] =	stream.linear.gather [hbm4b:s6+s2], $0x1000, $0x38;
	[tilespmem:$0x19100] =	vst v63  }
0x13: {  	s19 =	simm.s32 $0x3000  }
0x14: {  	[tilespmem:s19], [sflag:$0x1] =	stream.linear.gather [hbm4b:s7+s2], $0x1000, $0x38;
	[tilespmem:$0x19100] =	vst v63  }
0x15: {  	s20 =	simm.s32 $0x4000  }
0x16: {  	[tilespmem:s20], [sflag:$0x1] =	stream.linear.gather [hbm4b:s8+s2], $0x1000, $0x38;
	[tilespmem:$0x19100] =	vst v63  }
0x17: {  	s21 =	simm.s32 $0x5000  }
0x18: {  	[tilespmem:s21], [sflag:$0x2] =	stream.linear.gather [hbm4b:s9+s2], $0x4000, $0x38;
	[tilespmem:$0x19100] =	vst v63  }
0x19: {  	s22 =	simm.s32 $0x9000  }
0x1a: {  	[tilespmem:s22], [sflag:$0x2] =	stream.linear.gather [hbm4b:s10+s2], $0x4000, $0x38;
	[tilespmem:$0x19100] =	vst v63  }
0x1b: {  	_ = 	snop  }
0x1c: {  	[tilespmem:s23], [sflag:$0x2] =	stream.linear.gather [hbm4b:s11+s2], $0x4000, $0x38;
	[tilespmem:$0x19100] =	vst v63  }
0x1d: {  	_ = 	snop  }
0x1e: {  	[tilespmem:s24], [sflag:$0x2] =	stream.linear.gather [hbm4b:s12+s2], $0x4000, $0x38;
	[tilespmem:$0x19100] =	vst v63  }
0x1f: {  	_ = 	snop  }
0x20: {  	[tilespmem:s25], [sflag:$0x2] =	stream.linear.gather [hbm4b:s13+s2], $0x4000, $0x38;
	[tilespmem:$0x19100] =	vst v63  }
0x21: {  	_ =	swait.ge [sflag:s26], $0x1000  }
0x22: {  	[sflag:s26] =	ssyncset.done $0x0  }
0x23: {  	[sflag:s26] =	ssyncadd.s32 $0xFFFFF000  }
0x24: {  	_ =	swait.ge [sflag:s26], $0x1000  }
0x25: {  	[sflag:s26] =	ssyncset.done $0x0  }
0x26: {  	[sflag:s26] =	ssyncadd.s32 $0xFFFFF000  }
0x27: {  	_ =	swait.ge [sflag:s26], $0x1000  }
0x28: {  	[sflag:s26] =	ssyncset.done $0x0  }
0x29: {  	[sflag:s26] =	ssyncadd.s32 $0xFFFFF000  }
0x2a: {  	_ =	swait.ge [sflag:s26], $0x1000  }
0x2b: {  	[sflag:s26] =	ssyncset.done $0x0  }
0x2c: {  	[sflag:s26] =	ssyncadd.s32 $0xFFFFF000  }
0x2d: {  	_ =	swait.ge [sflag:s26], $0x1000  }
0x2e: {  	[sflag:s26] =	ssyncset.done $0x0  }
0x2f: {  	s1 =	simm.s32 $0x3020;
	[sflag:s26] =	ssyncadd.s32 $0xFFFFF000  }
0x30: {  	v0 =	vld [tilespmem:s1+$0xFFFFFFE0];
	_ =	sdelay $0x4  }
0x31: {  	s0 =	simm.s32 $0x4020;
	[tilespmem:$0x19000] =	vst v0  }
0x32: {  	v0 =	vld [tilespmem:s0+$0xFFFFFFE0];
	_ =	sdelay $0x4  }
0x33: {  	[tilespmem:$0x19080] =	vst v0  }
0x34: {  	v0 =	vld [tilespmem:s1+$0xFFFFFFF0];
	_ =	sdelay $0x4  }
0x35: {  	[tilespmem:$0x19010] =	vst v0  }
0x36: {  	v0 =	vld [tilespmem:s0+$0xFFFFFFF0];
	_ =	sdelay $0x4  }
0x37: {  	[tilespmem:$0x19090] =	vst v0  }
0x38: {  	v0 =	vld [tilespmem:s1+$0x0];
	_ =	sdelay $0x4  }
0x39: {  	[tilespmem:$0x19020] =	vst v0  }
0x3a: {  	v0 =	vld [tilespmem:s0+$0x0];
	_ =	sdelay $0x4  }
0x3b: {  	[tilespmem:$0x190A0] =	vst v0  }
0x3c: {  	v0 =	vld [tilespmem:s1+$0x10];
	_ =	sdelay $0x4  }
0x3d: {  	[tilespmem:$0x19030] =	vst v0  }
0x3e: {  	v0 =	vld [tilespmem:s0+$0x10];
	_ =	sdelay $0x4  }
0x3f: {  	s1 =	simm.s32 $0x1020;
	[tilespmem:$0x190B0] =	vst v0  }
0x40: {  	s17 =	simm.s32 $0x2020;
	v1 =	vld [tilespmem:s1+$0xFFFFFFE0]  }
0x41: {  	s18 =	simm.s32 $0x20;
	v2 =	vld [tilespmem:s17+$0xFFFFFFE0]  }
0x42: {  	v3 =	vld [tilespmem:s18+$0xFFFFFFE0];
	_ =	sdelay $0x2  }
0x43: {  	v0 =	vimm.f32 $0.0e+00  }
0x44: {  	v1 =	vmul.f32 v1, v0;
	v2 =	vmul.f32 v2, v0;
	_ =	sdelay $0x1  }
0x45: {  	v4 =	vsub.f32 v1, v2  }
0x46: {  	v1 =	vadd.f32 v2, v1  }
0x47: {  	[tilespmem:v3+s28+$0x0] =	vst.idx.add.f32.msk $0xffff, v4  }
0x48: {  	[tilespmem:v3+s29+$0x0] =	vst.idx.add.f32.msk $0xffff, v1  }
0x49: {  	v1 =	vld [tilespmem:s1+$0xFFFFFFF0]  }
0x4a: {  	v2 =	vld [tilespmem:s17+$0xFFFFFFF0]  }
0x4b: {  	v3 =	vld [tilespmem:s18+$0xFFFFFFF0];
	_ =	sdelay $0x3  }
0x4c: {  	v1 =	vmul.f32 v1, v0;
	v2 =	vmul.f32 v2, v0;
	_ =	sdelay $0x1  }
0x4d: {  	v4 =	vsub.f32 v1, v2  }
0x4e: {  	v1 =	vadd.f32 v2, v1  }
0x4f: {  	[tilespmem:v3+s28+$0x0] =	vst.idx.add.f32.msk $0xffff, v4  }
0x50: {  	[tilespmem:v3+s29+$0x0] =	vst.idx.add.f32.msk $0xffff, v1  }
0x51: {  	v1 =	vld [tilespmem:s1+$0x0]  }
0x52: {  	v2 =	vld [tilespmem:s17+$0x0]  }
0x53: {  	v3 =	vld [tilespmem:s18+$0x0];
	_ =	sdelay $0x3  }
0x54: {  	v1 =	vmul.f32 v1, v0;
	v2 =	vmul.f32 v2, v0;
	_ =	sdelay $0x1  }
0x55: {  	v4 =	vsub.f32 v1, v2  }
0x56: {  	v1 =	vadd.f32 v2, v1  }
0x57: {  	[tilespmem:v3+s28+$0x0] =	vst.idx.add.f32.msk $0xffff, v4  }
0x58: {  	[tilespmem:v3+s29+$0x0] =	vst.idx.add.f32.msk $0xffff, v1  }
0x59: {  	v1 =	vld [tilespmem:s1+$0x10]  }
0x5a: {  	v2 =	vld [tilespmem:s17+$0x10]  }
0x5b: {  	v4 =	vld [tilespmem:s18+$0x10];
	_ =	sdelay $0x3  }
0x5c: {  	v1 =	vmul.f32 v1, v0;
	v2 =	vmul.f32 v2, v0;
	_ =	sdelay $0x1  }
0x5d: {  	v3 =	vsub.f32 v1, v2  }
0x5e: {  	v7 =	vimm.f32 $0.0e+00;
	v1 =	vadd.f32 v2, v1  }
0x5f: {  	v5 =	vimm.f32 $0.0e+00;
	v6 =	vimm.f32 $0.0e+00;
	s19 =	simm.s32 $0x1;
	v2 =	vimm.f32 $0.0e+00;
	[tilespmem:v4+s28+$0x0] =	vst.idx.add.f32.msk $0xffff, v3  }
0x60: {  	s20 =	simm.s32 $0xA0;
	s21 =	simm.s32 $0x30A0;
	s18 =	simm.s32 $0x0;
	v3 =	vimm.f32 $0.0e+00;
	[tilespmem:v4+s29+$0x0] =	vst.idx.add.f32.msk $0xffff, v1;
	v4 =	vimm.f32 $0.0e+00;
	v1 =	vimm.f32 $0.0e+00  }
.LBB2_2:
0x61: {  	v8 =	vld [tilespmem:$0x190B0];
	s0 =	sadd.s32 $0x80, s0;
	s1 =	sadd.s32 $0x80, s1;
	s17 =	sadd.s32 $0x80, s17  }
0x62: {  	p0 =	sne.s32 s19, $0x1E;
	s22 =	smov.u32 s19;
	s19 =	sadd.s32 $0x1, s19;
	v9 =	vld [tilespmem:s21+$0xFFFFFFE0]  }
0x63: {  	v10 =	vld [tilespmem:$0x19030]  }
0x64: {  	v11 =	vld [tilespmem:$0x190A0]  }
0x65: {  	p1 =	slt.u32 s18, s5;
	s18 =	smov.u32 s22;
	v12 =	vld [tilespmem:$0x19020]  }
0x66: {  	v13 =	vld [tilespmem:$0x19090];
	v0 =	vpsel p1, v8, v0  }
0x67: {  	v8 =	vld [tilespmem:$0x19010]  }
0x68: {  	v14 =	vld [tilespmem:$0x19080];
	v7 =	vpsel p1, v10, v7  }
0x69: {  	v10 =	vld [tilespmem:$0x19000];
	v5 =	vpsel p1, v11, v5  }
0x6a: {  	[tilespmem:$0x19000] =	vst v9;
	v6 =	vpsel p1, v12, v6  }
0x6b: {  	v9 =	vld [tilespmem:s0+$0xFFFFFFE0];
	v3 =	vpsel p1, v13, v3  }
0x6c: {  	v4 =	vpsel p1, v8, v4  }
0x6d: {  	v1 =	vpsel p1, v14, v1  }
0x6e: {  	v2 =	vpsel p1, v10, v2;
	_ =	sdelay $0x1  }
0x6f: {  	[tilespmem:$0x19080] =	vst v9  }
0x70: {  	v8 =	vld [tilespmem:s21+$0xFFFFFFF0];
	_ =	sdelay $0x4  }
0x71: {  	[tilespmem:$0x19010] =	vst v8  }
0x72: {  	v8 =	vld [tilespmem:s0+$0xFFFFFFF0];
	_ =	sdelay $0x4  }
0x73: {  	[tilespmem:$0x19090] =	vst v8  }
0x74: {  	v8 =	vld [tilespmem:s21+$0x0];
	_ =	sdelay $0x4  }
0x75: {  	[tilespmem:$0x19020] =	vst v8  }
0x76: {  	v8 =	vld [tilespmem:s0+$0x0];
	_ =	sdelay $0x4  }
0x77: {  	[tilespmem:$0x190A0] =	vst v8  }
0x78: {  	v8 =	vld [tilespmem:s21+$0x10];
	_ =	sdelay $0x4  }
0x79: {  	[tilespmem:$0x19030] =	vst v8  }
0x7a: {  	v8 =	vld [tilespmem:s0+$0x10];
	_ =	sdelay $0x4  }
0x7b: {  	[tilespmem:$0x190B0] =	vst v8  }
0x7c: {  	v8 =	vld [tilespmem:s1+$0xFFFFFFE0]  }
0x7d: {  	v9 =	vld [tilespmem:s17+$0xFFFFFFE0]  }
0x7e: {  	v10 =	vld [tilespmem:s20+$0xFFFFFFE0];
	_ =	sdelay $0x3  }
0x7f: {  	v11 =	vmul.f32 v8, v2;
	v12 =	vmul.f32 v9, v1  }
0x80: {  	v8 =	vmul.f32 v8, v1;
	v9 =	vmul.f32 v9, v2  }
0x81: {  	v11 =	vsub.f32 v11, v12  }
0x82: {  	v8 =	vadd.f32 v9, v8  }
0x83: {  	[tilespmem:v10+s28+$0x0] =	vst.idx.add.f32.msk $0xffff, v11  }
0x84: {  	[tilespmem:v10+s29+$0x0] =	vst.idx.add.f32.msk $0xffff, v8  }
0x85: {  	v8 =	vld [tilespmem:s1+$0xFFFFFFF0]  }
0x86: {  	v9 =	vld [tilespmem:s17+$0xFFFFFFF0]  }
0x87: {  	v10 =	vld [tilespmem:s20+$0xFFFFFFF0];
	_ =	sdelay $0x2  }
0x88: {  	v11 =	vmul.f32 v8, v4;
	v8 =	vmul.f32 v8, v3  }
0x89: {  	v12 =	vmul.f32 v9, v3;
	v9 =	vmul.f32 v9, v4;
	_ =	sdelay $0x1  }
0x8a: {  	v11 =	vsub.f32 v11, v12;
	v8 =	vadd.f32 v9, v8;
	_ =	sdelay $0x1  }
0x8b: {  	[tilespmem:v10+s28+$0x0] =	vst.idx.add.f32.msk $0xffff, v11  }
0x8c: {  	[tilespmem:v10+s29+$0x0] =	vst.idx.add.f32.msk $0xffff, v8  }
0x8d: {  	v8 =	vld [tilespmem:s1+$0x0]  }
0x8e: {  	v9 =	vld [tilespmem:s17+$0x0]  }
0x8f: {  	v10 =	vld [tilespmem:s20+$0x0];
	_ =	sdelay $0x2  }
0x90: {  	v11 =	vmul.f32 v8, v6  }
0x91: {  	v12 =	vmul.f32 v9, v5;
	v9 =	vmul.f32 v9, v6  }
0x92: {  	v8 =	vmul.f32 v8, v5  }
0x93: {  	v11 =	vsub.f32 v11, v12  }
0x94: {  	v8 =	vadd.f32 v9, v8  }
0x95: {  	[tilespmem:v10+s28+$0x0] =	vst.idx.add.f32.msk $0xffff, v11  }
0x96: {  	[tilespmem:v10+s29+$0x0] =	vst.idx.add.f32.msk $0xffff, v8  }
0x97: {  	v8 =	vld [tilespmem:s1+$0x10]  }
0x98: {  	v9 =	vld [tilespmem:s17+$0x10]  }
0x99: {  	v10 =	vld [tilespmem:s20+$0x10];
	_ =	sdelay $0x3  }
0x9a: {  	v11 =	vmul.f32 v8, v7;
	v12 =	vmul.f32 v9, v0  }
.Ltmp0:
0x9b: {  	v8 =	vmul.f32 v8, v0;
	v9 =	vmul.f32 v9, v7;
	(pc) =	sbr.rel @p0 .LBB2_2-.Ltmp0, $4  }
0x9c: {  	v11 =	vsub.f32 v11, v12  }
0x9d: {  	v8 =	vadd.f32 v9, v8  }
0x9e: {  	[tilespmem:v10+s28+$0x0] =	vst.idx.add.f32.msk $0xffff, v11  }
0x9f: {  	s21 =	sadd.s32 $0x80, s21;
	s20 =	sadd.s32 $0x80, s20;
	[tilespmem:v10+s29+$0x0] =	vst.idx.add.f32.msk $0xffff, v8  }
0xa0: {  	v8 =	vld [tilespmem:$0x190B0]  }
0xa1: {  	v9 =	vld [tilespmem:$0x19030]  }
0xa2: {  	v10 =	vld [tilespmem:$0x190A0]  }
0xa3: {  	v11 =	vld [tilespmem:$0x19020]  }
0xa4: {  	v12 =	vld [tilespmem:$0x19090]  }
0xa5: {  	v13 =	vld [tilespmem:$0x19010]  }
0xa6: {  	v14 =	vld [tilespmem:$0x19080]  }
0xa7: {  	v15 =	vld [tilespmem:$0x19000];
	_ =	swait.ge [sflag:s30], $0x4000  }
0xa8: {  	[sflag:s30] =	ssyncset.done $0x0  }
0xa9: {  	[sflag:s30] =	ssyncadd.s32 $0xFFFFC000  }
0xaa: {  	_ =	swait.ge [sflag:s30], $0x4000  }
0xab: {  	[sflag:s30] =	ssyncset.done $0x0  }
0xac: {  	[sflag:s30] =	ssyncadd.s32 $0xFFFFC000  }
0xad: {  	_ =	swait.ge [sflag:s30], $0x4000  }
0xae: {  	[sflag:s30] =	ssyncset.done $0x0  }
0xaf: {  	[sflag:s30] =	ssyncadd.s32 $0xFFFFC000  }
0xb0: {  	_ =	swait.ge [sflag:s30], $0x4000  }
0xb1: {  	[sflag:s30] =	ssyncset.done $0x0  }
0xb2: {  	[sflag:s30] =	ssyncadd.s32 $0xFFFFC000  }
0xb3: {  	_ =	swait.ge [sflag:s30], $0x4000  }
0xb4: {  	[sflag:s30] =	ssyncset.done $0x0  }
0xb5: {  	s0 =	simm.s32 $0x0;
	[sflag:s30] =	ssyncadd.s32 $0xFFFFC000  }
0xb6: {  	v16 =	vld [tilespmem:s0+$0x11000];
	_ =	sdelay $0x4  }
0xb7: {  	[tilespmem:$0x19000] =	vst v16  }
0xb8: {  	v16 =	vld [tilespmem:s0+$0x15000];
	_ =	sdelay $0x4  }
0xb9: {  	[tilespmem:$0x19080] =	vst v16  }
0xba: {  	v16 =	vld [tilespmem:s0+$0x11010];
	_ =	sdelay $0x4  }
0xbb: {  	[tilespmem:$0x19010] =	vst v16  }
0xbc: {  	v16 =	vld [tilespmem:s0+$0x15010];
	_ =	sdelay $0x4  }
0xbd: {  	[tilespmem:$0x19090] =	vst v16  }
0xbe: {  	v16 =	vld [tilespmem:s0+$0x11020];
	_ =	sdelay $0x4  }
0xbf: {  	[tilespmem:$0x19020] =	vst v16  }
0xc0: {  	v16 =	vld [tilespmem:s0+$0x15020];
	_ =	sdelay $0x4  }
0xc1: {  	[tilespmem:$0x190A0] =	vst v16  }
0xc2: {  	v16 =	vld [tilespmem:s0+$0x11030];
	_ =	sdelay $0x4  }
0xc3: {  	[tilespmem:$0x19030] =	vst v16  }
0xc4: {  	v16 =	vld [tilespmem:s0+$0x15030];
	_ =	sdelay $0x4  }
0xc5: {  	[tilespmem:$0x190B0] =	vst v16  }
0xc6: {  	v16 =	vld [tilespmem:s0+$0x9000]  }
0xc7: {  	v17 =	vld [tilespmem:s0+$0xD000]  }
0xc8: {  	v18 =	vld [tilespmem:s0+$0x5000];
	_ =	sdelay $0x1  }
0xc9: {  	p0 =	slt.u32 s18, s5  }
0xca: {  	v1 =	vpsel p0, v14, v1;
	v2 =	vpsel p0, v15, v2  }
0xcb: {  	v50 =	vmul.f32 v16, v2;
	v51 =	vmul.f32 v17, v1  }
0xcc: {  	v16 =	vmul.f32 v16, v1;
	v17 =	vmul.f32 v17, v2  }
0xcd: {  	v14 =	vsub.f32 v50, v51  }
0xce: {  	v52 =	vadd.f32 v17, v16  }
0xcf: {  	[tilespmem:v18+s28+$0x0] =	vst.idx.add.f32.msk $0xffff, v14  }
0xd0: {  	[tilespmem:v18+s29+$0x0] =	vst.idx.add.f32.msk $0xffff, v52  }
0xd1: {  	v14 =	vld [tilespmem:s0+$0x9010]  }
0xd2: {  	v15 =	vld [tilespmem:s0+$0xD010]  }
0xd3: {  	v53 =	vld [tilespmem:s0+$0x5010];
	_ =	sdelay $0x2  }
0xd4: {  	v3 =	vpsel p0, v12, v3;
	v4 =	vpsel p0, v13, v4  }
0xd5: {  	v54 =	vmul.f32 v14, v4;
	v55 =	vmul.f32 v15, v3  }
0xd6: {  	v14 =	vmul.f32 v14, v3;
	v15 =	vmul.f32 v15, v4  }
0xd7: {  	v12 =	vsub.f32 v54, v55  }
0xd8: {  	v56 =	vadd.f32 v15, v14  }
0xd9: {  	[tilespmem:v53+s28+$0x0] =	vst.idx.add.f32.msk $0xffff, v12  }
0xda: {  	[tilespmem:v53+s29+$0x0] =	vst.idx.add.f32.msk $0xffff, v56  }
0xdb: {  	v12 =	vld [tilespmem:s0+$0x9020]  }
0xdc: {  	v13 =	vld [tilespmem:s0+$0xD020]  }
0xdd: {  	v57 =	vld [tilespmem:s0+$0x5020];
	_ =	sdelay $0x2  }
0xde: {  	v5 =	vpsel p0, v10, v5;
	v6 =	vpsel p0, v11, v6  }
0xdf: {  	v58 =	vmul.f32 v12, v6;
	v59 =	vmul.f32 v13, v5  }
0xe0: {  	v12 =	vmul.f32 v12, v5;
	v13 =	vmul.f32 v13, v6  }
0xe1: {  	v10 =	vsub.f32 v58, v59  }
0xe2: {  	v60 =	vadd.f32 v13, v12  }
0xe3: {  	[tilespmem:v57+s28+$0x0] =	vst.idx.add.f32.msk $0xffff, v10  }
0xe4: {  	[tilespmem:v57+s29+$0x0] =	vst.idx.add.f32.msk $0xffff, v60  }
0xe5: {  	v10 =	vld [tilespmem:s0+$0x9030]  }
0xe6: {  	v11 =	vld [tilespmem:s0+$0xD030]  }
0xe7: {  	v61 =	vld [tilespmem:s0+$0x5030];
	_ =	sdelay $0x2  }
0xe8: {  	v0 =	vpsel p0, v8, v0;
	v7 =	vpsel p0, v9, v7  }
0xe9: {  	v8 =	vmul.f32 v10, v7;
	v62 =	vmul.f32 v11, v0  }
0xea: {  	v10 =	vmul.f32 v10, v0;
	v11 =	vmul.f32 v11, v7  }
0xeb: {  	v8 =	vsub.f32 v8, v62  }
0xec: {  	v63 =	vadd.f32 v11, v10  }
0xed: {  	[tilespmem:v61+s28+$0x0] =	vst.idx.add.f32.msk $0xffff, v8  }
0xee: {  	[tilespmem:v61+s29+$0x0] =	vst.idx.add.f32.msk $0xffff, v63  }
0xef: {  	v8 =	vld [tilespmem:$0x19000];
	_ =	sdelay $0x4  }
0xf0: {  	[tilespmem:s0+$0x11000] =	vst v8  }
0xf1: {  	v8 =	vld [tilespmem:$0x19080];
	_ =	sdelay $0x4  }
0xf2: {  	[tilespmem:s0+$0x15000] =	vst v8  }
0xf3: {  	v8 =	vld [tilespmem:$0x19010];
	_ =	sdelay $0x4  }
0xf4: {  	[tilespmem:s0+$0x11010] =	vst v8  }
0xf5: {  	v8 =	vld [tilespmem:$0x19090];
	_ =	sdelay $0x4  }
0xf6: {  	[tilespmem:s0+$0x15010] =	vst v8  }
0xf7: {  	v8 =	vld [tilespmem:$0x19020];
	_ =	sdelay $0x4  }
0xf8: {  	[tilespmem:s0+$0x11020] =	vst v8  }
0xf9: {  	v8 =	vld [tilespmem:$0x190A0];
	_ =	sdelay $0x4  }
0xfa: {  	[tilespmem:s0+$0x15020] =	vst v8  }
0xfb: {  	v8 =	vld [tilespmem:$0x19030];
	_ =	sdelay $0x4  }
0xfc: {  	s1 =	simm.s32 $0x200;
	s17 =	simm.s32 $0x400;
	[tilespmem:s0+$0x11030] =	vst v8  }
.LBB2_4:
0xfd: {  	p0 =	sne.s32 s17, $0xFE00  }
0xfe: {  	s18 =	sshra.s32 s1, $0x2;
	v8 =	vld [tilespmem:$0x190B0];
	s1 =	smov.u32 s17;
	s17 =	sadd.s32 $0x200, s17  }
0xff: {  	v9 =	vld [tilespmem:s18+$0x11000];
	_ =	sdelay $0x3  }
0x100: {  	[tilespmem:s0+$0x15030] =	vst v8;
	s0 =	smov.u32 s18  }
0x101: {  	[tilespmem:$0x19000] =	vst v9  }
0x102: {  	v8 =	vld [tilespmem:s0+$0x15000];
	_ =	sdelay $0x4  }
0x103: {  	[tilespmem:$0x19080] =	vst v8  }
0x104: {  	v8 =	vld [tilespmem:s0+$0x11010];
	_ =	sdelay $0x4  }
0x105: {  	[tilespmem:$0x19010] =	vst v8  }
0x106: {  	v8 =	vld [tilespmem:s0+$0x15010];
	_ =	sdelay $0x4  }
0x107: {  	[tilespmem:$0x19090] =	vst v8  }
0x108: {  	v8 =	vld [tilespmem:s0+$0x11020];
	_ =	sdelay $0x4  }
0x109: {  	[tilespmem:$0x19020] =	vst v8  }
0x10a: {  	v8 =	vld [tilespmem:s0+$0x15020];
	_ =	sdelay $0x4  }
0x10b: {  	[tilespmem:$0x190A0] =	vst v8  }
0x10c: {  	v8 =	vld [tilespmem:s0+$0x11030];
	_ =	sdelay $0x4  }
0x10d: {  	[tilespmem:$0x19030] =	vst v8  }
0x10e: {  	v8 =	vld [tilespmem:s0+$0x15030];
	_ =	sdelay $0x4  }
0x10f: {  	[tilespmem:$0x190B0] =	vst v8  }
0x110: {  	v8 =	vld [tilespmem:s0+$0x9000]  }
0x111: {  	v9 =	vld [tilespmem:s0+$0xD000]  }
0x112: {  	v10 =	vld [tilespmem:s0+$0x5000];
	_ =	sdelay $0x2  }
0x113: {  	v11 =	vmul.f32 v8, v2;
	v8 =	vmul.f32 v8, v1  }
0x114: {  	v12 =	vmul.f32 v9, v1;
	v9 =	vmul.f32 v9, v2;
	_ =	sdelay $0x1  }
0x115: {  	v11 =	vsub.f32 v11, v12;
	v8 =	vadd.f32 v9, v8;
	_ =	sdelay $0x1  }
0x116: {  	[tilespmem:v10+s28+$0x0] =	vst.idx.add.f32.msk $0xffff, v11  }
0x117: {  	[tilespmem:v10+s29+$0x0] =	vst.idx.add.f32.msk $0xffff, v8  }
0x118: {  	v8 =	vld [tilespmem:s0+$0x5010]  }
0x119: {  	v9 =	vld [tilespmem:s0+$0x9010]  }
0x11a: {  	v10 =	vld [tilespmem:s0+$0xD010];
	_ =	sdelay $0x4  }
0x11b: {  	v11 =	vmul.f32 v9, v4;
	v12 =	vmul.f32 v10, v3  }
0x11c: {  	v9 =	vmul.f32 v9, v3;
	v10 =	vmul.f32 v10, v4  }
0x11d: {  	v11 =	vsub.f32 v11, v12  }
0x11e: {  	v9 =	vadd.f32 v10, v9  }
0x11f: {  	[tilespmem:v8+s28+$0x0] =	vst.idx.add.f32.msk $0xffff, v11  }
0x120: {  	[tilespmem:v8+s29+$0x0] =	vst.idx.add.f32.msk $0xffff, v9  }
0x121: {  	v8 =	vld [tilespmem:s0+$0x9020]  }
0x122: {  	v9 =	vld [tilespmem:s0+$0xD020]  }
0x123: {  	v10 =	vld [tilespmem:s0+$0x5020];
	_ =	sdelay $0x3  }
0x124: {  	v11 =	vmul.f32 v8, v6;
	v12 =	vmul.f32 v9, v5  }
0x125: {  	v8 =	vmul.f32 v8, v5;
	v9 =	vmul.f32 v9, v6  }
0x126: {  	v11 =	vsub.f32 v11, v12  }
0x127: {  	v8 =	vadd.f32 v9, v8  }
0x128: {  	[tilespmem:v10+s28+$0x0] =	vst.idx.add.f32.msk $0xffff, v11  }
0x129: {  	[tilespmem:v10+s29+$0x0] =	vst.idx.add.f32.msk $0xffff, v8  }
0x12a: {  	v8 =	vld [tilespmem:s0+$0x9030]  }
0x12b: {  	v9 =	vld [tilespmem:s0+$0xD030]  }
0x12c: {  	v10 =	vld [tilespmem:s0+$0x5030];
	_ =	sdelay $0x2  }
0x12d: {  	v11 =	vmul.f32 v8, v7;
	v8 =	vmul.f32 v8, v0  }
0x12e: {  	v12 =	vmul.f32 v9, v0;
	v9 =	vmul.f32 v9, v7;
	_ =	sdelay $0x1  }
0x12f: {  	v11 =	vsub.f32 v11, v12;
	v8 =	vadd.f32 v9, v8;
	_ =	sdelay $0x1  }
0x130: {  	[tilespmem:v10+s28+$0x0] =	vst.idx.add.f32.msk $0xffff, v11  }
0x131: {  	[tilespmem:v10+s29+$0x0] =	vst.idx.add.f32.msk $0xffff, v8  }
0x132: {  	v8 =	vld [tilespmem:$0x19000];
	_ =	sdelay $0x4  }
0x133: {  	[tilespmem:s0+$0x11000] =	vst v8  }
0x134: {  	v8 =	vld [tilespmem:$0x19080];
	_ =	sdelay $0x4  }
0x135: {  	[tilespmem:s0+$0x15000] =	vst v8  }
0x136: {  	v8 =	vld [tilespmem:$0x19010];
	_ =	sdelay $0x4  }
0x137: {  	[tilespmem:s0+$0x11010] =	vst v8  }
0x138: {  	v8 =	vld [tilespmem:$0x19090];
	_ =	sdelay $0x4  }
0x139: {  	[tilespmem:s0+$0x15010] =	vst v8  }
0x13a: {  	v8 =	vld [tilespmem:$0x19020];
	_ =	sdelay $0x4  }
0x13b: {  	[tilespmem:s0+$0x11020] =	vst v8  }
0x13c: {  	v8 =	vld [tilespmem:$0x190A0];
	_ =	sdelay $0x4  }
0x13d: {  	[tilespmem:s0+$0x15020] =	vst v8  }
0x13e: {  	v8 =	vld [tilespmem:$0x19030]  }
.Ltmp1:
0x13f: {  	(pc) =	sbr.rel @p0 .LBB2_4-.Ltmp1, $2  }
0x140: {  	_ =	sdelay $0x2  }
0x141: {  	[tilespmem:s0+$0x11030] =	vst v8  }
0x142: {  	s1 =	sshra.s32 s1, $0x2;
	v8 =	vld [tilespmem:$0x190B0]  }
0x143: {  	v9 =	vld [tilespmem:s1+$0x11000];
	_ =	sdelay $0x3  }
0x144: {  	[tilespmem:s0+$0x15030] =	vst v8  }
0x145: {  	[tilespmem:$0x19000] =	vst v9  }
0x146: {  	v8 =	vld [tilespmem:s1+$0x15000];
	_ =	sdelay $0x4  }
0x147: {  	[tilespmem:$0x19080] =	vst v8  }
0x148: {  	v8 =	vld [tilespmem:s1+$0x11010];
	_ =	sdelay $0x4  }
0x149: {  	[tilespmem:$0x19010] =	vst v8  }
0x14a: {  	v8 =	vld [tilespmem:s1+$0x15010];
	_ =	sdelay $0x4  }
0x14b: {  	[tilespmem:$0x19090] =	vst v8  }
0x14c: {  	v8 =	vld [tilespmem:s1+$0x11020];
	_ =	sdelay $0x4  }
0x14d: {  	[tilespmem:$0x19020] =	vst v8  }
0x14e: {  	v8 =	vld [tilespmem:s1+$0x15020];
	_ =	sdelay $0x4  }
0x14f: {  	[tilespmem:$0x190A0] =	vst v8  }
0x150: {  	v8 =	vld [tilespmem:s1+$0x11030];
	_ =	sdelay $0x4  }
0x151: {  	[tilespmem:$0x19030] =	vst v8  }
0x152: {  	v8 =	vld [tilespmem:s1+$0x15030];
	_ =	sdelay $0x4  }
0x153: {  	[tilespmem:$0x190B0] =	vst v8  }
0x154: {  	v8 =	vld [tilespmem:s1+$0x9000]  }
0x155: {  	v9 =	vld [tilespmem:s1+$0xD000]  }
0x156: {  	v10 =	vld [tilespmem:s1+$0x5000];
	_ =	sdelay $0x3  }
0x157: {  	v11 =	vmul.f32 v8, v2;
	v12 =	vmul.f32 v9, v1  }
0x158: {  	v48 =	vmul.f32 v8, v1;
	v49 =	vmul.f32 v9, v2  }
0x159: {  	v50 =	vsub.f32 v11, v12  }
0x15a: {  	v1 =	vadd.f32 v49, v48  }
0x15b: {  	[tilespmem:v10+s28+$0x0] =	vst.idx.add.f32.msk $0xffff, v50  }
0x15c: {  	[tilespmem:v10+s29+$0x0] =	vst.idx.add.f32.msk $0xffff, v1  }
0x15d: {  	v1 =	vld [tilespmem:s1+$0x9010]  }
0x15e: {  	v51 =	vld [tilespmem:s1+$0xD010]  }
0x15f: {  	v8 =	vld [tilespmem:s1+$0x5010];
	_ =	sdelay $0x3  }
0x160: {  	v52 =	vmul.f32 v1, v4;
	v53 =	vmul.f32 v51, v3  }
0x161: {  	v1 =	vmul.f32 v1, v3;
	v2 =	vmul.f32 v51, v4  }
0x162: {  	v54 =	vsub.f32 v52, v53  }
0x163: {  	v1 =	vadd.f32 v2, v1  }
0x164: {  	[tilespmem:v8+s28+$0x0] =	vst.idx.add.f32.msk $0xffff, v54  }
0x165: {  	[tilespmem:v8+s29+$0x0] =	vst.idx.add.f32.msk $0xffff, v1  }
0x166: {  	v1 =	vld [tilespmem:s1+$0x9020]  }
0x167: {  	v55 =	vld [tilespmem:s1+$0xD020]  }
0x168: {  	v3 =	vld [tilespmem:s1+$0x5020];
	_ =	sdelay $0x3  }
0x169: {  	v56 =	vmul.f32 v1, v6;
	v57 =	vmul.f32 v55, v5  }
0x16a: {  	v1 =	vmul.f32 v1, v5;
	v2 =	vmul.f32 v55, v6  }
0x16b: {  	v4 =	vsub.f32 v56, v57  }
0x16c: {  	v1 =	vadd.f32 v2, v1  }
0x16d: {  	[tilespmem:v3+s28+$0x0] =	vst.idx.add.f32.msk $0xffff, v4  }
0x16e: {  	[tilespmem:v3+s29+$0x0] =	vst.idx.add.f32.msk $0xffff, v1  }
0x16f: {  	v1 =	vld [tilespmem:s1+$0x9030]  }
0x170: {  	v58 =	vld [tilespmem:s1+$0xD030]  }
0x171: {  	v3 =	vld [tilespmem:s1+$0x5030];
	_ =	sdelay $0x3  }
0x172: {  	v59 =	vmul.f32 v1, v7;
	v60 =	vmul.f32 v58, v0  }
0x173: {  	v61 =	vmul.f32 v1, v0;
	v62 =	vmul.f32 v58, v7  }
0x174: {  	v63 =	vsub.f32 v59, v60  }
0x175: {  	v0 =	vadd.f32 v62, v61  }
0x176: {  	[tilespmem:v3+s28+$0x0] =	vst.idx.add.f32.msk $0xffff, v63  }
0x177: {  	[tilespmem:v3+s29+$0x0] =	vst.idx.add.f32.msk $0xffff, v0  }
0x178: {  	v0 =	vld [tilespmem:$0x19000];
	_ =	sdelay $0x4  }
0x179: {  	[tilespmem:s1+$0x11000] =	vst v0  }
0x17a: {  	v0 =	vld [tilespmem:$0x19080];
	_ =	sdelay $0x4  }
0x17b: {  	[tilespmem:s1+$0x15000] =	vst v0  }
0x17c: {  	v0 =	vld [tilespmem:$0x19010];
	_ =	sdelay $0x4  }
0x17d: {  	[tilespmem:s1+$0x11010] =	vst v0  }
0x17e: {  	v0 =	vld [tilespmem:$0x19090];
	_ =	sdelay $0x4  }
0x17f: {  	[tilespmem:s1+$0x15010] =	vst v0  }
0x180: {  	v0 =	vld [tilespmem:$0x19020];
	_ =	sdelay $0x4  }
0x181: {  	[tilespmem:s1+$0x11020] =	vst v0  }
0x182: {  	v0 =	vld [tilespmem:$0x190A0];
	_ =	sdelay $0x4  }
0x183: {  	[tilespmem:s1+$0x15020] =	vst v0  }
0x184: {  	v0 =	vld [tilespmem:$0x19030];
	_ =	sdelay $0x4  }
0x185: {  	[tilespmem:s1+$0x11030] =	vst v0  }
0x186: {  	v0 =	vld [tilespmem:$0x190B0];
	_ =	sdelay $0x4  }
0x187: {  	[tilespmem:s1+$0x15030] =	vst v0  }
0x188: {  	[hbm4b:s14+s2] =	stream.linear.scatter [tilespmem:s24], [sflag:$0x2], $0x4000, $0x38;
	[tilespmem:$0x19100] =	vst v63  }
0x189: {  	s31 =	sadd.s32 $0x1, s31  }
0x18a: {  	[hbm4b:s15+s2] =	stream.linear.scatter [tilespmem:s25], [sflag:$0x2], $0x4000, $0x38;
	[tilespmem:$0x19100] =	vst v63  }
0x18b: {  	p0 =	sne.s32 s31, s16;
	_ =	swait.ge [sflag:s30], $0x4000  }
.Ltmp2:
0x18c: {  	[sflag:s30] =	ssyncset.done $0x0;
	(pc) =	sbr.rel @p0 .LBB2_1-.Ltmp2, $4  }
0x18d: {  	[sflag:s30] =	ssyncadd.s32 $0xFFFFC000  }
0x18e: {  	_ =	swait.ge [sflag:s30], $0x4000  }
0x18f: {  	[sflag:s30] =	ssyncset.done $0x0  }
0x190: {  	[sflag:s30] =	ssyncadd.s32 $0xFFFFC000  }
0x191: {  	_ =	sfence.sel $0x180000  }
0x192: {  	[bflag:$0x0] =	sbarrier.arrive $0xFFFF  }
0x193: {  	_ =	strace $0x9000004A  }
0x194: {  	s0 =	stileid.u32;
	[bflag:$0x2] =	sbarrier.arrive $0xFFFF  }
0x195: {  	p0 =	sne.s32 s0, $0x0;
	s0 =	rddreg [dreg:$0x2]  }
0x196: {  	s0 =	sadd.s32 @!p0 $0x100000, s0  }
0x197: {  	[sflag:s0] =	ssyncadd.tile.s32 @!p0 $0x1;
	_ =	shalt  }
.Lfunc_end2:
_tile_overlayer_lowered:
.L_overlay_start_2:
0x198: {  	(tag) =	ssettag $0x2  }
0x199: {  	s0 =	rddreg [dreg:$0x0];
	s2 =	stileid.u32  }
0x19a: {  	s1 =	rddreg [dreg:$0x1];
	p0 =	sne.s32 s2, $0x0  }
0x19b: {  	s3 =	rddreg [dreg:$0x2];
	[bflag:$0x3] =	sbarrier.arrive $0xFFFF;
	s2 =	simm.s32 @!p0 $0x1C03  }
0x19c: {  	[timem:s3], [sflag:s2] =	dma.local @!p0 [hbm:s0], s1  }
0x19d: {  	s0 =	simm.s32 @!p0 $0x3  }
0x19e: {  	_ =	swait.ge @!p0 [sflag:s0], s1  }
0x19f: {  	s1 =	ssub.s32 @!p0 $0x0, s1;
	[sflag:s0] =	ssyncset.done @!p0 $0x0  }
0x1a0: {  	[sflag:s0] =	ssyncadd.s32 @!p0 s1  }
0x1a1: {  	[bflag:$0x3] =	sbarrier.arrive $0xFFFF  }
0x1a2: {  	_ =	shalt  }

</sc_bundles>
